<compile_context>
chip_gen: v7x
topology: tpu7x:2x2x1
jax: 0.10.2.dev20260603
libtpu: 0.0.44.dev20260713+nightly
codegen_flags: <defaults>
</compile_context>

<pallas_src>
import functools

import jax
import jax.numpy as jnp
from jax import lax
from jax.experimental import pallas as pl
from jax.experimental.pallas import tpu as pltpu
from jax.experimental.pallas import tpu_sc as plsc

_NC = 2
_NS = 16
_B = 80


def _idx_body(ei_ref, et_ref, o_ref, *, n_nodes):
    o_ref[...] = et_ref[...] * n_nodes + ei_ref[0]


def _flat_index(edge_index, edge_type, n_nodes):
    e = edge_type.shape[0]
    return pl.pallas_call(
        functools.partial(_idx_body, n_nodes=n_nodes),
        out_shape=jax.ShapeDtypeStruct((e,), jnp.int32),
    )(edge_index, edge_type)


def _mm_plain_body(x_ref, w_ref, y_ref):
    y_ref[...] = jnp.dot(x_ref[...], w_ref[0], preferred_element_type=jnp.float32)


def _rel_transform(x, Wr, bn):
    n, d = x.shape
    r, _, do = Wr.shape
    nblk = n // bn
    return pl.pallas_call(
        _mm_plain_body,
        grid=(nblk, r),
        in_specs=[
            pl.BlockSpec((bn, d), lambda i, j: (i, 0)),
            pl.BlockSpec((1, d, do), lambda i, j: (j, 0, 0)),
        ],
        out_specs=pl.BlockSpec((bn, do), lambda i, j: (j * nblk + i, 0)),
        out_shape=jax.ShapeDtypeStruct((r * n, do), jnp.float32),
    )(x, Wr)


def _mm_fused_body(p_ref, w_ref, y_ref):
    h = jnp.maximum(p_ref[0] + p_ref[1], 0.0)
    y_ref[...] = jnp.dot(h, w_ref[0], preferred_element_type=jnp.float32)


def _rel_transform_fused(p, Wr, bn):
    _, n, d = p.shape
    r, _, do = Wr.shape
    nblk = n // bn
    return pl.pallas_call(
        _mm_fused_body,
        grid=(nblk, r),
        in_specs=[
            pl.BlockSpec((2, bn, d), lambda i, j: (0, i, 0)),
            pl.BlockSpec((1, d, do), lambda i, j: (j, 0, 0)),
        ],
        out_specs=pl.BlockSpec((bn, do), lambda i, j: (j * nblk + i, 0)),
        out_shape=jax.ShapeDtypeStruct((r * n, do), jnp.float32),
    )(p, Wr)


def _add_body(q_ref, o_ref, *, d_out):
    o_ref[...] = (q_ref[0] + q_ref[1])[:, :d_out]


def _partial_add(q, bn, d_out):
    _, n, d = q.shape
    return pl.pallas_call(
        functools.partial(_add_body, d_out=d_out),
        grid=(n // bn,),
        in_specs=[pl.BlockSpec((2, bn, d), lambda i: (0, i, 0))],
        out_specs=pl.BlockSpec((bn, d_out), lambda i: (i, 0)),
        out_shape=jax.ShapeDtypeStruct((n, d_out), jnp.float32),
    )(q)


def _sc_aggregate(table, idx3, dst3, n_nodes):
    d = table.shape[1]
    tiles, nb_h, b = idx3.shape
    nb = ((nb_h + 3) // 4) * 4
    chunks = -(-n_nodes // (b * _NS))
    acc_rows = chunks * b * _NS
    assert n_nodes + (nb - nb_h) * b <= acc_rows
    rpt = ((n_nodes // _NS + 7) // 8) * 8
    rlast = n_nodes - rpt * (_NS - 1)
    assert rlast > 0 and rlast % 8 == 0

    @functools.partial(
        pl.kernel,
        out_type=jax.ShapeDtypeStruct((_NC, n_nodes, d), jnp.float32),
        mesh=plsc.VectorSubcoreMesh(core_axis_name="c", subcore_axis_name="s"),
        scratch_types=[
            pltpu.VMEM((nb, b), jnp.int32),
            pltpu.VMEM((nb, b), jnp.int32),
            pltpu.VMEM((b, d), jnp.float32),
            pltpu.VMEM((b, d), jnp.float32),
            pltpu.VMEM((b, d), jnp.float32),
            pltpu.VMEM((b, d), jnp.float32),
            pltpu.VMEM_SHARED((acc_rows, d), jnp.float32),
            pltpu.SemaphoreType.DMA,
            pltpu.SemaphoreType.DMA,
            pltpu.SemaphoreType.DMA,
            pltpu.SemaphoreType.DMA,
        ],
        compiler_params=pltpu.CompilerParams(use_tc_tiling_on_sc=False),
    )
    def sc_k(table_h, idx_h, dst_h, out_h, idx_v, dst_v, b0, b1, b2, b3, acc,
             s0, s1, s2, s3):
        bufs = (b0, b1, b2, b3)
        sems = (s0, s1, s2, s3)
        c = lax.axis_index("c")
        s = lax.axis_index("s")
        w = c * _NS + s

        pltpu.sync_copy(idx_h.at[w], idx_v.at[pl.ds(0, nb_h)])
        pltpu.sync_copy(dst_h.at[w], dst_v.at[pl.ds(0, nb_h)])
        lane = lax.iota(jnp.int32, 16)
        for j in range(nb_h, nb):
            for i in range(b // 16):
                off = (j - nb_h) * b + i * 16
                idx_v[j, pl.ds(i * 16, 16)] = off + lane
                dst_v[j, pl.ds(i * 16, 16)] = n_nodes + off + lane

        zvec = jnp.zeros((16,), jnp.float32)

        def _zrow(i, carry):
            for k2 in range(d // 16):
                b0[i, pl.ds(k2 * 16, 16)] = zvec
            return carry

        lax.fori_loop(0, b, _zrow, 0)

        def _zdma(i, carry):
            pltpu.sync_copy(b0, acc.at[pl.ds(pl.multiple_of((s * chunks + i) * b, 8), b)])
            return carry

        lax.fori_loop(0, chunks, _zdma, 0)
        plsc.subcore_barrier()

        for t in range(3):
            pltpu.async_copy(table_h.at[idx_v.at[t]], bufs[t], sems[t])

        def _grp(g, carry):
            j0 = g * 4
            for t in range(4):
                j = j0 + t
                tp = (t + 3) % 4

                @pl.when(j + 3 < nb)
                def _():
                    pltpu.async_copy(table_h.at[idx_v.at[j + 3]], bufs[tp], sems[tp])

                pltpu.make_async_copy(table_h.at[idx_v.at[j]], bufs[t], sems[t]).wait()
                pltpu.sync_copy(bufs[t], acc.at[dst_v.at[j]], add=True)
            return carry

        lax.fori_loop(0, nb // 4, _grp, 0)

        plsc.subcore_barrier()
        base = pl.multiple_of(s * rpt, 8)

        @pl.when(s < _NS - 1)
        def _():
            pltpu.sync_copy(acc.at[pl.ds(base, rpt)], out_h.at[c].at[pl.ds(base, rpt)])

        @pl.when(s == _NS - 1)
        def _():
            lbase = (_NS - 1) * rpt
            pltpu.sync_copy(acc.at[pl.ds(lbase, rlast)], out_h.at[c].at[pl.ds(lbase, rlast)])

    return sc_k(table, idx3, dst3)


def kernel(x, edge_index, edge_type, W1, W2):
    n, d_in = x.shape
    e = edge_type.shape[0]
    d_hid = W1.shape[1]
    d_out = W2.shape[1]
    r = W1.shape[0] // d_in

    src = edge_index[0]
    dst = edge_index[1]
    W1r = W1.reshape(r, d_in, d_hid)
    d2 = 48
    W2r = jnp.pad(W2.reshape(r, d_hid, d_out), ((0, 0), (0, 0), (0, d2 - d_out)))

    tiles = _NC * _NS
    epw = e // tiles
    assert epw % _B == 0
    idx3 = _flat_index(edge_index, edge_type, n).reshape(tiles, epw // _B, _B)
    dst3 = dst.reshape(tiles, epw // _B, _B)

    y1 = _rel_transform(x, W1r, n)
    p1 = _sc_aggregate(y1, idx3, dst3, n)
    y2 = _rel_transform_fused(p1, W2r, n)
    p2 = _sc_aggregate(y2, idx3, dst3, n)
    return _partial_add(p2, n, d_out)

# --- scband reference (transcript-rebuilt; emitter-appended) ---
"""Pipeline reference for scband-mrgcn-68994354642994 (READ-ONLY COPY).

The authoritative reference and input builder live on the scoring server;
editing this copy changes nothing except your own understanding.
"""

import jax, jax.numpy as jnp
import numpy as np

N = 10000
R = 8
D_IN = 128
D_HID = 64
D_OUT = 40
E = 320000


def setup_inputs(seed: int = 0) -> dict:
    key = jax.random.key(seed)
    k1, k2, k3, k4, k5 = jax.random.split(key, 5)
    x = jax.random.normal(k1, (N, D_IN), dtype=jnp.float32)
    edge_index = jax.random.randint(k2, (2, E), 0, N, dtype=jnp.int32)
    edge_type = jax.random.randint(k3, (E,), 0, R, dtype=jnp.int32)
    # RGCN layer weights: per-relation weights stacked as [R*d_in, d_out]
    # (Kipf-style relational GCN: concat per-relation aggregations then matmul)
    W1 = jax.random.normal(k4, (R * D_IN, D_HID), dtype=jnp.float32) / np.sqrt(R * D_IN)
    W2 = jax.random.normal(k5, (R * D_HID, D_OUT), dtype=jnp.float32) / np.sqrt(R * D_HID)
    return {"x": x, "edge_index": edge_index, "edge_type": edge_type, "W1": W1, "W2": W2}


def _rgcn_layer(h, W, edge_index, edge_type):
    # A is the block-stacked relational adjacency [N, R*N]; implemented sparsely:
    # gather messages along edges, scatter-add into per-(node, relation) segments,
    # concat per-relation aggregations -> [N, R*d], then dense matmul with W.
    d = h.shape[1]
    src = edge_index[0]
    dst = edge_index[1]
    msgs = jnp.take(h, src, axis=0)  # [E, d] gather
    seg = dst * R + edge_type  # combined (node, relation) segment id
    agg = jax.ops.segment_sum(msgs, seg, num_segments=N * R)  # [N*R, d] scatter-add
    agg = agg.reshape(N, R * d)
    return agg @ W


def reference(x, edge_index, edge_type, W1, W2):
    # MRGCN full-batch forward with no modality encoders (embedding_modules=[]):
    # X = X[0]; out = RGCN(X, A) with 2 relational graph-conv layers.
    h = jax.nn.relu(_rgcn_layer(x, W1, edge_index, edge_type))
    out = _rgcn_layer(h, W2, edge_index, edge_type)
    return out

if __name__ == "__main__":
    import jax
    _d = setup_inputs()
    print(jax.jit(kernel)(*tuple(_d.values())))

</pallas_src>

<mosaic_0001>
#map = affine_map<(d0, d1) -> (0, 0)>
#map1 = affine_map<(d0, d1) -> (0, 0, 0)>
module attributes {stable_mosaic.version = 14 : i64} {
  func.func @sc_k(%arg0: i32, %arg1: i32, %arg2: memref<80000x64xf32, #tpu.memory_space<hbm>>, %arg3: memref<32x125x80xi32, #tpu.memory_space<hbm>>, %arg4: memref<32x125x80xi32, #tpu.memory_space<hbm>>, %arg5: memref<2x10000x64xf32, #tpu.memory_space<hbm>>, %arg6: memref<128x80xi32, #tpu.memory_space<vmem>>, %arg7: memref<128x80xi32, #tpu.memory_space<vmem>>, %arg8: memref<80x64xf32, #tpu.memory_space<vmem>>, %arg9: memref<80x64xf32, #tpu.memory_space<vmem>>, %arg10: memref<80x64xf32, #tpu.memory_space<vmem>>, %arg11: memref<80x64xf32, #tpu.memory_space<vmem>>, %arg12: memref<10240x64xf32, #tpu.memory_space<vmem_shared>>, %arg13: memref<!tpu.dma_semaphore, #tpu.memory_space<semaphore_mem>>, %arg14: memref<!tpu.dma_semaphore, #tpu.memory_space<semaphore_mem>>, %arg15: memref<!tpu.dma_semaphore, #tpu.memory_space<semaphore_mem>>, %arg16: memref<!tpu.dma_semaphore, #tpu.memory_space<semaphore_mem>>) attributes {dimension_semantics = [#tpu.dimension_semantics<core_parallel>, #tpu.dimension_semantics<subcore_parallel>], iteration_bounds = array<i64: 2, 16>, scalar_prefetch = 0 : i64, scratch_operands = 11 : i64, tpu.core_type = #tpu.core_type<sc_vector_subcore>, window_params = [{transform_indices = #map}, {transform_indices = #map1}, {transform_indices = #map1}, {transform_indices = #map1}]} {
    %mul3A = arith.constant 16 : i32
    %mul3A_0 = arith.muli %arg0, %mul3A : i32
    %add3A = arith.addi %mul3A_0, %arg1 : i32
    "tpu.region"() ({
      %run_scoped3A = tpu.sem_alloc : memref<!tpu.dma_semaphore, #tpu.memory_space<semaphore_mem>>
      %dma_start3A_317 = arith.constant 0 : i32
      %dma_start3A_318 = arith.constant 0 : i32
      %dma_start3A_319 = tpu.memref_slice %arg6[%dma_start3A_317, %dma_start3A_318] : memref<128x80xi32, #tpu.memory_space<vmem>> -> memref<125x80xi32, #tpu.memory_space<vmem>>
      %dma_start3A_320 = arith.constant 0 : i32
      %dma_start3A_321 = arith.constant 0 : i32
      %dma_start3A_322 = tpu.memref_slice %arg3[%add3A, %dma_start3A_320, %dma_start3A_321] : memref<32x125x80xi32, #tpu.memory_space<hbm>> -> memref<1x125x80xi32, #tpu.memory_space<hbm>>
      %dma_start3A_323 = tpu.memref_squeeze %dma_start3A_322 : memref<1x125x80xi32, #tpu.memory_space<hbm>> -> memref<125x80xi32, #tpu.memory_space<hbm>>
      %dma_start3A_324 = arith.constant 0 : i32
      %dma_start3A_325 = arith.constant 0 : i32
      %dma_start3A_326 = tpu.memref_slice %arg6[%dma_start3A_324, %dma_start3A_325] : memref<128x80xi32, #tpu.memory_space<vmem>> -> memref<125x80xi32, #tpu.memory_space<vmem>>
      %dma_start3A_327 = arith.constant 0 : i32
      %dma_start3A_328 = arith.constant 0 : i32
      %dma_start3A_329 = tpu.memref_slice %arg3[%add3A, %dma_start3A_327, %dma_start3A_328] : memref<32x125x80xi32, #tpu.memory_space<hbm>> -> memref<1x125x80xi32, #tpu.memory_space<hbm>>
      %dma_start3A_330 = tpu.memref_squeeze %dma_start3A_329 : memref<1x125x80xi32, #tpu.memory_space<hbm>> -> memref<125x80xi32, #tpu.memory_space<hbm>>
      tpu.enqueue_dma source(%dma_start3A_330 : memref<125x80xi32, #tpu.memory_space<hbm>>) target(%dma_start3A_326 : memref<125x80xi32, #tpu.memory_space<vmem>>) target_semaphore(%run_scoped3A : memref<!tpu.dma_semaphore, #tpu.memory_space<semaphore_mem>>)
      %dma_wait3A = arith.constant 0 : i32
      %dma_wait3A_331 = arith.constant 0 : i32
      %dma_wait3A_332 = tpu.memref_slice %arg6[%dma_wait3A, %dma_wait3A_331] : memref<128x80xi32, #tpu.memory_space<vmem>> -> memref<125x80xi32, #tpu.memory_space<vmem>>
      %dma_wait3A_333 = arith.constant 0 : i32
      %dma_wait3A_334 = arith.constant 0 : i32
      %dma_wait3A_335 = tpu.memref_slice %arg3[%add3A, %dma_wait3A_333, %dma_wait3A_334] : memref<32x125x80xi32, #tpu.memory_space<hbm>> -> memref<1x125x80xi32, #tpu.memory_space<hbm>>
      %dma_wait3A_336 = tpu.memref_squeeze %dma_wait3A_335 : memref<1x125x80xi32, #tpu.memory_space<hbm>> -> memref<125x80xi32, #tpu.memory_space<hbm>>
      %dma_wait3A_337 = arith.constant 0 : i32
      %dma_wait3A_338 = arith.constant 0 : i32
      %dma_wait3A_339 = tpu.memref_slice %arg6[%dma_wait3A_337, %dma_wait3A_338] : memref<128x80xi32, #tpu.memory_space<vmem>> -> memref<125x80xi32, #tpu.memory_space<vmem>>
      %dma_wait3A_340 = arith.constant 0 : i32
      %dma_wait3A_341 = arith.constant 0 : i32
      %dma_wait3A_342 = tpu.memref_slice %arg3[%add3A, %dma_wait3A_340, %dma_wait3A_341] : memref<32x125x80xi32, #tpu.memory_space<hbm>> -> memref<1x125x80xi32, #tpu.memory_space<hbm>>
      %dma_wait3A_343 = tpu.memref_squeeze %dma_wait3A_342 : memref<1x125x80xi32, #tpu.memory_space<hbm>> -> memref<125x80xi32, #tpu.memory_space<hbm>>
      tpu.wait_dma2 semaphore(%run_scoped3A : memref<!tpu.dma_semaphore, #tpu.memory_space<semaphore_mem>>) src(%dma_wait3A_343 : memref<125x80xi32, #tpu.memory_space<hbm>>) dst(%dma_wait3A_339 : memref<125x80xi32, #tpu.memory_space<vmem>>)
      tpu.yield
    }) : () -> ()
    "tpu.region"() ({
      %run_scoped3A = tpu.sem_alloc : memref<!tpu.dma_semaphore, #tpu.memory_space<semaphore_mem>>
      %dma_start3A_317 = arith.constant 0 : i32
      %dma_start3A_318 = arith.constant 0 : i32
      %dma_start3A_319 = tpu.memref_slice %arg7[%dma_start3A_317, %dma_start3A_318] : memref<128x80xi32, #tpu.memory_space<vmem>> -> memref<125x80xi32, #tpu.memory_space<vmem>>
      %dma_start3A_320 = arith.constant 0 : i32
      %dma_start3A_321 = arith.constant 0 : i32
      %dma_start3A_322 = tpu.memref_slice %arg4[%add3A, %dma_start3A_320, %dma_start3A_321] : memref<32x125x80xi32, #tpu.memory_space<hbm>> -> memref<1x125x80xi32, #tpu.memory_space<hbm>>
      %dma_start3A_323 = tpu.memref_squeeze %dma_start3A_322 : memref<1x125x80xi32, #tpu.memory_space<hbm>> -> memref<125x80xi32, #tpu.memory_space<hbm>>
      %dma_start3A_324 = arith.constant 0 : i32
      %dma_start3A_325 = arith.constant 0 : i32
      %dma_start3A_326 = tpu.memref_slice %arg7[%dma_start3A_324, %dma_start3A_325] : memref<128x80xi32, #tpu.memory_space<vmem>> -> memref<125x80xi32, #tpu.memory_space<vmem>>
      %dma_start3A_327 = arith.constant 0 : i32
      %dma_start3A_328 = arith.constant 0 : i32
      %dma_start3A_329 = tpu.memref_slice %arg4[%add3A, %dma_start3A_327, %dma_start3A_328] : memref<32x125x80xi32, #tpu.memory_space<hbm>> -> memref<1x125x80xi32, #tpu.memory_space<hbm>>
      %dma_start3A_330 = tpu.memref_squeeze %dma_start3A_329 : memref<1x125x80xi32, #tpu.memory_space<hbm>> -> memref<125x80xi32, #tpu.memory_space<hbm>>
      tpu.enqueue_dma source(%dma_start3A_330 : memref<125x80xi32, #tpu.memory_space<hbm>>) target(%dma_start3A_326 : memref<125x80xi32, #tpu.memory_space<vmem>>) target_semaphore(%run_scoped3A : memref<!tpu.dma_semaphore, #tpu.memory_space<semaphore_mem>>)
      %dma_wait3A = arith.constant 0 : i32
      %dma_wait3A_331 = arith.constant 0 : i32
      %dma_wait3A_332 = tpu.memref_slice %arg7[%dma_wait3A, %dma_wait3A_331] : memref<128x80xi32, #tpu.memory_space<vmem>> -> memref<125x80xi32, #tpu.memory_space<vmem>>
      %dma_wait3A_333 = arith.constant 0 : i32
      %dma_wait3A_334 = arith.constant 0 : i32
      %dma_wait3A_335 = tpu.memref_slice %arg4[%add3A, %dma_wait3A_333, %dma_wait3A_334] : memref<32x125x80xi32, #tpu.memory_space<hbm>> -> memref<1x125x80xi32, #tpu.memory_space<hbm>>
      %dma_wait3A_336 = tpu.memref_squeeze %dma_wait3A_335 : memref<1x125x80xi32, #tpu.memory_space<hbm>> -> memref<125x80xi32, #tpu.memory_space<hbm>>
      %dma_wait3A_337 = arith.constant 0 : i32
      %dma_wait3A_338 = arith.constant 0 : i32
      %dma_wait3A_339 = tpu.memref_slice %arg7[%dma_wait3A_337, %dma_wait3A_338] : memref<128x80xi32, #tpu.memory_space<vmem>> -> memref<125x80xi32, #tpu.memory_space<vmem>>
      %dma_wait3A_340 = arith.constant 0 : i32
      %dma_wait3A_341 = arith.constant 0 : i32
      %dma_wait3A_342 = tpu.memref_slice %arg4[%add3A, %dma_wait3A_340, %dma_wait3A_341] : memref<32x125x80xi32, #tpu.memory_space<hbm>> -> memref<1x125x80xi32, #tpu.memory_space<hbm>>
      %dma_wait3A_343 = tpu.memref_squeeze %dma_wait3A_342 : memref<1x125x80xi32, #tpu.memory_space<hbm>> -> memref<125x80xi32, #tpu.memory_space<hbm>>
      tpu.wait_dma2 semaphore(%run_scoped3A : memref<!tpu.dma_semaphore, #tpu.memory_space<semaphore_mem>>) src(%dma_wait3A_343 : memref<125x80xi32, #tpu.memory_space<hbm>>) dst(%dma_wait3A_339 : memref<125x80xi32, #tpu.memory_space<vmem>>)
      tpu.yield
    }) : () -> ()
    %iota3A = tpu.iota {dimensions = array<i32: 0>} : vector<16xi32>
    %add3A_1 = arith.constant 0 : i32
    %add3A_2 = vector.broadcast %add3A_1 : i32 to vector<16xi32>
    %add3A_3 = arith.addi %add3A_2, %iota3A : vector<16xi32>
    %swap3A = arith.constant 125 : i32
    %swap3A_4 = arith.index_cast %swap3A : i32 to index
    %swap3A_5 = arith.constant 0 : index
    %swap3A_6 = tpu.vector_load %arg6[%swap3A_4, %swap3A_5] {strides = array<i32>} : memref<128x80xi32, #tpu.memory_space<vmem>>, vector<1x16xi32>,
    %swap3A_7 = vector.shape_cast %swap3A_6 : vector<1x16xi32> to vector<16xi32>
    %swap3A_8 = vector.shape_cast %add3A_3 : vector<16xi32> to vector<1x16xi32>
    tpu.vector_store %arg6[%swap3A_4, %swap3A_5], %swap3A_8 {strides = array<i32>} : memref<128x80xi32, #tpu.memory_space<vmem>>, vector<1x16xi32>,
    %add3A_9 = arith.constant 10000 : i32
    %add3A_10 = vector.broadcast %add3A_9 : i32 to vector<16xi32>
    %add3A_11 = arith.addi %add3A_10, %iota3A : vector<16xi32>
    %swap3A_12 = arith.constant 125 : i32
    %swap3A_13 = arith.index_cast %swap3A_12 : i32 to index
    %swap3A_14 = arith.constant 0 : index
    %swap3A_15 = tpu.vector_load %arg7[%swap3A_13, %swap3A_14] {strides = array<i32>} : memref<128x80xi32, #tpu.memory_space<vmem>>, vector<1x16xi32>,
    %swap3A_16 = vector.shape_cast %swap3A_15 : vector<1x16xi32> to vector<16xi32>
    %swap3A_17 = vector.shape_cast %add3A_11 : vector<16xi32> to vector<1x16xi32>
    tpu.vector_store %arg7[%swap3A_13, %swap3A_14], %swap3A_17 {strides = array<i32>} : memref<128x80xi32, #tpu.memory_space<vmem>>, vector<1x16xi32>,
    %add3A_18 = arith.constant 16 : i32
    %add3A_19 = vector.broadcast %add3A_18 : i32 to vector<16xi32>
    %add3A_20 = arith.addi %add3A_19, %iota3A : vector<16xi32>
    %swap3A_21 = arith.constant 125 : i32
    %swap3A_22 = arith.index_cast %swap3A_21 : i32 to index
    %swap3A_23 = arith.constant 16 : index
    %swap3A_24 = tpu.vector_load %arg6[%swap3A_22, %swap3A_23] {strides = array<i32>} : memref<128x80xi32, #tpu.memory_space<vmem>>, vector<1x16xi32>,
    %swap3A_25 = vector.shape_cast %swap3A_24 : vector<1x16xi32> to vector<16xi32>
    %swap3A_26 = vector.shape_cast %add3A_20 : vector<16xi32> to vector<1x16xi32>
    tpu.vector_store %arg6[%swap3A_22, %swap3A_23], %swap3A_26 {strides = array<i32>} : memref<128x80xi32, #tpu.memory_space<vmem>>, vector<1x16xi32>,
    %add3A_27 = arith.constant 10016 : i32
    %add3A_28 = vector.broadcast %add3A_27 : i32 to vector<16xi32>
    %add3A_29 = arith.addi %add3A_28, %iota3A : vector<16xi32>
    %swap3A_30 = arith.constant 125 : i32
    %swap3A_31 = arith.index_cast %swap3A_30 : i32 to index
    %swap3A_32 = arith.constant 16 : index
    %swap3A_33 = tpu.vector_load %arg7[%swap3A_31, %swap3A_32] {strides = array<i32>} : memref<128x80xi32, #tpu.memory_space<vmem>>, vector<1x16xi32>,
    %swap3A_34 = vector.shape_cast %swap3A_33 : vector<1x16xi32> to vector<16xi32>
    %swap3A_35 = vector.shape_cast %add3A_29 : vector<16xi32> to vector<1x16xi32>
    tpu.vector_store %arg7[%swap3A_31, %swap3A_32], %swap3A_35 {strides = array<i32>} : memref<128x80xi32, #tpu.memory_space<vmem>>, vector<1x16xi32>,
    %add3A_36 = arith.constant 32 : i32
    %add3A_37 = vector.broadcast %add3A_36 : i32 to vector<16xi32>
    %add3A_38 = arith.addi %add3A_37, %iota3A : vector<16xi32>
    %swap3A_39 = arith.constant 125 : i32
    %swap3A_40 = arith.index_cast %swap3A_39 : i32 to index
    %swap3A_41 = arith.constant 32 : index
    %swap3A_42 = tpu.vector_load %arg6[%swap3A_40, %swap3A_41] {strides = array<i32>} : memref<128x80xi32, #tpu.memory_space<vmem>>, vector<1x16xi32>,
    %swap3A_43 = vector.shape_cast %swap3A_42 : vector<1x16xi32> to vector<16xi32>
    %swap3A_44 = vector.shape_cast %add3A_38 : vector<16xi32> to vector<1x16xi32>
    tpu.vector_store %arg6[%swap3A_40, %swap3A_41], %swap3A_44 {strides = array<i32>} : memref<128x80xi32, #tpu.memory_space<vmem>>, vector<1x16xi32>,
    %add3A_45 = arith.constant 10032 : i32
    %add3A_46 = vector.broadcast %add3A_45 : i32 to vector<16xi32>
    %add3A_47 = arith.addi %add3A_46, %iota3A : vector<16xi32>
    %swap3A_48 = arith.constant 125 : i32
    %swap3A_49 = arith.index_cast %swap3A_48 : i32 to index
    %swap3A_50 = arith.constant 32 : index
    %swap3A_51 = tpu.vector_load %arg7[%swap3A_49, %swap3A_50] {strides = array<i32>} : memref<128x80xi32, #tpu.memory_space<vmem>>, vector<1x16xi32>,
    %swap3A_52 = vector.shape_cast %swap3A_51 : vector<1x16xi32> to vector<16xi32>
    %swap3A_53 = vector.shape_cast %add3A_47 : vector<16xi32> to vector<1x16xi32>
    tpu.vector_store %arg7[%swap3A_49, %swap3A_50], %swap3A_53 {strides = array<i32>} : memref<128x80xi32, #tpu.memory_space<vmem>>, vector<1x16xi32>,
    %add3A_54 = arith.constant 48 : i32
    %add3A_55 = vector.broadcast %add3A_54 : i32 to vector<16xi32>
    %add3A_56 = arith.addi %add3A_55, %iota3A : vector<16xi32>
    %swap3A_57 = arith.constant 125 : i32
    %swap3A_58 = arith.index_cast %swap3A_57 : i32 to index
    %swap3A_59 = arith.constant 48 : index
    %swap3A_60 = tpu.vector_load %arg6[%swap3A_58, %swap3A_59] {strides = array<i32>} : memref<128x80xi32, #tpu.memory_space<vmem>>, vector<1x16xi32>,
    %swap3A_61 = vector.shape_cast %swap3A_60 : vector<1x16xi32> to vector<16xi32>
    %swap3A_62 = vector.shape_cast %add3A_56 : vector<16xi32> to vector<1x16xi32>
    tpu.vector_store %arg6[%swap3A_58, %swap3A_59], %swap3A_62 {strides = array<i32>} : memref<128x80xi32, #tpu.memory_space<vmem>>, vector<1x16xi32>,
    %add3A_63 = arith.constant 10048 : i32
    %add3A_64 = vector.broadcast %add3A_63 : i32 to vector<16xi32>
    %add3A_65 = arith.addi %add3A_64, %iota3A : vector<16xi32>
    %swap3A_66 = arith.constant 125 : i32
    %swap3A_67 = arith.index_cast %swap3A_66 : i32 to index
    %swap3A_68 = arith.constant 48 : index
    %swap3A_69 = tpu.vector_load %arg7[%swap3A_67, %swap3A_68] {strides = array<i32>} : memref<128x80xi32, #tpu.memory_space<vmem>>, vector<1x16xi32>,
    %swap3A_70 = vector.shape_cast %swap3A_69 : vector<1x16xi32> to vector<16xi32>
    %swap3A_71 = vector.shape_cast %add3A_65 : vector<16xi32> to vector<1x16xi32>
    tpu.vector_store %arg7[%swap3A_67, %swap3A_68], %swap3A_71 {strides = array<i32>} : memref<128x80xi32, #tpu.memory_space<vmem>>, vector<1x16xi32>,
    %add3A_72 = arith.constant 64 : i32
    %add3A_73 = vector.broadcast %add3A_72 : i32 to vector<16xi32>
    %add3A_74 = arith.addi %add3A_73, %iota3A : vector<16xi32>
    %swap3A_75 = arith.constant 125 : i32
    %swap3A_76 = arith.index_cast %swap3A_75 : i32 to index
    %swap3A_77 = arith.constant 64 : index
    %swap3A_78 = tpu.vector_load %arg6[%swap3A_76, %swap3A_77] {strides = array<i32>} : memref<128x80xi32, #tpu.memory_space<vmem>>, vector<1x16xi32>,
    %swap3A_79 = vector.shape_cast %swap3A_78 : vector<1x16xi32> to vector<16xi32>
    %swap3A_80 = vector.shape_cast %add3A_74 : vector<16xi32> to vector<1x16xi32>
    tpu.vector_store %arg6[%swap3A_76, %swap3A_77], %swap3A_80 {strides = array<i32>} : memref<128x80xi32, #tpu.memory_space<vmem>>, vector<1x16xi32>,
    %add3A_81 = arith.constant 10064 : i32
    %add3A_82 = vector.broadcast %add3A_81 : i32 to vector<16xi32>
    %add3A_83 = arith.addi %add3A_82, %iota3A : vector<16xi32>
    %swap3A_84 = arith.constant 125 : i32
    %swap3A_85 = arith.index_cast %swap3A_84 : i32 to index
    %swap3A_86 = arith.constant 64 : index
    %swap3A_87 = tpu.vector_load %arg7[%swap3A_85, %swap3A_86] {strides = array<i32>} : memref<128x80xi32, #tpu.memory_space<vmem>>, vector<1x16xi32>,
    %swap3A_88 = vector.shape_cast %swap3A_87 : vector<1x16xi32> to vector<16xi32>
    %swap3A_89 = vector.shape_cast %add3A_83 : vector<16xi32> to vector<1x16xi32>
    tpu.vector_store %arg7[%swap3A_85, %swap3A_86], %swap3A_89 {strides = array<i32>} : memref<128x80xi32, #tpu.memory_space<vmem>>, vector<1x16xi32>,
    %add3A_90 = arith.constant 80 : i32
    %add3A_91 = vector.broadcast %add3A_90 : i32 to vector<16xi32>
    %add3A_92 = arith.addi %add3A_91, %iota3A : vector<16xi32>
    %swap3A_93 = arith.constant 126 : i32
    %swap3A_94 = arith.index_cast %swap3A_93 : i32 to index
    %swap3A_95 = arith.constant 0 : index
    %swap3A_96 = tpu.vector_load %arg6[%swap3A_94, %swap3A_95] {strides = array<i32>} : memref<128x80xi32, #tpu.memory_space<vmem>>, vector<1x16xi32>,
    %swap3A_97 = vector.shape_cast %swap3A_96 : vector<1x16xi32> to vector<16xi32>
    %swap3A_98 = vector.shape_cast %add3A_92 : vector<16xi32> to vector<1x16xi32>
    tpu.vector_store %arg6[%swap3A_94, %swap3A_95], %swap3A_98 {strides = array<i32>} : memref<128x80xi32, #tpu.memory_space<vmem>>, vector<1x16xi32>,
    %add3A_99 = arith.constant 10080 : i32
    %add3A_100 = vector.broadcast %add3A_99 : i32 to vector<16xi32>
    %add3A_101 = arith.addi %add3A_100, %iota3A : vector<16xi32>
    %swap3A_102 = arith.constant 126 : i32
    %swap3A_103 = arith.index_cast %swap3A_102 : i32 to index
    %swap3A_104 = arith.constant 0 : index
    %swap3A_105 = tpu.vector_load %arg7[%swap3A_103, %swap3A_104] {strides = array<i32>} : memref<128x80xi32, #tpu.memory_space<vmem>>, vector<1x16xi32>,
    %swap3A_106 = vector.shape_cast %swap3A_105 : vector<1x16xi32> to vector<16xi32>
    %swap3A_107 = vector.shape_cast %add3A_101 : vector<16xi32> to vector<1x16xi32>
    tpu.vector_store %arg7[%swap3A_103, %swap3A_104], %swap3A_107 {strides = array<i32>} : memref<128x80xi32, #tpu.memory_space<vmem>>, vector<1x16xi32>,
    %add3A_108 = arith.constant 96 : i32
    %add3A_109 = vector.broadcast %add3A_108 : i32 to vector<16xi32>
    %add3A_110 = arith.addi %add3A_109, %iota3A : vector<16xi32>
    %swap3A_111 = arith.constant 126 : i32
    %swap3A_112 = arith.index_cast %swap3A_111 : i32 to index
    %swap3A_113 = arith.constant 16 : index
    %swap3A_114 = tpu.vector_load %arg6[%swap3A_112, %swap3A_113] {strides = array<i32>} : memref<128x80xi32, #tpu.memory_space<vmem>>, vector<1x16xi32>,
    %swap3A_115 = vector.shape_cast %swap3A_114 : vector<1x16xi32> to vector<16xi32>
    %swap3A_116 = vector.shape_cast %add3A_110 : vector<16xi32> to vector<1x16xi32>
    tpu.vector_store %arg6[%swap3A_112, %swap3A_113], %swap3A_116 {strides = array<i32>} : memref<128x80xi32, #tpu.memory_space<vmem>>, vector<1x16xi32>,
    %add3A_117 = arith.constant 10096 : i32
    %add3A_118 = vector.broadcast %add3A_117 : i32 to vector<16xi32>
    %add3A_119 = arith.addi %add3A_118, %iota3A : vector<16xi32>
    %swap3A_120 = arith.constant 126 : i32
    %swap3A_121 = arith.index_cast %swap3A_120 : i32 to index
    %swap3A_122 = arith.constant 16 : index
    %swap3A_123 = tpu.vector_load %arg7[%swap3A_121, %swap3A_122] {strides = array<i32>} : memref<128x80xi32, #tpu.memory_space<vmem>>, vector<1x16xi32>,
    %swap3A_124 = vector.shape_cast %swap3A_123 : vector<1x16xi32> to vector<16xi32>
    %swap3A_125 = vector.shape_cast %add3A_119 : vector<16xi32> to vector<1x16xi32>
    tpu.vector_store %arg7[%swap3A_121, %swap3A_122], %swap3A_125 {strides = array<i32>} : memref<128x80xi32, #tpu.memory_space<vmem>>, vector<1x16xi32>,
    %add3A_126 = arith.constant 112 : i32
    %add3A_127 = vector.broadcast %add3A_126 : i32 to vector<16xi32>
    %add3A_128 = arith.addi %add3A_127, %iota3A : vector<16xi32>
    %swap3A_129 = arith.constant 126 : i32
    %swap3A_130 = arith.index_cast %swap3A_129 : i32 to index
    %swap3A_131 = arith.constant 32 : index
    %swap3A_132 = tpu.vector_load %arg6[%swap3A_130, %swap3A_131] {strides = array<i32>} : memref<128x80xi32, #tpu.memory_space<vmem>>, vector<1x16xi32>,
    %swap3A_133 = vector.shape_cast %swap3A_132 : vector<1x16xi32> to vector<16xi32>
    %swap3A_134 = vector.shape_cast %add3A_128 : vector<16xi32> to vector<1x16xi32>
    tpu.vector_store %arg6[%swap3A_130, %swap3A_131], %swap3A_134 {strides = array<i32>} : memref<128x80xi32, #tpu.memory_space<vmem>>, vector<1x16xi32>,
    %add3A_135 = arith.constant 10112 : i32
    %add3A_136 = vector.broadcast %add3A_135 : i32 to vector<16xi32>
    %add3A_137 = arith.addi %add3A_136, %iota3A : vector<16xi32>
    %swap3A_138 = arith.constant 126 : i32
    %swap3A_139 = arith.index_cast %swap3A_138 : i32 to index
    %swap3A_140 = arith.constant 32 : index
    %swap3A_141 = tpu.vector_load %arg7[%swap3A_139, %swap3A_140] {strides = array<i32>} : memref<128x80xi32, #tpu.memory_space<vmem>>, vector<1x16xi32>,
    %swap3A_142 = vector.shape_cast %swap3A_141 : vector<1x16xi32> to vector<16xi32>
    %swap3A_143 = vector.shape_cast %add3A_137 : vector<16xi32> to vector<1x16xi32>
    tpu.vector_store %arg7[%swap3A_139, %swap3A_140], %swap3A_143 {strides = array<i32>} : memref<128x80xi32, #tpu.memory_space<vmem>>, vector<1x16xi32>,
    %add3A_144 = arith.constant 128 : i32
    %add3A_145 = vector.broadcast %add3A_144 : i32 to vector<16xi32>
    %add3A_146 = arith.addi %add3A_145, %iota3A : vector<16xi32>
    %swap3A_147 = arith.constant 126 : i32
    %swap3A_148 = arith.index_cast %swap3A_147 : i32 to index
    %swap3A_149 = arith.constant 48 : index
    %swap3A_150 = tpu.vector_load %arg6[%swap3A_148, %swap3A_149] {strides = array<i32>} : memref<128x80xi32, #tpu.memory_space<vmem>>, vector<1x16xi32>,
    %swap3A_151 = vector.shape_cast %swap3A_150 : vector<1x16xi32> to vector<16xi32>
    %swap3A_152 = vector.shape_cast %add3A_146 : vector<16xi32> to vector<1x16xi32>
    tpu.vector_store %arg6[%swap3A_148, %swap3A_149], %swap3A_152 {strides = array<i32>} : memref<128x80xi32, #tpu.memory_space<vmem>>, vector<1x16xi32>,
    %add3A_153 = arith.constant 10128 : i32
    %add3A_154 = vector.broadcast %add3A_153 : i32 to vector<16xi32>
    %add3A_155 = arith.addi %add3A_154, %iota3A : vector<16xi32>
    %swap3A_156 = arith.constant 126 : i32
    %swap3A_157 = arith.index_cast %swap3A_156 : i32 to index
    %swap3A_158 = arith.constant 48 : index
    %swap3A_159 = tpu.vector_load %arg7[%swap3A_157, %swap3A_158] {strides = array<i32>} : memref<128x80xi32, #tpu.memory_space<vmem>>, vector<1x16xi32>,
    %swap3A_160 = vector.shape_cast %swap3A_159 : vector<1x16xi32> to vector<16xi32>
    %swap3A_161 = vector.shape_cast %add3A_155 : vector<16xi32> to vector<1x16xi32>
    tpu.vector_store %arg7[%swap3A_157, %swap3A_158], %swap3A_161 {strides = array<i32>} : memref<128x80xi32, #tpu.memory_space<vmem>>, vector<1x16xi32>,
    %add3A_162 = arith.constant 144 : i32
    %add3A_163 = vector.broadcast %add3A_162 : i32 to vector<16xi32>
    %add3A_164 = arith.addi %add3A_163, %iota3A : vector<16xi32>
    %swap3A_165 = arith.constant 126 : i32
    %swap3A_166 = arith.index_cast %swap3A_165 : i32 to index
    %swap3A_167 = arith.constant 64 : index
    %swap3A_168 = tpu.vector_load %arg6[%swap3A_166, %swap3A_167] {strides = array<i32>} : memref<128x80xi32, #tpu.memory_space<vmem>>, vector<1x16xi32>,
    %swap3A_169 = vector.shape_cast %swap3A_168 : vector<1x16xi32> to vector<16xi32>
    %swap3A_170 = vector.shape_cast %add3A_164 : vector<16xi32> to vector<1x16xi32>
    tpu.vector_store %arg6[%swap3A_166, %swap3A_167], %swap3A_170 {strides = array<i32>} : memref<128x80xi32, #tpu.memory_space<vmem>>, vector<1x16xi32>,
    %add3A_171 = arith.constant 10144 : i32
    %add3A_172 = vector.broadcast %add3A_171 : i32 to vector<16xi32>
    %add3A_173 = arith.addi %add3A_172, %iota3A : vector<16xi32>
    %swap3A_174 = arith.constant 126 : i32
    %swap3A_175 = arith.index_cast %swap3A_174 : i32 to index
    %swap3A_176 = arith.constant 64 : index
    %swap3A_177 = tpu.vector_load %arg7[%swap3A_175, %swap3A_176] {strides = array<i32>} : memref<128x80xi32, #tpu.memory_space<vmem>>, vector<1x16xi32>,
    %swap3A_178 = vector.shape_cast %swap3A_177 : vector<1x16xi32> to vector<16xi32>
    %swap3A_179 = vector.shape_cast %add3A_173 : vector<16xi32> to vector<1x16xi32>
    tpu.vector_store %arg7[%swap3A_175, %swap3A_176], %swap3A_179 {strides = array<i32>} : memref<128x80xi32, #tpu.memory_space<vmem>>, vector<1x16xi32>,
    %add3A_180 = arith.constant 160 : i32
    %add3A_181 = vector.broadcast %add3A_180 : i32 to vector<16xi32>
    %add3A_182 = arith.addi %add3A_181, %iota3A : vector<16xi32>
    %swap3A_183 = arith.constant 127 : i32
    %swap3A_184 = arith.index_cast %swap3A_183 : i32 to index
    %swap3A_185 = arith.constant 0 : index
    %swap3A_186 = tpu.vector_load %arg6[%swap3A_184, %swap3A_185] {strides = array<i32>} : memref<128x80xi32, #tpu.memory_space<vmem>>, vector<1x16xi32>,
    %swap3A_187 = vector.shape_cast %swap3A_186 : vector<1x16xi32> to vector<16xi32>
    %swap3A_188 = vector.shape_cast %add3A_182 : vector<16xi32> to vector<1x16xi32>
    tpu.vector_store %arg6[%swap3A_184, %swap3A_185], %swap3A_188 {strides = array<i32>} : memref<128x80xi32, #tpu.memory_space<vmem>>, vector<1x16xi32>,
    %add3A_189 = arith.constant 10160 : i32
    %add3A_190 = vector.broadcast %add3A_189 : i32 to vector<16xi32>
    %add3A_191 = arith.addi %add3A_190, %iota3A : vector<16xi32>
    %swap3A_192 = arith.constant 127 : i32
    %swap3A_193 = arith.index_cast %swap3A_192 : i32 to index
    %swap3A_194 = arith.constant 0 : index
    %swap3A_195 = tpu.vector_load %arg7[%swap3A_193, %swap3A_194] {strides = array<i32>} : memref<128x80xi32, #tpu.memory_space<vmem>>, vector<1x16xi32>,
    %swap3A_196 = vector.shape_cast %swap3A_195 : vector<1x16xi32> to vector<16xi32>
    %swap3A_197 = vector.shape_cast %add3A_191 : vector<16xi32> to vector<1x16xi32>
    tpu.vector_store %arg7[%swap3A_193, %swap3A_194], %swap3A_197 {strides = array<i32>} : memref<128x80xi32, #tpu.memory_space<vmem>>, vector<1x16xi32>,
    %add3A_198 = arith.constant 176 : i32
    %add3A_199 = vector.broadcast %add3A_198 : i32 to vector<16xi32>
    %add3A_200 = arith.addi %add3A_199, %iota3A : vector<16xi32>
    %swap3A_201 = arith.constant 127 : i32
    %swap3A_202 = arith.index_cast %swap3A_201 : i32 to index
    %swap3A_203 = arith.constant 16 : index
    %swap3A_204 = tpu.vector_load %arg6[%swap3A_202, %swap3A_203] {strides = array<i32>} : memref<128x80xi32, #tpu.memory_space<vmem>>, vector<1x16xi32>,
    %swap3A_205 = vector.shape_cast %swap3A_204 : vector<1x16xi32> to vector<16xi32>
    %swap3A_206 = vector.shape_cast %add3A_200 : vector<16xi32> to vector<1x16xi32>
    tpu.vector_store %arg6[%swap3A_202, %swap3A_203], %swap3A_206 {strides = array<i32>} : memref<128x80xi32, #tpu.memory_space<vmem>>, vector<1x16xi32>,
    %add3A_207 = arith.constant 10176 : i32
    %add3A_208 = vector.broadcast %add3A_207 : i32 to vector<16xi32>
    %add3A_209 = arith.addi %add3A_208, %iota3A : vector<16xi32>
    %swap3A_210 = arith.constant 127 : i32
    %swap3A_211 = arith.index_cast %swap3A_210 : i32 to index
    %swap3A_212 = arith.constant 16 : index
    %swap3A_213 = tpu.vector_load %arg7[%swap3A_211, %swap3A_212] {strides = array<i32>} : memref<128x80xi32, #tpu.memory_space<vmem>>, vector<1x16xi32>,
    %swap3A_214 = vector.shape_cast %swap3A_213 : vector<1x16xi32> to vector<16xi32>
    %swap3A_215 = vector.shape_cast %add3A_209 : vector<16xi32> to vector<1x16xi32>
    tpu.vector_store %arg7[%swap3A_211, %swap3A_212], %swap3A_215 {strides = array<i32>} : memref<128x80xi32, #tpu.memory_space<vmem>>, vector<1x16xi32>,
    %add3A_216 = arith.constant 192 : i32
    %add3A_217 = vector.broadcast %add3A_216 : i32 to vector<16xi32>
    %add3A_218 = arith.addi %add3A_217, %iota3A : vector<16xi32>
    %swap3A_219 = arith.constant 127 : i32
    %swap3A_220 = arith.index_cast %swap3A_219 : i32 to index
    %swap3A_221 = arith.constant 32 : index
    %swap3A_222 = tpu.vector_load %arg6[%swap3A_220, %swap3A_221] {strides = array<i32>} : memref<128x80xi32, #tpu.memory_space<vmem>>, vector<1x16xi32>,
    %swap3A_223 = vector.shape_cast %swap3A_222 : vector<1x16xi32> to vector<16xi32>
    %swap3A_224 = vector.shape_cast %add3A_218 : vector<16xi32> to vector<1x16xi32>
    tpu.vector_store %arg6[%swap3A_220, %swap3A_221], %swap3A_224 {strides = array<i32>} : memref<128x80xi32, #tpu.memory_space<vmem>>, vector<1x16xi32>,
    %add3A_225 = arith.constant 10192 : i32
    %add3A_226 = vector.broadcast %add3A_225 : i32 to vector<16xi32>
    %add3A_227 = arith.addi %add3A_226, %iota3A : vector<16xi32>
    %swap3A_228 = arith.constant 127 : i32
    %swap3A_229 = arith.index_cast %swap3A_228 : i32 to index
    %swap3A_230 = arith.constant 32 : index
    %swap3A_231 = tpu.vector_load %arg7[%swap3A_229, %swap3A_230] {strides = array<i32>} : memref<128x80xi32, #tpu.memory_space<vmem>>, vector<1x16xi32>,
    %swap3A_232 = vector.shape_cast %swap3A_231 : vector<1x16xi32> to vector<16xi32>
    %swap3A_233 = vector.shape_cast %add3A_227 : vector<16xi32> to vector<1x16xi32>
    tpu.vector_store %arg7[%swap3A_229, %swap3A_230], %swap3A_233 {strides = array<i32>} : memref<128x80xi32, #tpu.memory_space<vmem>>, vector<1x16xi32>,
    %add3A_234 = arith.constant 208 : i32
    %add3A_235 = vector.broadcast %add3A_234 : i32 to vector<16xi32>
    %add3A_236 = arith.addi %add3A_235, %iota3A : vector<16xi32>
    %swap3A_237 = arith.constant 127 : i32
    %swap3A_238 = arith.index_cast %swap3A_237 : i32 to index
    %swap3A_239 = arith.constant 48 : index
    %swap3A_240 = tpu.vector_load %arg6[%swap3A_238, %swap3A_239] {strides = array<i32>} : memref<128x80xi32, #tpu.memory_space<vmem>>, vector<1x16xi32>,
    %swap3A_241 = vector.shape_cast %swap3A_240 : vector<1x16xi32> to vector<16xi32>
    %swap3A_242 = vector.shape_cast %add3A_236 : vector<16xi32> to vector<1x16xi32>
    tpu.vector_store %arg6[%swap3A_238, %swap3A_239], %swap3A_242 {strides = array<i32>} : memref<128x80xi32, #tpu.memory_space<vmem>>, vector<1x16xi32>,
    %add3A_243 = arith.constant 10208 : i32
    %add3A_244 = vector.broadcast %add3A_243 : i32 to vector<16xi32>
    %add3A_245 = arith.addi %add3A_244, %iota3A : vector<16xi32>
    %swap3A_246 = arith.constant 127 : i32
    %swap3A_247 = arith.index_cast %swap3A_246 : i32 to index
    %swap3A_248 = arith.constant 48 : index
    %swap3A_249 = tpu.vector_load %arg7[%swap3A_247, %swap3A_248] {strides = array<i32>} : memref<128x80xi32, #tpu.memory_space<vmem>>, vector<1x16xi32>,
    %swap3A_250 = vector.shape_cast %swap3A_249 : vector<1x16xi32> to vector<16xi32>
    %swap3A_251 = vector.shape_cast %add3A_245 : vector<16xi32> to vector<1x16xi32>
    tpu.vector_store %arg7[%swap3A_247, %swap3A_248], %swap3A_251 {strides = array<i32>} : memref<128x80xi32, #tpu.memory_space<vmem>>, vector<1x16xi32>,
    %add3A_252 = arith.constant 224 : i32
    %add3A_253 = vector.broadcast %add3A_252 : i32 to vector<16xi32>
    %add3A_254 = arith.addi %add3A_253, %iota3A : vector<16xi32>
    %swap3A_255 = arith.constant 127 : i32
    %swap3A_256 = arith.index_cast %swap3A_255 : i32 to index
    %swap3A_257 = arith.constant 64 : index
    %swap3A_258 = tpu.vector_load %arg6[%swap3A_256, %swap3A_257] {strides = array<i32>} : memref<128x80xi32, #tpu.memory_space<vmem>>, vector<1x16xi32>,
    %swap3A_259 = vector.shape_cast %swap3A_258 : vector<1x16xi32> to vector<16xi32>
    %swap3A_260 = vector.shape_cast %add3A_254 : vector<16xi32> to vector<1x16xi32>
    tpu.vector_store %arg6[%swap3A_256, %swap3A_257], %swap3A_260 {strides = array<i32>} : memref<128x80xi32, #tpu.memory_space<vmem>>, vector<1x16xi32>,
    %add3A_261 = arith.constant 10224 : i32
    %add3A_262 = vector.broadcast %add3A_261 : i32 to vector<16xi32>
    %add3A_263 = arith.addi %add3A_262, %iota3A : vector<16xi32>
    %swap3A_264 = arith.constant 127 : i32
    %swap3A_265 = arith.index_cast %swap3A_264 : i32 to index
    %swap3A_266 = arith.constant 64 : index
    %swap3A_267 = tpu.vector_load %arg7[%swap3A_265, %swap3A_266] {strides = array<i32>} : memref<128x80xi32, #tpu.memory_space<vmem>>, vector<1x16xi32>,
    %swap3A_268 = vector.shape_cast %swap3A_267 : vector<1x16xi32> to vector<16xi32>
    %swap3A_269 = vector.shape_cast %add3A_263 : vector<16xi32> to vector<1x16xi32>
    tpu.vector_store %arg7[%swap3A_265, %swap3A_266], %swap3A_269 {strides = array<i32>} : memref<128x80xi32, #tpu.memory_space<vmem>>, vector<1x16xi32>,
    %broadcast_in_dim3A = arith.constant 0.000000e+00 : f32
    %broadcast_in_dim3A_270 = vector.broadcast %broadcast_in_dim3A : f32 to vector<16xf32>
    %scan3A = arith.constant 0 : i32
    %scan3A_271 = arith.constant 0 : i32
    %scan3A_272 = arith.constant 80 : i32
    %scan3A_273 = arith.addi %scan3A_271, %scan3A_272 : i32
    %scan3A_274 = arith.constant 1 : i32
    scf.for %scan3A_317 = %scan3A_271 to %scan3A_273 step %scan3A_274  : i32 {
      %swap3A_318 = arith.index_cast %scan3A_317 : i32 to index
      %swap3A_319 = arith.constant 0 : index
      %swap3A_320 = tpu.vector_load %arg8[%swap3A_318, %swap3A_319] {strides = array<i32>} : memref<80x64xf32, #tpu.memory_space<vmem>>, vector<1x16xf32>,
      %swap3A_321 = vector.shape_cast %swap3A_320 : vector<1x16xf32> to vector<16xf32>
      %swap3A_322 = vector.shape_cast %broadcast_in_dim3A_270 : vector<16xf32> to vector<1x16xf32>
      tpu.vector_store %arg8[%swap3A_318, %swap3A_319], %swap3A_322 {strides = array<i32>} : memref<80x64xf32, #tpu.memory_space<vmem>>, vector<1x16xf32>,
      %swap3A_323 = arith.index_cast %scan3A_317 : i32 to index
      %swap3A_324 = arith.constant 16 : index
      %swap3A_325 = tpu.vector_load %arg8[%swap3A_323, %swap3A_324] {strides = array<i32>} : memref<80x64xf32, #tpu.memory_space<vmem>>, vector<1x16xf32>,
      %swap3A_326 = vector.shape_cast %swap3A_325 : vector<1x16xf32> to vector<16xf32>
      %swap3A_327 = vector.shape_cast %broadcast_in_dim3A_270 : vector<16xf32> to vector<1x16xf32>
      tpu.vector_store %arg8[%swap3A_323, %swap3A_324], %swap3A_327 {strides = array<i32>} : memref<80x64xf32, #tpu.memory_space<vmem>>, vector<1x16xf32>,
      %swap3A_328 = arith.index_cast %scan3A_317 : i32 to index
      %swap3A_329 = arith.constant 32 : index
      %swap3A_330 = tpu.vector_load %arg8[%swap3A_328, %swap3A_329] {strides = array<i32>} : memref<80x64xf32, #tpu.memory_space<vmem>>, vector<1x16xf32>,
      %swap3A_331 = vector.shape_cast %swap3A_330 : vector<1x16xf32> to vector<16xf32>
      %swap3A_332 = vector.shape_cast %broadcast_in_dim3A_270 : vector<16xf32> to vector<1x16xf32>
      tpu.vector_store %arg8[%swap3A_328, %swap3A_329], %swap3A_332 {strides = array<i32>} : memref<80x64xf32, #tpu.memory_space<vmem>>, vector<1x16xf32>,
      %swap3A_333 = arith.index_cast %scan3A_317 : i32 to index
      %swap3A_334 = arith.constant 48 : index
      %swap3A_335 = tpu.vector_load %arg8[%swap3A_333, %swap3A_334] {strides = array<i32>} : memref<80x64xf32, #tpu.memory_space<vmem>>, vector<1x16xf32>,
      %swap3A_336 = vector.shape_cast %swap3A_335 : vector<1x16xf32> to vector<16xf32>
      %swap3A_337 = vector.shape_cast %broadcast_in_dim3A_270 : vector<16xf32> to vector<1x16xf32>
      tpu.vector_store %arg8[%swap3A_333, %swap3A_334], %swap3A_337 {strides = array<i32>} : memref<80x64xf32, #tpu.memory_space<vmem>>, vector<1x16xf32>,
    }
    %scan3A_275 = arith.constant 80 : i32
    %scan3A_276 = arith.constant 0 : i32
    %scan3A_277 = arith.constant 0 : i32
    %scan3A_278 = arith.constant 8 : i32
    %scan3A_279 = arith.addi %scan3A_277, %scan3A_278 : i32
    %scan3A_280 = arith.constant 1 : i32
    scf.for %scan3A_317 = %scan3A_277 to %scan3A_279 step %scan3A_280  : i32 {
      %mul3A_318 = arith.constant 8 : i32
      %mul3A_319 = arith.muli %arg1, %mul3A_318 : i32
      %add3A_320 = arith.addi %mul3A_319, %scan3A_317 : i32
      %mul3A_321 = arith.constant 80 : i32
      %mul3A_322 = arith.muli %add3A_320, %mul3A_321 : i32
      %multiple_of3A_323 = tpu.assume_multiple %mul3A_322, 8 : i32
      "tpu.region"() ({
        %run_scoped3A = tpu.sem_alloc : memref<!tpu.dma_semaphore, #tpu.memory_space<semaphore_mem>>
        %dma_start3A_324 = arith.constant 0 : i32
        %dma_start3A_325 = tpu.memref_slice %arg12[%multiple_of3A_323, %dma_start3A_324] : memref<10240x64xf32, #tpu.memory_space<vmem_shared>> -> memref<80x64xf32, #tpu.memory_space<vmem_shared>>
        %dma_start3A_326 = arith.constant 0 : i32
        %dma_start3A_327 = tpu.memref_slice %arg12[%multiple_of3A_323, %dma_start3A_326] : memref<10240x64xf32, #tpu.memory_space<vmem_shared>> -> memref<80x64xf32, #tpu.memory_space<vmem_shared>>
        tpu.enqueue_dma source(%arg8 : memref<80x64xf32, #tpu.memory_space<vmem>>) target(%dma_start3A_327 : memref<80x64xf32, #tpu.memory_space<vmem_shared>>) target_semaphore(%run_scoped3A : memref<!tpu.dma_semaphore, #tpu.memory_space<semaphore_mem>>)
        %dma_wait3A = arith.constant 0 : i32
        %dma_wait3A_328 = tpu.memref_slice %arg12[%multiple_of3A_323, %dma_wait3A] : memref<10240x64xf32, #tpu.memory_space<vmem_shared>> -> memref<80x64xf32, #tpu.memory_space<vmem_shared>>
        %dma_wait3A_329 = arith.constant 0 : i32
        %dma_wait3A_330 = tpu.memref_slice %arg12[%multiple_of3A_323, %dma_wait3A_329] : memref<10240x64xf32, #tpu.memory_space<vmem_shared>> -> memref<80x64xf32, #tpu.memory_space<vmem_shared>>
        tpu.wait_dma2 semaphore(%run_scoped3A : memref<!tpu.dma_semaphore, #tpu.memory_space<semaphore_mem>>) src(%arg8 : memref<80x64xf32, #tpu.memory_space<vmem>>) dst(%dma_wait3A_330 : memref<80x64xf32, #tpu.memory_space<vmem_shared>>)
        tpu.yield
      }) : () -> ()
    }
    %scan3A_281 = arith.constant 8 : i32
    %barrier3A = arith.constant 0 : index
    tpu.barrier barrier_id(%barrier3A)
    %dma_start3A = arith.constant 0 : i32
    %dma_start3A_282 = arith.constant 0 : i32
    %dma_start3A_283 = tpu.memref_slice %arg6[%dma_start3A, %dma_start3A_282] : memref<128x80xi32, #tpu.memory_space<vmem>> -> memref<1x80xi32, #tpu.memory_space<vmem>>
    %dma_start3A_284 = tpu.memref_squeeze %dma_start3A_283 : memref<1x80xi32, #tpu.memory_space<vmem>> -> memref<80xi32, #tpu.memory_space<vmem>>
    %dma_start3A_285 = arith.constant 0 : i32
    %dma_start3A_286 = arith.constant 0 : i32
    %dma_start3A_287 = tpu.memref_slice %arg2[%dma_start3A_285, %dma_start3A_286] : memref<80000x64xf32, #tpu.memory_space<hbm>> -> memref<80000x64xf32, #tpu.memory_space<hbm>>
    tpu.enqueue_indirect_dma source(%dma_start3A_287 : memref<80000x64xf32, #tpu.memory_space<hbm>>) target(%arg8 : memref<80x64xf32, #tpu.memory_space<vmem>>) offsets(%dma_start3A_284 : memref<80xi32, #tpu.memory_space<vmem>>) semaphore(%arg13 : memref<!tpu.dma_semaphore, #tpu.memory_space<semaphore_mem>>)
    %dma_start3A_288 = arith.constant 1 : i32
    %dma_start3A_289 = arith.constant 0 : i32
    %dma_start3A_290 = tpu.memref_slice %arg6[%dma_start3A_288, %dma_start3A_289] : memref<128x80xi32, #tpu.memory_space<vmem>> -> memref<1x80xi32, #tpu.memory_space<vmem>>
    %dma_start3A_291 = tpu.memref_squeeze %dma_start3A_290 : memref<1x80xi32, #tpu.memory_space<vmem>> -> memref<80xi32, #tpu.memory_space<vmem>>
    %dma_start3A_292 = arith.constant 0 : i32
    %dma_start3A_293 = arith.constant 0 : i32
    %dma_start3A_294 = tpu.memref_slice %arg2[%dma_start3A_292, %dma_start3A_293] : memref<80000x64xf32, #tpu.memory_space<hbm>> -> memref<80000x64xf32, #tpu.memory_space<hbm>>
    tpu.enqueue_indirect_dma source(%dma_start3A_294 : memref<80000x64xf32, #tpu.memory_space<hbm>>) target(%arg9 : memref<80x64xf32, #tpu.memory_space<vmem>>) offsets(%dma_start3A_291 : memref<80xi32, #tpu.memory_space<vmem>>) semaphore(%arg14 : memref<!tpu.dma_semaphore, #tpu.memory_space<semaphore_mem>>)
    %dma_start3A_295 = arith.constant 2 : i32
    %dma_start3A_296 = arith.constant 0 : i32
    %dma_start3A_297 = tpu.memref_slice %arg6[%dma_start3A_295, %dma_start3A_296] : memref<128x80xi32, #tpu.memory_space<vmem>> -> memref<1x80xi32, #tpu.memory_space<vmem>>
    %dma_start3A_298 = tpu.memref_squeeze %dma_start3A_297 : memref<1x80xi32, #tpu.memory_space<vmem>> -> memref<80xi32, #tpu.memory_space<vmem>>
    %dma_start3A_299 = arith.constant 0 : i32
    %dma_start3A_300 = arith.constant 0 : i32
    %dma_start3A_301 = tpu.memref_slice %arg2[%dma_start3A_299, %dma_start3A_300] : memref<80000x64xf32, #tpu.memory_space<hbm>> -> memref<80000x64xf32, #tpu.memory_space<hbm>>
    tpu.enqueue_indirect_dma source(%dma_start3A_301 : memref<80000x64xf32, #tpu.memory_space<hbm>>) target(%arg10 : memref<80x64xf32, #tpu.memory_space<vmem>>) offsets(%dma_start3A_298 : memref<80xi32, #tpu.memory_space<vmem>>) semaphore(%arg15 : memref<!tpu.dma_semaphore, #tpu.memory_space<semaphore_mem>>)
    %scan3A_302 = arith.constant 0 : i32
    %scan3A_303 = arith.constant 0 : i32
    %scan3A_304 = arith.constant 32 : i32
    %scan3A_305 = arith.addi %scan3A_303, %scan3A_304 : i32
    %scan3A_306 = arith.constant 1 : i32
    scf.for %scan3A_317 = %scan3A_303 to %scan3A_305 step %scan3A_306  : i32 {
      %mul3A_318 = arith.constant 4 : i32
      %mul3A_319 = arith.muli %scan3A_317, %mul3A_318 : i32
      %add3A_320 = arith.constant 0 : i32
      %add3A_321 = arith.addi %mul3A_319, %add3A_320 : i32
      %add3A_322 = arith.constant 3 : i32
      %add3A_323 = arith.addi %add3A_321, %add3A_322 : i32
      %lt3A_324 = arith.constant 128 : i32
      %lt3A_325 = arith.cmpi slt, %add3A_323, %lt3A_324 : i32
      %convert_element_type3A_326 = arith.extui %lt3A_325 : i1 to i32
      %cond3A_327 = arith.constant 0 : i32
      %cond3A_328 = arith.cmpi ne, %convert_element_type3A_326, %cond3A_327 : i32
      scf.if %cond3A_328 {
        %add3A_379 = arith.constant 3 : i32
        %add3A_380 = arith.addi %add3A_321, %add3A_379 : i32
        %dma_start3A_381 = arith.constant 0 : i32
        %dma_start3A_382 = tpu.memref_slice %arg6[%add3A_380, %dma_start3A_381] : memref<128x80xi32, #tpu.memory_space<vmem>> -> memref<1x80xi32, #tpu.memory_space<vmem>>
        %dma_start3A_383 = tpu.memref_squeeze %dma_start3A_382 : memref<1x80xi32, #tpu.memory_space<vmem>> -> memref<80xi32, #tpu.memory_space<vmem>>
        %dma_start3A_384 = arith.constant 0 : i32
        %dma_start3A_385 = arith.constant 0 : i32
        %dma_start3A_386 = tpu.memref_slice %arg2[%dma_start3A_384, %dma_start3A_385] : memref<80000x64xf32, #tpu.memory_space<hbm>> -> memref<80000x64xf32, #tpu.memory_space<hbm>>
        tpu.enqueue_indirect_dma source(%dma_start3A_386 : memref<80000x64xf32, #tpu.memory_space<hbm>>) target(%arg11 : memref<80x64xf32, #tpu.memory_space<vmem>>) offsets(%dma_start3A_383 : memref<80xi32, #tpu.memory_space<vmem>>) semaphore(%arg16 : memref<!tpu.dma_semaphore, #tpu.memory_space<semaphore_mem>>)
      } else {
      }
      %dma_wait3A = arith.constant 0 : i32
      %dma_wait3A_329 = tpu.memref_slice %arg6[%add3A_321, %dma_wait3A] : memref<128x80xi32, #tpu.memory_space<vmem>> -> memref<1x80xi32, #tpu.memory_space<vmem>>
      %dma_wait3A_330 = tpu.memref_squeeze %dma_wait3A_329 : memref<1x80xi32, #tpu.memory_space<vmem>> -> memref<80xi32, #tpu.memory_space<vmem>>
      %dma_wait3A_331 = arith.constant 0 : i32
      %dma_wait3A_332 = arith.constant 0 : i32
      %dma_wait3A_333 = tpu.memref_slice %arg2[%dma_wait3A_331, %dma_wait3A_332] : memref<80000x64xf32, #tpu.memory_space<hbm>> -> memref<80000x64xf32, #tpu.memory_space<hbm>>
      tpu.wait_indirect_dma semaphore(%arg13 : memref<!tpu.dma_semaphore, #tpu.memory_space<semaphore_mem>>) src(%dma_wait3A_333 : memref<80000x64xf32, #tpu.memory_space<hbm>>) dst(%arg8 : memref<80x64xf32, #tpu.memory_space<vmem>>)
      "tpu.region"() ({
        %run_scoped3A = tpu.sem_alloc : memref<!tpu.dma_semaphore, #tpu.memory_space<semaphore_mem>>
        %dma_start3A_379 = arith.constant 0 : i32
        %dma_start3A_380 = tpu.memref_slice %arg7[%add3A_321, %dma_start3A_379] : memref<128x80xi32, #tpu.memory_space<vmem>> -> memref<1x80xi32, #tpu.memory_space<vmem>>
        %dma_start3A_381 = tpu.memref_squeeze %dma_start3A_380 : memref<1x80xi32, #tpu.memory_space<vmem>> -> memref<80xi32, #tpu.memory_space<vmem>>
        %dma_start3A_382 = arith.constant 0 : i32
        %dma_start3A_383 = arith.constant 0 : i32
        %dma_start3A_384 = tpu.memref_slice %arg12[%dma_start3A_382, %dma_start3A_383] : memref<10240x64xf32, #tpu.memory_space<vmem_shared>> -> memref<10240x64xf32, #tpu.memory_space<vmem_shared>>
        tpu.enqueue_indirect_dma source(%arg8 : memref<80x64xf32, #tpu.memory_space<vmem>>) target(%dma_start3A_384 : memref<10240x64xf32, #tpu.memory_space<vmem_shared>>) offsets(%dma_start3A_381 : memref<80xi32, #tpu.memory_space<vmem>>) semaphore(%run_scoped3A : memref<!tpu.dma_semaphore, #tpu.memory_space<semaphore_mem>>) {add = true}
        %dma_wait3A_385 = arith.constant 0 : i32
        %dma_wait3A_386 = tpu.memref_slice %arg7[%add3A_321, %dma_wait3A_385] : memref<128x80xi32, #tpu.memory_space<vmem>> -> memref<1x80xi32, #tpu.memory_space<vmem>>
        %dma_wait3A_387 = tpu.memref_squeeze %dma_wait3A_386 : memref<1x80xi32, #tpu.memory_space<vmem>> -> memref<80xi32, #tpu.memory_space<vmem>>
        %dma_wait3A_388 = arith.constant 0 : i32
        %dma_wait3A_389 = arith.constant 0 : i32
        %dma_wait3A_390 = tpu.memref_slice %arg12[%dma_wait3A_388, %dma_wait3A_389] : memref<10240x64xf32, #tpu.memory_space<vmem_shared>> -> memref<10240x64xf32, #tpu.memory_space<vmem_shared>>
        tpu.wait_indirect_dma semaphore(%run_scoped3A : memref<!tpu.dma_semaphore, #tpu.memory_space<semaphore_mem>>) src(%arg8 : memref<80x64xf32, #tpu.memory_space<vmem>>) dst(%dma_wait3A_390 : memref<10240x64xf32, #tpu.memory_space<vmem_shared>>)
        tpu.yield
      }) : () -> ()
      %add3A_334 = arith.constant 1 : i32
      %add3A_335 = arith.addi %mul3A_319, %add3A_334 : i32
      %add3A_336 = arith.constant 3 : i32
      %add3A_337 = arith.addi %add3A_335, %add3A_336 : i32
      %lt3A_338 = arith.constant 128 : i32
      %lt3A_339 = arith.cmpi slt, %add3A_337, %lt3A_338 : i32
      %convert_element_type3A_340 = arith.extui %lt3A_339 : i1 to i32
      %cond3A_341 = arith.constant 0 : i32
      %cond3A_342 = arith.cmpi ne, %convert_element_type3A_340, %cond3A_341 : i32
      scf.if %cond3A_342 {
        %add3A_379 = arith.constant 3 : i32
        %add3A_380 = arith.addi %add3A_335, %add3A_379 : i32
        %dma_start3A_381 = arith.constant 0 : i32
        %dma_start3A_382 = tpu.memref_slice %arg6[%add3A_380, %dma_start3A_381] : memref<128x80xi32, #tpu.memory_space<vmem>> -> memref<1x80xi32, #tpu.memory_space<vmem>>
        %dma_start3A_383 = tpu.memref_squeeze %dma_start3A_382 : memref<1x80xi32, #tpu.memory_space<vmem>> -> memref<80xi32, #tpu.memory_space<vmem>>
        %dma_start3A_384 = arith.constant 0 : i32
        %dma_start3A_385 = arith.constant 0 : i32
        %dma_start3A_386 = tpu.memref_slice %arg2[%dma_start3A_384, %dma_start3A_385] : memref<80000x64xf32, #tpu.memory_space<hbm>> -> memref<80000x64xf32, #tpu.memory_space<hbm>>
        tpu.enqueue_indirect_dma source(%dma_start3A_386 : memref<80000x64xf32, #tpu.memory_space<hbm>>) target(%arg8 : memref<80x64xf32, #tpu.memory_space<vmem>>) offsets(%dma_start3A_383 : memref<80xi32, #tpu.memory_space<vmem>>) semaphore(%arg13 : memref<!tpu.dma_semaphore, #tpu.memory_space<semaphore_mem>>)
      } else {
      }
      %dma_wait3A_343 = arith.constant 0 : i32
      %dma_wait3A_344 = tpu.memref_slice %arg6[%add3A_335, %dma_wait3A_343] : memref<128x80xi32, #tpu.memory_space<vmem>> -> memref<1x80xi32, #tpu.memory_space<vmem>>
      %dma_wait3A_345 = tpu.memref_squeeze %dma_wait3A_344 : memref<1x80xi32, #tpu.memory_space<vmem>> -> memref<80xi32, #tpu.memory_space<vmem>>
      %dma_wait3A_346 = arith.constant 0 : i32
      %dma_wait3A_347 = arith.constant 0 : i32
      %dma_wait3A_348 = tpu.memref_slice %arg2[%dma_wait3A_346, %dma_wait3A_347] : memref<80000x64xf32, #tpu.memory_space<hbm>> -> memref<80000x64xf32, #tpu.memory_space<hbm>>
      tpu.wait_indirect_dma semaphore(%arg14 : memref<!tpu.dma_semaphore, #tpu.memory_space<semaphore_mem>>) src(%dma_wait3A_348 : memref<80000x64xf32, #tpu.memory_space<hbm>>) dst(%arg9 : memref<80x64xf32, #tpu.memory_space<vmem>>)
      "tpu.region"() ({
        %run_scoped3A = tpu.sem_alloc : memref<!tpu.dma_semaphore, #tpu.memory_space<semaphore_mem>>
        %dma_start3A_379 = arith.constant 0 : i32
        %dma_start3A_380 = tpu.memref_slice %arg7[%add3A_335, %dma_start3A_379] : memref<128x80xi32, #tpu.memory_space<vmem>> -> memref<1x80xi32, #tpu.memory_space<vmem>>
        %dma_start3A_381 = tpu.memref_squeeze %dma_start3A_380 : memref<1x80xi32, #tpu.memory_space<vmem>> -> memref<80xi32, #tpu.memory_space<vmem>>
        %dma_start3A_382 = arith.constant 0 : i32
        %dma_start3A_383 = arith.constant 0 : i32
        %dma_start3A_384 = tpu.memref_slice %arg12[%dma_start3A_382, %dma_start3A_383] : memref<10240x64xf32, #tpu.memory_space<vmem_shared>> -> memref<10240x64xf32, #tpu.memory_space<vmem_shared>>
        tpu.enqueue_indirect_dma source(%arg9 : memref<80x64xf32, #tpu.memory_space<vmem>>) target(%dma_start3A_384 : memref<10240x64xf32, #tpu.memory_space<vmem_shared>>) offsets(%dma_start3A_381 : memref<80xi32, #tpu.memory_space<vmem>>) semaphore(%run_scoped3A : memref<!tpu.dma_semaphore, #tpu.memory_space<semaphore_mem>>) {add = true}
        %dma_wait3A_385 = arith.constant 0 : i32
        %dma_wait3A_386 = tpu.memref_slice %arg7[%add3A_335, %dma_wait3A_385] : memref<128x80xi32, #tpu.memory_space<vmem>> -> memref<1x80xi32, #tpu.memory_space<vmem>>
        %dma_wait3A_387 = tpu.memref_squeeze %dma_wait3A_386 : memref<1x80xi32, #tpu.memory_space<vmem>> -> memref<80xi32, #tpu.memory_space<vmem>>
        %dma_wait3A_388 = arith.constant 0 : i32
        %dma_wait3A_389 = arith.constant 0 : i32
        %dma_wait3A_390 = tpu.memref_slice %arg12[%dma_wait3A_388, %dma_wait3A_389] : memref<10240x64xf32, #tpu.memory_space<vmem_shared>> -> memref<10240x64xf32, #tpu.memory_space<vmem_shared>>
        tpu.wait_indirect_dma semaphore(%run_scoped3A : memref<!tpu.dma_semaphore, #tpu.memory_space<semaphore_mem>>) src(%arg9 : memref<80x64xf32, #tpu.memory_space<vmem>>) dst(%dma_wait3A_390 : memref<10240x64xf32, #tpu.memory_space<vmem_shared>>)
        tpu.yield
      }) : () -> ()
      %add3A_349 = arith.constant 2 : i32
      %add3A_350 = arith.addi %mul3A_319, %add3A_349 : i32
      %add3A_351 = arith.constant 3 : i32
      %add3A_352 = arith.addi %add3A_350, %add3A_351 : i32
      %lt3A_353 = arith.constant 128 : i32
      %lt3A_354 = arith.cmpi slt, %add3A_352, %lt3A_353 : i32
      %convert_element_type3A_355 = arith.extui %lt3A_354 : i1 to i32
      %cond3A_356 = arith.constant 0 : i32
      %cond3A_357 = arith.cmpi ne, %convert_element_type3A_355, %cond3A_356 : i32
      scf.if %cond3A_357 {
        %add3A_379 = arith.constant 3 : i32
        %add3A_380 = arith.addi %add3A_350, %add3A_379 : i32
        %dma_start3A_381 = arith.constant 0 : i32
        %dma_start3A_382 = tpu.memref_slice %arg6[%add3A_380, %dma_start3A_381] : memref<128x80xi32, #tpu.memory_space<vmem>> -> memref<1x80xi32, #tpu.memory_space<vmem>>
        %dma_start3A_383 = tpu.memref_squeeze %dma_start3A_382 : memref<1x80xi32, #tpu.memory_space<vmem>> -> memref<80xi32, #tpu.memory_space<vmem>>
        %dma_start3A_384 = arith.constant 0 : i32
        %dma_start3A_385 = arith.constant 0 : i32
        %dma_start3A_386 = tpu.memref_slice %arg2[%dma_start3A_384, %dma_start3A_385] : memref<80000x64xf32, #tpu.memory_space<hbm>> -> memref<80000x64xf32, #tpu.memory_space<hbm>>
        tpu.enqueue_indirect_dma source(%dma_start3A_386 : memref<80000x64xf32, #tpu.memory_space<hbm>>) target(%arg9 : memref<80x64xf32, #tpu.memory_space<vmem>>) offsets(%dma_start3A_383 : memref<80xi32, #tpu.memory_space<vmem>>) semaphore(%arg14 : memref<!tpu.dma_semaphore, #tpu.memory_space<semaphore_mem>>)
      } else {
      }
      %dma_wait3A_358 = arith.constant 0 : i32
      %dma_wait3A_359 = tpu.memref_slice %arg6[%add3A_350, %dma_wait3A_358] : memref<128x80xi32, #tpu.memory_space<vmem>> -> memref<1x80xi32, #tpu.memory_space<vmem>>
      %dma_wait3A_360 = tpu.memref_squeeze %dma_wait3A_359 : memref<1x80xi32, #tpu.memory_space<vmem>> -> memref<80xi32, #tpu.memory_space<vmem>>
      %dma_wait3A_361 = arith.constant 0 : i32
      %dma_wait3A_362 = arith.constant 0 : i32
      %dma_wait3A_363 = tpu.memref_slice %arg2[%dma_wait3A_361, %dma_wait3A_362] : memref<80000x64xf32, #tpu.memory_space<hbm>> -> memref<80000x64xf32, #tpu.memory_space<hbm>>
      tpu.wait_indirect_dma semaphore(%arg15 : memref<!tpu.dma_semaphore, #tpu.memory_space<semaphore_mem>>) src(%dma_wait3A_363 : memref<80000x64xf32, #tpu.memory_space<hbm>>) dst(%arg10 : memref<80x64xf32, #tpu.memory_space<vmem>>)
      "tpu.region"() ({
        %run_scoped3A = tpu.sem_alloc : memref<!tpu.dma_semaphore, #tpu.memory_space<semaphore_mem>>
        %dma_start3A_379 = arith.constant 0 : i32
        %dma_start3A_380 = tpu.memref_slice %arg7[%add3A_350, %dma_start3A_379] : memref<128x80xi32, #tpu.memory_space<vmem>> -> memref<1x80xi32, #tpu.memory_space<vmem>>
        %dma_start3A_381 = tpu.memref_squeeze %dma_start3A_380 : memref<1x80xi32, #tpu.memory_space<vmem>> -> memref<80xi32, #tpu.memory_space<vmem>>
        %dma_start3A_382 = arith.constant 0 : i32
        %dma_start3A_383 = arith.constant 0 : i32
        %dma_start3A_384 = tpu.memref_slice %arg12[%dma_start3A_382, %dma_start3A_383] : memref<10240x64xf32, #tpu.memory_space<vmem_shared>> -> memref<10240x64xf32, #tpu.memory_space<vmem_shared>>
        tpu.enqueue_indirect_dma source(%arg10 : memref<80x64xf32, #tpu.memory_space<vmem>>) target(%dma_start3A_384 : memref<10240x64xf32, #tpu.memory_space<vmem_shared>>) offsets(%dma_start3A_381 : memref<80xi32, #tpu.memory_space<vmem>>) semaphore(%run_scoped3A : memref<!tpu.dma_semaphore, #tpu.memory_space<semaphore_mem>>) {add = true}
        %dma_wait3A_385 = arith.constant 0 : i32
        %dma_wait3A_386 = tpu.memref_slice %arg7[%add3A_350, %dma_wait3A_385] : memref<128x80xi32, #tpu.memory_space<vmem>> -> memref<1x80xi32, #tpu.memory_space<vmem>>
        %dma_wait3A_387 = tpu.memref_squeeze %dma_wait3A_386 : memref<1x80xi32, #tpu.memory_space<vmem>> -> memref<80xi32, #tpu.memory_space<vmem>>
        %dma_wait3A_388 = arith.constant 0 : i32
        %dma_wait3A_389 = arith.constant 0 : i32
        %dma_wait3A_390 = tpu.memref_slice %arg12[%dma_wait3A_388, %dma_wait3A_389] : memref<10240x64xf32, #tpu.memory_space<vmem_shared>> -> memref<10240x64xf32, #tpu.memory_space<vmem_shared>>
        tpu.wait_indirect_dma semaphore(%run_scoped3A : memref<!tpu.dma_semaphore, #tpu.memory_space<semaphore_mem>>) src(%arg10 : memref<80x64xf32, #tpu.memory_space<vmem>>) dst(%dma_wait3A_390 : memref<10240x64xf32, #tpu.memory_space<vmem_shared>>)
        tpu.yield
      }) : () -> ()
      %add3A_364 = arith.constant 3 : i32
      %add3A_365 = arith.addi %mul3A_319, %add3A_364 : i32
      %add3A_366 = arith.constant 3 : i32
      %add3A_367 = arith.addi %add3A_365, %add3A_366 : i32
      %lt3A_368 = arith.constant 128 : i32
      %lt3A_369 = arith.cmpi slt, %add3A_367, %lt3A_368 : i32
      %convert_element_type3A_370 = arith.extui %lt3A_369 : i1 to i32
      %cond3A_371 = arith.constant 0 : i32
      %cond3A_372 = arith.cmpi ne, %convert_element_type3A_370, %cond3A_371 : i32
      scf.if %cond3A_372 {
        %add3A_379 = arith.constant 3 : i32
        %add3A_380 = arith.addi %add3A_365, %add3A_379 : i32
        %dma_start3A_381 = arith.constant 0 : i32
        %dma_start3A_382 = tpu.memref_slice %arg6[%add3A_380, %dma_start3A_381] : memref<128x80xi32, #tpu.memory_space<vmem>> -> memref<1x80xi32, #tpu.memory_space<vmem>>
        %dma_start3A_383 = tpu.memref_squeeze %dma_start3A_382 : memref<1x80xi32, #tpu.memory_space<vmem>> -> memref<80xi32, #tpu.memory_space<vmem>>
        %dma_start3A_384 = arith.constant 0 : i32
        %dma_start3A_385 = arith.constant 0 : i32
        %dma_start3A_386 = tpu.memref_slice %arg2[%dma_start3A_384, %dma_start3A_385] : memref<80000x64xf32, #tpu.memory_space<hbm>> -> memref<80000x64xf32, #tpu.memory_space<hbm>>
        tpu.enqueue_indirect_dma source(%dma_start3A_386 : memref<80000x64xf32, #tpu.memory_space<hbm>>) target(%arg10 : memref<80x64xf32, #tpu.memory_space<vmem>>) offsets(%dma_start3A_383 : memref<80xi32, #tpu.memory_space<vmem>>) semaphore(%arg15 : memref<!tpu.dma_semaphore, #tpu.memory_space<semaphore_mem>>)
      } else {
      }
      %dma_wait3A_373 = arith.constant 0 : i32
      %dma_wait3A_374 = tpu.memref_slice %arg6[%add3A_365, %dma_wait3A_373] : memref<128x80xi32, #tpu.memory_space<vmem>> -> memref<1x80xi32, #tpu.memory_space<vmem>>
      %dma_wait3A_375 = tpu.memref_squeeze %dma_wait3A_374 : memref<1x80xi32, #tpu.memory_space<vmem>> -> memref<80xi32, #tpu.memory_space<vmem>>
      %dma_wait3A_376 = arith.constant 0 : i32
      %dma_wait3A_377 = arith.constant 0 : i32
      %dma_wait3A_378 = tpu.memref_slice %arg2[%dma_wait3A_376, %dma_wait3A_377] : memref<80000x64xf32, #tpu.memory_space<hbm>> -> memref<80000x64xf32, #tpu.memory_space<hbm>>
      tpu.wait_indirect_dma semaphore(%arg16 : memref<!tpu.dma_semaphore, #tpu.memory_space<semaphore_mem>>) src(%dma_wait3A_378 : memref<80000x64xf32, #tpu.memory_space<hbm>>) dst(%arg11 : memref<80x64xf32, #tpu.memory_space<vmem>>)
      "tpu.region"() ({
        %run_scoped3A = tpu.sem_alloc : memref<!tpu.dma_semaphore, #tpu.memory_space<semaphore_mem>>
        %dma_start3A_379 = arith.constant 0 : i32
        %dma_start3A_380 = tpu.memref_slice %arg7[%add3A_365, %dma_start3A_379] : memref<128x80xi32, #tpu.memory_space<vmem>> -> memref<1x80xi32, #tpu.memory_space<vmem>>
        %dma_start3A_381 = tpu.memref_squeeze %dma_start3A_380 : memref<1x80xi32, #tpu.memory_space<vmem>> -> memref<80xi32, #tpu.memory_space<vmem>>
        %dma_start3A_382 = arith.constant 0 : i32
        %dma_start3A_383 = arith.constant 0 : i32
        %dma_start3A_384 = tpu.memref_slice %arg12[%dma_start3A_382, %dma_start3A_383] : memref<10240x64xf32, #tpu.memory_space<vmem_shared>> -> memref<10240x64xf32, #tpu.memory_space<vmem_shared>>
        tpu.enqueue_indirect_dma source(%arg11 : memref<80x64xf32, #tpu.memory_space<vmem>>) target(%dma_start3A_384 : memref<10240x64xf32, #tpu.memory_space<vmem_shared>>) offsets(%dma_start3A_381 : memref<80xi32, #tpu.memory_space<vmem>>) semaphore(%run_scoped3A : memref<!tpu.dma_semaphore, #tpu.memory_space<semaphore_mem>>) {add = true}
        %dma_wait3A_385 = arith.constant 0 : i32
        %dma_wait3A_386 = tpu.memref_slice %arg7[%add3A_365, %dma_wait3A_385] : memref<128x80xi32, #tpu.memory_space<vmem>> -> memref<1x80xi32, #tpu.memory_space<vmem>>
        %dma_wait3A_387 = tpu.memref_squeeze %dma_wait3A_386 : memref<1x80xi32, #tpu.memory_space<vmem>> -> memref<80xi32, #tpu.memory_space<vmem>>
        %dma_wait3A_388 = arith.constant 0 : i32
        %dma_wait3A_389 = arith.constant 0 : i32
        %dma_wait3A_390 = tpu.memref_slice %arg12[%dma_wait3A_388, %dma_wait3A_389] : memref<10240x64xf32, #tpu.memory_space<vmem_shared>> -> memref<10240x64xf32, #tpu.memory_space<vmem_shared>>
        tpu.wait_indirect_dma semaphore(%run_scoped3A : memref<!tpu.dma_semaphore, #tpu.memory_space<semaphore_mem>>) src(%arg11 : memref<80x64xf32, #tpu.memory_space<vmem>>) dst(%dma_wait3A_390 : memref<10240x64xf32, #tpu.memory_space<vmem_shared>>)
        tpu.yield
      }) : () -> ()
    }
    %scan3A_307 = arith.constant 32 : i32
    %barrier3A_308 = arith.constant 0 : index
    tpu.barrier barrier_id(%barrier3A_308)
    %mul3A_309 = arith.constant 632 : i32
    %mul3A_310 = arith.muli %arg1, %mul3A_309 : i32
    %multiple_of3A = tpu.assume_multiple %mul3A_310, 8 : i32
    %lt3A = arith.constant 15 : i32
    %lt3A_311 = arith.cmpi slt, %arg1, %lt3A : i32
    %convert_element_type3A = arith.extui %lt3A_311 : i1 to i32
    %cond3A = arith.constant 0 : i32
    %cond3A_312 = arith.cmpi ne, %convert_element_type3A, %cond3A : i32
    scf.if %cond3A_312 {
      "tpu.region"() ({
        %run_scoped3A = tpu.sem_alloc : memref<!tpu.dma_semaphore, #tpu.memory_space<semaphore_mem>>
        %dma_start3A_317 = arith.constant 0 : i32
        %dma_start3A_318 = arith.constant 0 : i32
        %dma_start3A_319 = tpu.memref_slice %arg5[%arg0, %dma_start3A_317, %dma_start3A_318] : memref<2x10000x64xf32, #tpu.memory_space<hbm>> -> memref<1x10000x64xf32, #tpu.memory_space<hbm>>
        %dma_start3A_320 = tpu.memref_squeeze %dma_start3A_319 : memref<1x10000x64xf32, #tpu.memory_space<hbm>> -> memref<10000x64xf32, #tpu.memory_space<hbm>>
        %dma_start3A_321 = arith.constant 0 : i32
        %dma_start3A_322 = tpu.memref_slice %dma_start3A_320[%multiple_of3A, %dma_start3A_321] : memref<10000x64xf32, #tpu.memory_space<hbm>> -> memref<632x64xf32, #tpu.memory_space<hbm>>
        %dma_start3A_323 = arith.constant 0 : i32
        %dma_start3A_324 = tpu.memref_slice %arg12[%multiple_of3A, %dma_start3A_323] : memref<10240x64xf32, #tpu.memory_space<vmem_shared>> -> memref<632x64xf32, #tpu.memory_space<vmem_shared>>
        tpu.enqueue_dma source(%dma_start3A_324 : memref<632x64xf32, #tpu.memory_space<vmem_shared>>) target(%dma_start3A_322 : memref<632x64xf32, #tpu.memory_space<hbm>>) target_semaphore(%run_scoped3A : memref<!tpu.dma_semaphore, #tpu.memory_space<semaphore_mem>>)
        %dma_wait3A = arith.constant 0 : i32
        %dma_wait3A_325 = arith.constant 0 : i32
        %dma_wait3A_326 = tpu.memref_slice %arg5[%arg0, %dma_wait3A, %dma_wait3A_325] : memref<2x10000x64xf32, #tpu.memory_space<hbm>> -> memref<1x10000x64xf32, #tpu.memory_space<hbm>>
        %dma_wait3A_327 = tpu.memref_squeeze %dma_wait3A_326 : memref<1x10000x64xf32, #tpu.memory_space<hbm>> -> memref<10000x64xf32, #tpu.memory_space<hbm>>
        %dma_wait3A_328 = arith.constant 0 : i32
        %dma_wait3A_329 = tpu.memref_slice %dma_wait3A_327[%multiple_of3A, %dma_wait3A_328] : memref<10000x64xf32, #tpu.memory_space<hbm>> -> memref<632x64xf32, #tpu.memory_space<hbm>>
        %dma_wait3A_330 = arith.constant 0 : i32
        %dma_wait3A_331 = tpu.memref_slice %arg12[%multiple_of3A, %dma_wait3A_330] : memref<10240x64xf32, #tpu.memory_space<vmem_shared>> -> memref<632x64xf32, #tpu.memory_space<vmem_shared>>
        tpu.wait_dma2 semaphore(%run_scoped3A : memref<!tpu.dma_semaphore, #tpu.memory_space<semaphore_mem>>) src(%dma_wait3A_331 : memref<632x64xf32, #tpu.memory_space<vmem_shared>>) dst(%dma_wait3A_329 : memref<632x64xf32, #tpu.memory_space<hbm>>)
        tpu.yield
      }) : () -> ()
    } else {
    }
    %eq3A = arith.constant 15 : i32
    %eq3A_313 = arith.cmpi eq, %arg1, %eq3A : i32
    %convert_element_type3A_314 = arith.extui %eq3A_313 : i1 to i32
    %cond3A_315 = arith.constant 0 : i32
    %cond3A_316 = arith.cmpi ne, %convert_element_type3A_314, %cond3A_315 : i32
    scf.if %cond3A_316 {
      "tpu.region"() ({
        %run_scoped3A = tpu.sem_alloc : memref<!tpu.dma_semaphore, #tpu.memory_space<semaphore_mem>>
        %dma_start3A_317 = arith.constant 0 : i32
        %dma_start3A_318 = arith.constant 0 : i32
        %dma_start3A_319 = tpu.memref_slice %arg5[%arg0, %dma_start3A_317, %dma_start3A_318] : memref<2x10000x64xf32, #tpu.memory_space<hbm>> -> memref<1x10000x64xf32, #tpu.memory_space<hbm>>
        %dma_start3A_320 = tpu.memref_squeeze %dma_start3A_319 : memref<1x10000x64xf32, #tpu.memory_space<hbm>> -> memref<10000x64xf32, #tpu.memory_space<hbm>>
        %dma_start3A_321 = arith.constant 9480 : i32
        %dma_start3A_322 = arith.constant 0 : i32
        %dma_start3A_323 = tpu.memref_slice %dma_start3A_320[%dma_start3A_321, %dma_start3A_322] : memref<10000x64xf32, #tpu.memory_space<hbm>> -> memref<520x64xf32, #tpu.memory_space<hbm>>
        %dma_start3A_324 = arith.constant 9480 : i32
        %dma_start3A_325 = arith.constant 0 : i32
        %dma_start3A_326 = tpu.memref_slice %arg12[%dma_start3A_324, %dma_start3A_325] : memref<10240x64xf32, #tpu.memory_space<vmem_shared>> -> memref<520x64xf32, #tpu.memory_space<vmem_shared>>
        tpu.enqueue_dma source(%dma_start3A_326 : memref<520x64xf32, #tpu.memory_space<vmem_shared>>) target(%dma_start3A_323 : memref<520x64xf32, #tpu.memory_space<hbm>>) target_semaphore(%run_scoped3A : memref<!tpu.dma_semaphore, #tpu.memory_space<semaphore_mem>>)
        %dma_wait3A = arith.constant 0 : i32
        %dma_wait3A_327 = arith.constant 0 : i32
        %dma_wait3A_328 = tpu.memref_slice %arg5[%arg0, %dma_wait3A, %dma_wait3A_327] : memref<2x10000x64xf32, #tpu.memory_space<hbm>> -> memref<1x10000x64xf32, #tpu.memory_space<hbm>>
        %dma_wait3A_329 = tpu.memref_squeeze %dma_wait3A_328 : memref<1x10000x64xf32, #tpu.memory_space<hbm>> -> memref<10000x64xf32, #tpu.memory_space<hbm>>
        %dma_wait3A_330 = arith.constant 9480 : i32
        %dma_wait3A_331 = arith.constant 0 : i32
        %dma_wait3A_332 = tpu.memref_slice %dma_wait3A_329[%dma_wait3A_330, %dma_wait3A_331] : memref<10000x64xf32, #tpu.memory_space<hbm>> -> memref<520x64xf32, #tpu.memory_space<hbm>>
        %dma_wait3A_333 = arith.constant 9480 : i32
        %dma_wait3A_334 = arith.constant 0 : i32
        %dma_wait3A_335 = tpu.memref_slice %arg12[%dma_wait3A_333, %dma_wait3A_334] : memref<10240x64xf32, #tpu.memory_space<vmem_shared>> -> memref<520x64xf32, #tpu.memory_space<vmem_shared>>
        tpu.wait_dma2 semaphore(%run_scoped3A : memref<!tpu.dma_semaphore, #tpu.memory_space<semaphore_mem>>) src(%dma_wait3A_335 : memref<520x64xf32, #tpu.memory_space<vmem_shared>>) dst(%dma_wait3A_332 : memref<520x64xf32, #tpu.memory_space<hbm>>)
        tpu.yield
      }) : () -> ()
    } else {
    }
    return
  }
}

#map = affine_map<(d0, d1) -> (0, 0)>
#map1 = affine_map<(d0, d1) -> (0, 0, 0)>
module attributes {stable_mosaic.version = 14 : i64} {
  func.func @sc_k(%arg0: i32, %arg1: i32, %arg2: memref<80000x48xf32, #tpu.memory_space<hbm>>, %arg3: memref<32x125x80xi32, #tpu.memory_space<hbm>>, %arg4: memref<32x125x80xi32, #tpu.memory_space<hbm>>, %arg5: memref<2x10000x48xf32, #tpu.memory_space<hbm>>, %arg6: memref<128x80xi32, #tpu.memory_space<vmem>>, %arg7: memref<128x80xi32, #tpu.memory_space<vmem>>, %arg8: memref<80x48xf32, #tpu.memory_space<vmem>>, %arg9: memref<80x48xf32, #tpu.memory_space<vmem>>, %arg10: memref<80x48xf32, #tpu.memory_space<vmem>>, %arg11: memref<80x48xf32, #tpu.memory_space<vmem>>, %arg12: memref<10240x48xf32, #tpu.memory_space<vmem_shared>>, %arg13: memref<!tpu.dma_semaphore, #tpu.memory_space<semaphore_mem>>, %arg14: memref<!tpu.dma_semaphore, #tpu.memory_space<semaphore_mem>>, %arg15: memref<!tpu.dma_semaphore, #tpu.memory_space<semaphore_mem>>, %arg16: memref<!tpu.dma_semaphore, #tpu.memory_space<semaphore_mem>>) attributes {dimension_semantics = [#tpu.dimension_semantics<core_parallel>, #tpu.dimension_semantics<subcore_parallel>], iteration_bounds = array<i64: 2, 16>, scalar_prefetch = 0 : i64, scratch_operands = 11 : i64, tpu.core_type = #tpu.core_type<sc_vector_subcore>, window_params = [{transform_indices = #map}, {transform_indices = #map1}, {transform_indices = #map1}, {transform_indices = #map1}]} {
    %mul3A = arith.constant 16 : i32
    %mul3A_0 = arith.muli %arg0, %mul3A : i32
    %add3A = arith.addi %mul3A_0, %arg1 : i32
    "tpu.region"() ({
      %run_scoped3A = tpu.sem_alloc : memref<!tpu.dma_semaphore, #tpu.memory_space<semaphore_mem>>
      %dma_start3A_317 = arith.constant 0 : i32
      %dma_start3A_318 = arith.constant 0 : i32
      %dma_start3A_319 = tpu.memref_slice %arg6[%dma_start3A_317, %dma_start3A_318] : memref<128x80xi32, #tpu.memory_space<vmem>> -> memref<125x80xi32, #tpu.memory_space<vmem>>
      %dma_start3A_320 = arith.constant 0 : i32
      %dma_start3A_321 = arith.constant 0 : i32
      %dma_start3A_322 = tpu.memref_slice %arg3[%add3A, %dma_start3A_320, %dma_start3A_321] : memref<32x125x80xi32, #tpu.memory_space<hbm>> -> memref<1x125x80xi32, #tpu.memory_space<hbm>>
      %dma_start3A_323 = tpu.memref_squeeze %dma_start3A_322 : memref<1x125x80xi32, #tpu.memory_space<hbm>> -> memref<125x80xi32, #tpu.memory_space<hbm>>
      %dma_start3A_324 = arith.constant 0 : i32
      %dma_start3A_325 = arith.constant 0 : i32
      %dma_start3A_326 = tpu.memref_slice %arg6[%dma_start3A_324, %dma_start3A_325] : memref<128x80xi32, #tpu.memory_space<vmem>> -> memref<125x80xi32, #tpu.memory_space<vmem>>
      %dma_start3A_327 = arith.constant 0 : i32
      %dma_start3A_328 = arith.constant 0 : i32
      %dma_start3A_329 = tpu.memref_slice %arg3[%add3A, %dma_start3A_327, %dma_start3A_328] : memref<32x125x80xi32, #tpu.memory_space<hbm>> -> memref<1x125x80xi32, #tpu.memory_space<hbm>>
      %dma_start3A_330 = tpu.memref_squeeze %dma_start3A_329 : memref<1x125x80xi32, #tpu.memory_space<hbm>> -> memref<125x80xi32, #tpu.memory_space<hbm>>
      tpu.enqueue_dma source(%dma_start3A_330 : memref<125x80xi32, #tpu.memory_space<hbm>>) target(%dma_start3A_326 : memref<125x80xi32, #tpu.memory_space<vmem>>) target_semaphore(%run_scoped3A : memref<!tpu.dma_semaphore, #tpu.memory_space<semaphore_mem>>)
      %dma_wait3A = arith.constant 0 : i32
      %dma_wait3A_331 = arith.constant 0 : i32
      %dma_wait3A_332 = tpu.memref_slice %arg6[%dma_wait3A, %dma_wait3A_331] : memref<128x80xi32, #tpu.memory_space<vmem>> -> memref<125x80xi32, #tpu.memory_space<vmem>>
      %dma_wait3A_333 = arith.constant 0 : i32
      %dma_wait3A_334 = arith.constant 0 : i32
      %dma_wait3A_335 = tpu.memref_slice %arg3[%add3A, %dma_wait3A_333, %dma_wait3A_334] : memref<32x125x80xi32, #tpu.memory_space<hbm>> -> memref<1x125x80xi32, #tpu.memory_space<hbm>>
      %dma_wait3A_336 = tpu.memref_squeeze %dma_wait3A_335 : memref<1x125x80xi32, #tpu.memory_space<hbm>> -> memref<125x80xi32, #tpu.memory_space<hbm>>
      %dma_wait3A_337 = arith.constant 0 : i32
      %dma_wait3A_338 = arith.constant 0 : i32
      %dma_wait3A_339 = tpu.memref_slice %arg6[%dma_wait3A_337, %dma_wait3A_338] : memref<128x80xi32, #tpu.memory_space<vmem>> -> memref<125x80xi32, #tpu.memory_space<vmem>>
      %dma_wait3A_340 = arith.constant 0 : i32
      %dma_wait3A_341 = arith.constant 0 : i32
      %dma_wait3A_342 = tpu.memref_slice %arg3[%add3A, %dma_wait3A_340, %dma_wait3A_341] : memref<32x125x80xi32, #tpu.memory_space<hbm>> -> memref<1x125x80xi32, #tpu.memory_space<hbm>>
      %dma_wait3A_343 = tpu.memref_squeeze %dma_wait3A_342 : memref<1x125x80xi32, #tpu.memory_space<hbm>> -> memref<125x80xi32, #tpu.memory_space<hbm>>
      tpu.wait_dma2 semaphore(%run_scoped3A : memref<!tpu.dma_semaphore, #tpu.memory_space<semaphore_mem>>) src(%dma_wait3A_343 : memref<125x80xi32, #tpu.memory_space<hbm>>) dst(%dma_wait3A_339 : memref<125x80xi32, #tpu.memory_space<vmem>>)
      tpu.yield
    }) : () -> ()
    "tpu.region"() ({
      %run_scoped3A = tpu.sem_alloc : memref<!tpu.dma_semaphore, #tpu.memory_space<semaphore_mem>>
      %dma_start3A_317 = arith.constant 0 : i32
      %dma_start3A_318 = arith.constant 0 : i32
      %dma_start3A_319 = tpu.memref_slice %arg7[%dma_start3A_317, %dma_start3A_318] : memref<128x80xi32, #tpu.memory_space<vmem>> -> memref<125x80xi32, #tpu.memory_space<vmem>>
      %dma_start3A_320 = arith.constant 0 : i32
      %dma_start3A_321 = arith.constant 0 : i32
      %dma_start3A_322 = tpu.memref_slice %arg4[%add3A, %dma_start3A_320, %dma_start3A_321] : memref<32x125x80xi32, #tpu.memory_space<hbm>> -> memref<1x125x80xi32, #tpu.memory_space<hbm>>
      %dma_start3A_323 = tpu.memref_squeeze %dma_start3A_322 : memref<1x125x80xi32, #tpu.memory_space<hbm>> -> memref<125x80xi32, #tpu.memory_space<hbm>>
      %dma_start3A_324 = arith.constant 0 : i32
      %dma_start3A_325 = arith.constant 0 : i32
      %dma_start3A_326 = tpu.memref_slice %arg7[%dma_start3A_324, %dma_start3A_325] : memref<128x80xi32, #tpu.memory_space<vmem>> -> memref<125x80xi32, #tpu.memory_space<vmem>>
      %dma_start3A_327 = arith.constant 0 : i32
      %dma_start3A_328 = arith.constant 0 : i32
      %dma_start3A_329 = tpu.memref_slice %arg4[%add3A, %dma_start3A_327, %dma_start3A_328] : memref<32x125x80xi32, #tpu.memory_space<hbm>> -> memref<1x125x80xi32, #tpu.memory_space<hbm>>
      %dma_start3A_330 = tpu.memref_squeeze %dma_start3A_329 : memref<1x125x80xi32, #tpu.memory_space<hbm>> -> memref<125x80xi32, #tpu.memory_space<hbm>>
      tpu.enqueue_dma source(%dma_start3A_330 : memref<125x80xi32, #tpu.memory_space<hbm>>) target(%dma_start3A_326 : memref<125x80xi32, #tpu.memory_space<vmem>>) target_semaphore(%run_scoped3A : memref<!tpu.dma_semaphore, #tpu.memory_space<semaphore_mem>>)
      %dma_wait3A = arith.constant 0 : i32
      %dma_wait3A_331 = arith.constant 0 : i32
      %dma_wait3A_332 = tpu.memref_slice %arg7[%dma_wait3A, %dma_wait3A_331] : memref<128x80xi32, #tpu.memory_space<vmem>> -> memref<125x80xi32, #tpu.memory_space<vmem>>
      %dma_wait3A_333 = arith.constant 0 : i32
      %dma_wait3A_334 = arith.constant 0 : i32
      %dma_wait3A_335 = tpu.memref_slice %arg4[%add3A, %dma_wait3A_333, %dma_wait3A_334] : memref<32x125x80xi32, #tpu.memory_space<hbm>> -> memref<1x125x80xi32, #tpu.memory_space<hbm>>
      %dma_wait3A_336 = tpu.memref_squeeze %dma_wait3A_335 : memref<1x125x80xi32, #tpu.memory_space<hbm>> -> memref<125x80xi32, #tpu.memory_space<hbm>>
      %dma_wait3A_337 = arith.constant 0 : i32
      %dma_wait3A_338 = arith.constant 0 : i32
      %dma_wait3A_339 = tpu.memref_slice %arg7[%dma_wait3A_337, %dma_wait3A_338] : memref<128x80xi32, #tpu.memory_space<vmem>> -> memref<125x80xi32, #tpu.memory_space<vmem>>
      %dma_wait3A_340 = arith.constant 0 : i32
      %dma_wait3A_341 = arith.constant 0 : i32
      %dma_wait3A_342 = tpu.memref_slice %arg4[%add3A, %dma_wait3A_340, %dma_wait3A_341] : memref<32x125x80xi32, #tpu.memory_space<hbm>> -> memref<1x125x80xi32, #tpu.memory_space<hbm>>
      %dma_wait3A_343 = tpu.memref_squeeze %dma_wait3A_342 : memref<1x125x80xi32, #tpu.memory_space<hbm>> -> memref<125x80xi32, #tpu.memory_space<hbm>>
      tpu.wait_dma2 semaphore(%run_scoped3A : memref<!tpu.dma_semaphore, #tpu.memory_space<semaphore_mem>>) src(%dma_wait3A_343 : memref<125x80xi32, #tpu.memory_space<hbm>>) dst(%dma_wait3A_339 : memref<125x80xi32, #tpu.memory_space<vmem>>)
      tpu.yield
    }) : () -> ()
    %iota3A = tpu.iota {dimensions = array<i32: 0>} : vector<16xi32>
    %add3A_1 = arith.constant 0 : i32
    %add3A_2 = vector.broadcast %add3A_1 : i32 to vector<16xi32>
    %add3A_3 = arith.addi %add3A_2, %iota3A : vector<16xi32>
    %swap3A = arith.constant 125 : i32
    %swap3A_4 = arith.index_cast %swap3A : i32 to index
    %swap3A_5 = arith.constant 0 : index
    %swap3A_6 = tpu.vector_load %arg6[%swap3A_4, %swap3A_5] {strides = array<i32>} : memref<128x80xi32, #tpu.memory_space<vmem>>, vector<1x16xi32>,
    %swap3A_7 = vector.shape_cast %swap3A_6 : vector<1x16xi32> to vector<16xi32>
    %swap3A_8 = vector.shape_cast %add3A_3 : vector<16xi32> to vector<1x16xi32>
    tpu.vector_store %arg6[%swap3A_4, %swap3A_5], %swap3A_8 {strides = array<i32>} : memref<128x80xi32, #tpu.memory_space<vmem>>, vector<1x16xi32>,
    %add3A_9 = arith.constant 10000 : i32
    %add3A_10 = vector.broadcast %add3A_9 : i32 to vector<16xi32>
    %add3A_11 = arith.addi %add3A_10, %iota3A : vector<16xi32>
    %swap3A_12 = arith.constant 125 : i32
    %swap3A_13 = arith.index_cast %swap3A_12 : i32 to index
    %swap3A_14 = arith.constant 0 : index
    %swap3A_15 = tpu.vector_load %arg7[%swap3A_13, %swap3A_14] {strides = array<i32>} : memref<128x80xi32, #tpu.memory_space<vmem>>, vector<1x16xi32>,
    %swap3A_16 = vector.shape_cast %swap3A_15 : vector<1x16xi32> to vector<16xi32>
    %swap3A_17 = vector.shape_cast %add3A_11 : vector<16xi32> to vector<1x16xi32>
    tpu.vector_store %arg7[%swap3A_13, %swap3A_14], %swap3A_17 {strides = array<i32>} : memref<128x80xi32, #tpu.memory_space<vmem>>, vector<1x16xi32>,
    %add3A_18 = arith.constant 16 : i32
    %add3A_19 = vector.broadcast %add3A_18 : i32 to vector<16xi32>
    %add3A_20 = arith.addi %add3A_19, %iota3A : vector<16xi32>
    %swap3A_21 = arith.constant 125 : i32
    %swap3A_22 = arith.index_cast %swap3A_21 : i32 to index
    %swap3A_23 = arith.constant 16 : index
    %swap3A_24 = tpu.vector_load %arg6[%swap3A_22, %swap3A_23] {strides = array<i32>} : memref<128x80xi32, #tpu.memory_space<vmem>>, vector<1x16xi32>,
    %swap3A_25 = vector.shape_cast %swap3A_24 : vector<1x16xi32> to vector<16xi32>
    %swap3A_26 = vector.shape_cast %add3A_20 : vector<16xi32> to vector<1x16xi32>
    tpu.vector_store %arg6[%swap3A_22, %swap3A_23], %swap3A_26 {strides = array<i32>} : memref<128x80xi32, #tpu.memory_space<vmem>>, vector<1x16xi32>,
    %add3A_27 = arith.constant 10016 : i32
    %add3A_28 = vector.broadcast %add3A_27 : i32 to vector<16xi32>
    %add3A_29 = arith.addi %add3A_28, %iota3A : vector<16xi32>
    %swap3A_30 = arith.constant 125 : i32
    %swap3A_31 = arith.index_cast %swap3A_30 : i32 to index
    %swap3A_32 = arith.constant 16 : index
    %swap3A_33 = tpu.vector_load %arg7[%swap3A_31, %swap3A_32] {strides = array<i32>} : memref<128x80xi32, #tpu.memory_space<vmem>>, vector<1x16xi32>,
    %swap3A_34 = vector.shape_cast %swap3A_33 : vector<1x16xi32> to vector<16xi32>
    %swap3A_35 = vector.shape_cast %add3A_29 : vector<16xi32> to vector<1x16xi32>
    tpu.vector_store %arg7[%swap3A_31, %swap3A_32], %swap3A_35 {strides = array<i32>} : memref<128x80xi32, #tpu.memory_space<vmem>>, vector<1x16xi32>,
    %add3A_36 = arith.constant 32 : i32
    %add3A_37 = vector.broadcast %add3A_36 : i32 to vector<16xi32>
    %add3A_38 = arith.addi %add3A_37, %iota3A : vector<16xi32>
    %swap3A_39 = arith.constant 125 : i32
    %swap3A_40 = arith.index_cast %swap3A_39 : i32 to index
    %swap3A_41 = arith.constant 32 : index
    %swap3A_42 = tpu.vector_load %arg6[%swap3A_40, %swap3A_41] {strides = array<i32>} : memref<128x80xi32, #tpu.memory_space<vmem>>, vector<1x16xi32>,
    %swap3A_43 = vector.shape_cast %swap3A_42 : vector<1x16xi32> to vector<16xi32>
    %swap3A_44 = vector.shape_cast %add3A_38 : vector<16xi32> to vector<1x16xi32>
    tpu.vector_store %arg6[%swap3A_40, %swap3A_41], %swap3A_44 {strides = array<i32>} : memref<128x80xi32, #tpu.memory_space<vmem>>, vector<1x16xi32>,
    %add3A_45 = arith.constant 10032 : i32
    %add3A_46 = vector.broadcast %add3A_45 : i32 to vector<16xi32>
    %add3A_47 = arith.addi %add3A_46, %iota3A : vector<16xi32>
    %swap3A_48 = arith.constant 125 : i32
    %swap3A_49 = arith.index_cast %swap3A_48 : i32 to index
    %swap3A_50 = arith.constant 32 : index
    %swap3A_51 = tpu.vector_load %arg7[%swap3A_49, %swap3A_50] {strides = array<i32>} : memref<128x80xi32, #tpu.memory_space<vmem>>, vector<1x16xi32>,
    %swap3A_52 = vector.shape_cast %swap3A_51 : vector<1x16xi32> to vector<16xi32>
    %swap3A_53 = vector.shape_cast %add3A_47 : vector<16xi32> to vector<1x16xi32>
    tpu.vector_store %arg7[%swap3A_49, %swap3A_50], %swap3A_53 {strides = array<i32>} : memref<128x80xi32, #tpu.memory_space<vmem>>, vector<1x16xi32>,
    %add3A_54 = arith.constant 48 : i32
    %add3A_55 = vector.broadcast %add3A_54 : i32 to vector<16xi32>
    %add3A_56 = arith.addi %add3A_55, %iota3A : vector<16xi32>
    %swap3A_57 = arith.constant 125 : i32
    %swap3A_58 = arith.index_cast %swap3A_57 : i32 to index
    %swap3A_59 = arith.constant 48 : index
    %swap3A_60 = tpu.vector_load %arg6[%swap3A_58, %swap3A_59] {strides = array<i32>} : memref<128x80xi32, #tpu.memory_space<vmem>>, vector<1x16xi32>,
    %swap3A_61 = vector.shape_cast %swap3A_60 : vector<1x16xi32> to vector<16xi32>
    %swap3A_62 = vector.shape_cast %add3A_56 : vector<16xi32> to vector<1x16xi32>
    tpu.vector_store %arg6[%swap3A_58, %swap3A_59], %swap3A_62 {strides = array<i32>} : memref<128x80xi32, #tpu.memory_space<vmem>>, vector<1x16xi32>,
    %add3A_63 = arith.constant 10048 : i32
    %add3A_64 = vector.broadcast %add3A_63 : i32 to vector<16xi32>
    %add3A_65 = arith.addi %add3A_64, %iota3A : vector<16xi32>
    %swap3A_66 = arith.constant 125 : i32
    %swap3A_67 = arith.index_cast %swap3A_66 : i32 to index
    %swap3A_68 = arith.constant 48 : index
    %swap3A_69 = tpu.vector_load %arg7[%swap3A_67, %swap3A_68] {strides = array<i32>} : memref<128x80xi32, #tpu.memory_space<vmem>>, vector<1x16xi32>,
    %swap3A_70 = vector.shape_cast %swap3A_69 : vector<1x16xi32> to vector<16xi32>
    %swap3A_71 = vector.shape_cast %add3A_65 : vector<16xi32> to vector<1x16xi32>
    tpu.vector_store %arg7[%swap3A_67, %swap3A_68], %swap3A_71 {strides = array<i32>} : memref<128x80xi32, #tpu.memory_space<vmem>>, vector<1x16xi32>,
    %add3A_72 = arith.constant 64 : i32
    %add3A_73 = vector.broadcast %add3A_72 : i32 to vector<16xi32>
    %add3A_74 = arith.addi %add3A_73, %iota3A : vector<16xi32>
    %swap3A_75 = arith.constant 125 : i32
    %swap3A_76 = arith.index_cast %swap3A_75 : i32 to index
    %swap3A_77 = arith.constant 64 : index
    %swap3A_78 = tpu.vector_load %arg6[%swap3A_76, %swap3A_77] {strides = array<i32>} : memref<128x80xi32, #tpu.memory_space<vmem>>, vector<1x16xi32>,
    %swap3A_79 = vector.shape_cast %swap3A_78 : vector<1x16xi32> to vector<16xi32>
    %swap3A_80 = vector.shape_cast %add3A_74 : vector<16xi32> to vector<1x16xi32>
    tpu.vector_store %arg6[%swap3A_76, %swap3A_77], %swap3A_80 {strides = array<i32>} : memref<128x80xi32, #tpu.memory_space<vmem>>, vector<1x16xi32>,
    %add3A_81 = arith.constant 10064 : i32
    %add3A_82 = vector.broadcast %add3A_81 : i32 to vector<16xi32>
    %add3A_83 = arith.addi %add3A_82, %iota3A : vector<16xi32>
    %swap3A_84 = arith.constant 125 : i32
    %swap3A_85 = arith.index_cast %swap3A_84 : i32 to index
    %swap3A_86 = arith.constant 64 : index
    %swap3A_87 = tpu.vector_load %arg7[%swap3A_85, %swap3A_86] {strides = array<i32>} : memref<128x80xi32, #tpu.memory_space<vmem>>, vector<1x16xi32>,
    %swap3A_88 = vector.shape_cast %swap3A_87 : vector<1x16xi32> to vector<16xi32>
    %swap3A_89 = vector.shape_cast %add3A_83 : vector<16xi32> to vector<1x16xi32>
    tpu.vector_store %arg7[%swap3A_85, %swap3A_86], %swap3A_89 {strides = array<i32>} : memref<128x80xi32, #tpu.memory_space<vmem>>, vector<1x16xi32>,
    %add3A_90 = arith.constant 80 : i32
    %add3A_91 = vector.broadcast %add3A_90 : i32 to vector<16xi32>
    %add3A_92 = arith.addi %add3A_91, %iota3A : vector<16xi32>
    %swap3A_93 = arith.constant 126 : i32
    %swap3A_94 = arith.index_cast %swap3A_93 : i32 to index
    %swap3A_95 = arith.constant 0 : index
    %swap3A_96 = tpu.vector_load %arg6[%swap3A_94, %swap3A_95] {strides = array<i32>} : memref<128x80xi32, #tpu.memory_space<vmem>>, vector<1x16xi32>,
    %swap3A_97 = vector.shape_cast %swap3A_96 : vector<1x16xi32> to vector<16xi32>
    %swap3A_98 = vector.shape_cast %add3A_92 : vector<16xi32> to vector<1x16xi32>
    tpu.vector_store %arg6[%swap3A_94, %swap3A_95], %swap3A_98 {strides = array<i32>} : memref<128x80xi32, #tpu.memory_space<vmem>>, vector<1x16xi32>,
    %add3A_99 = arith.constant 10080 : i32
    %add3A_100 = vector.broadcast %add3A_99 : i32 to vector<16xi32>
    %add3A_101 = arith.addi %add3A_100, %iota3A : vector<16xi32>
    %swap3A_102 = arith.constant 126 : i32
    %swap3A_103 = arith.index_cast %swap3A_102 : i32 to index
    %swap3A_104 = arith.constant 0 : index
    %swap3A_105 = tpu.vector_load %arg7[%swap3A_103, %swap3A_104] {strides = array<i32>} : memref<128x80xi32, #tpu.memory_space<vmem>>, vector<1x16xi32>,
    %swap3A_106 = vector.shape_cast %swap3A_105 : vector<1x16xi32> to vector<16xi32>
    %swap3A_107 = vector.shape_cast %add3A_101 : vector<16xi32> to vector<1x16xi32>
    tpu.vector_store %arg7[%swap3A_103, %swap3A_104], %swap3A_107 {strides = array<i32>} : memref<128x80xi32, #tpu.memory_space<vmem>>, vector<1x16xi32>,
    %add3A_108 = arith.constant 96 : i32
    %add3A_109 = vector.broadcast %add3A_108 : i32 to vector<16xi32>
    %add3A_110 = arith.addi %add3A_109, %iota3A : vector<16xi32>
    %swap3A_111 = arith.constant 126 : i32
    %swap3A_112 = arith.index_cast %swap3A_111 : i32 to index
    %swap3A_113 = arith.constant 16 : index
    %swap3A_114 = tpu.vector_load %arg6[%swap3A_112, %swap3A_113] {strides = array<i32>} : memref<128x80xi32, #tpu.memory_space<vmem>>, vector<1x16xi32>,
    %swap3A_115 = vector.shape_cast %swap3A_114 : vector<1x16xi32> to vector<16xi32>
    %swap3A_116 = vector.shape_cast %add3A_110 : vector<16xi32> to vector<1x16xi32>
    tpu.vector_store %arg6[%swap3A_112, %swap3A_113], %swap3A_116 {strides = array<i32>} : memref<128x80xi32, #tpu.memory_space<vmem>>, vector<1x16xi32>,
    %add3A_117 = arith.constant 10096 : i32
    %add3A_118 = vector.broadcast %add3A_117 : i32 to vector<16xi32>
    %add3A_119 = arith.addi %add3A_118, %iota3A : vector<16xi32>
    %swap3A_120 = arith.constant 126 : i32
    %swap3A_121 = arith.index_cast %swap3A_120 : i32 to index
    %swap3A_122 = arith.constant 16 : index
    %swap3A_123 = tpu.vector_load %arg7[%swap3A_121, %swap3A_122] {strides = array<i32>} : memref<128x80xi32, #tpu.memory_space<vmem>>, vector<1x16xi32>,
    %swap3A_124 = vector.shape_cast %swap3A_123 : vector<1x16xi32> to vector<16xi32>
    %swap3A_125 = vector.shape_cast %add3A_119 : vector<16xi32> to vector<1x16xi32>
    tpu.vector_store %arg7[%swap3A_121, %swap3A_122], %swap3A_125 {strides = array<i32>} : memref<128x80xi32, #tpu.memory_space<vmem>>, vector<1x16xi32>,
    %add3A_126 = arith.constant 112 : i32
    %add3A_127 = vector.broadcast %add3A_126 : i32 to vector<16xi32>
    %add3A_128 = arith.addi %add3A_127, %iota3A : vector<16xi32>
    %swap3A_129 = arith.constant 126 : i32
    %swap3A_130 = arith.index_cast %swap3A_129 : i32 to index
    %swap3A_131 = arith.constant 32 : index
    %swap3A_132 = tpu.vector_load %arg6[%swap3A_130, %swap3A_131] {strides = array<i32>} : memref<128x80xi32, #tpu.memory_space<vmem>>, vector<1x16xi32>,
    %swap3A_133 = vector.shape_cast %swap3A_132 : vector<1x16xi32> to vector<16xi32>
    %swap3A_134 = vector.shape_cast %add3A_128 : vector<16xi32> to vector<1x16xi32>
    tpu.vector_store %arg6[%swap3A_130, %swap3A_131], %swap3A_134 {strides = array<i32>} : memref<128x80xi32, #tpu.memory_space<vmem>>, vector<1x16xi32>,
    %add3A_135 = arith.constant 10112 : i32
    %add3A_136 = vector.broadcast %add3A_135 : i32 to vector<16xi32>
    %add3A_137 = arith.addi %add3A_136, %iota3A : vector<16xi32>
    %swap3A_138 = arith.constant 126 : i32
    %swap3A_139 = arith.index_cast %swap3A_138 : i32 to index
    %swap3A_140 = arith.constant 32 : index
    %swap3A_141 = tpu.vector_load %arg7[%swap3A_139, %swap3A_140] {strides = array<i32>} : memref<128x80xi32, #tpu.memory_space<vmem>>, vector<1x16xi32>,
    %swap3A_142 = vector.shape_cast %swap3A_141 : vector<1x16xi32> to vector<16xi32>
    %swap3A_143 = vector.shape_cast %add3A_137 : vector<16xi32> to vector<1x16xi32>
    tpu.vector_store %arg7[%swap3A_139, %swap3A_140], %swap3A_143 {strides = array<i32>} : memref<128x80xi32, #tpu.memory_space<vmem>>, vector<1x16xi32>,
    %add3A_144 = arith.constant 128 : i32
    %add3A_145 = vector.broadcast %add3A_144 : i32 to vector<16xi32>
    %add3A_146 = arith.addi %add3A_145, %iota3A : vector<16xi32>
    %swap3A_147 = arith.constant 126 : i32
    %swap3A_148 = arith.index_cast %swap3A_147 : i32 to index
    %swap3A_149 = arith.constant 48 : index
    %swap3A_150 = tpu.vector_load %arg6[%swap3A_148, %swap3A_149] {strides = array<i32>} : memref<128x80xi32, #tpu.memory_space<vmem>>, vector<1x16xi32>,
    %swap3A_151 = vector.shape_cast %swap3A_150 : vector<1x16xi32> to vector<16xi32>
    %swap3A_152 = vector.shape_cast %add3A_146 : vector<16xi32> to vector<1x16xi32>
    tpu.vector_store %arg6[%swap3A_148, %swap3A_149], %swap3A_152 {strides = array<i32>} : memref<128x80xi32, #tpu.memory_space<vmem>>, vector<1x16xi32>,
    %add3A_153 = arith.constant 10128 : i32
    %add3A_154 = vector.broadcast %add3A_153 : i32 to vector<16xi32>
    %add3A_155 = arith.addi %add3A_154, %iota3A : vector<16xi32>
    %swap3A_156 = arith.constant 126 : i32
    %swap3A_157 = arith.index_cast %swap3A_156 : i32 to index
    %swap3A_158 = arith.constant 48 : index
    %swap3A_159 = tpu.vector_load %arg7[%swap3A_157, %swap3A_158] {strides = array<i32>} : memref<128x80xi32, #tpu.memory_space<vmem>>, vector<1x16xi32>,
    %swap3A_160 = vector.shape_cast %swap3A_159 : vector<1x16xi32> to vector<16xi32>
    %swap3A_161 = vector.shape_cast %add3A_155 : vector<16xi32> to vector<1x16xi32>
    tpu.vector_store %arg7[%swap3A_157, %swap3A_158], %swap3A_161 {strides = array<i32>} : memref<128x80xi32, #tpu.memory_space<vmem>>, vector<1x16xi32>,
    %add3A_162 = arith.constant 144 : i32
    %add3A_163 = vector.broadcast %add3A_162 : i32 to vector<16xi32>
    %add3A_164 = arith.addi %add3A_163, %iota3A : vector<16xi32>
    %swap3A_165 = arith.constant 126 : i32
    %swap3A_166 = arith.index_cast %swap3A_165 : i32 to index
    %swap3A_167 = arith.constant 64 : index
    %swap3A_168 = tpu.vector_load %arg6[%swap3A_166, %swap3A_167] {strides = array<i32>} : memref<128x80xi32, #tpu.memory_space<vmem>>, vector<1x16xi32>,
    %swap3A_169 = vector.shape_cast %swap3A_168 : vector<1x16xi32> to vector<16xi32>
    %swap3A_170 = vector.shape_cast %add3A_164 : vector<16xi32> to vector<1x16xi32>
    tpu.vector_store %arg6[%swap3A_166, %swap3A_167], %swap3A_170 {strides = array<i32>} : memref<128x80xi32, #tpu.memory_space<vmem>>, vector<1x16xi32>,
    %add3A_171 = arith.constant 10144 : i32
    %add3A_172 = vector.broadcast %add3A_171 : i32 to vector<16xi32>
    %add3A_173 = arith.addi %add3A_172, %iota3A : vector<16xi32>
    %swap3A_174 = arith.constant 126 : i32
    %swap3A_175 = arith.index_cast %swap3A_174 : i32 to index
    %swap3A_176 = arith.constant 64 : index
    %swap3A_177 = tpu.vector_load %arg7[%swap3A_175, %swap3A_176] {strides = array<i32>} : memref<128x80xi32, #tpu.memory_space<vmem>>, vector<1x16xi32>,
    %swap3A_178 = vector.shape_cast %swap3A_177 : vector<1x16xi32> to vector<16xi32>
    %swap3A_179 = vector.shape_cast %add3A_173 : vector<16xi32> to vector<1x16xi32>
    tpu.vector_store %arg7[%swap3A_175, %swap3A_176], %swap3A_179 {strides = array<i32>} : memref<128x80xi32, #tpu.memory_space<vmem>>, vector<1x16xi32>,
    %add3A_180 = arith.constant 160 : i32
    %add3A_181 = vector.broadcast %add3A_180 : i32 to vector<16xi32>
    %add3A_182 = arith.addi %add3A_181, %iota3A : vector<16xi32>
    %swap3A_183 = arith.constant 127 : i32
    %swap3A_184 = arith.index_cast %swap3A_183 : i32 to index
    %swap3A_185 = arith.constant 0 : index
    %swap3A_186 = tpu.vector_load %arg6[%swap3A_184, %swap3A_185] {strides = array<i32>} : memref<128x80xi32, #tpu.memory_space<vmem>>, vector<1x16xi32>,
    %swap3A_187 = vector.shape_cast %swap3A_186 : vector<1x16xi32> to vector<16xi32>
    %swap3A_188 = vector.shape_cast %add3A_182 : vector<16xi32> to vector<1x16xi32>
    tpu.vector_store %arg6[%swap3A_184, %swap3A_185], %swap3A_188 {strides = array<i32>} : memref<128x80xi32, #tpu.memory_space<vmem>>, vector<1x16xi32>,
    %add3A_189 = arith.constant 10160 : i32
    %add3A_190 = vector.broadcast %add3A_189 : i32 to vector<16xi32>
    %add3A_191 = arith.addi %add3A_190, %iota3A : vector<16xi32>
    %swap3A_192 = arith.constant 127 : i32
    %swap3A_193 = arith.index_cast %swap3A_192 : i32 to index
    %swap3A_194 = arith.constant 0 : index
    %swap3A_195 = tpu.vector_load %arg7[%swap3A_193, %swap3A_194] {strides = array<i32>} : memref<128x80xi32, #tpu.memory_space<vmem>>, vector<1x16xi32>,
    %swap3A_196 = vector.shape_cast %swap3A_195 : vector<1x16xi32> to vector<16xi32>
    %swap3A_197 = vector.shape_cast %add3A_191 : vector<16xi32> to vector<1x16xi32>
    tpu.vector_store %arg7[%swap3A_193, %swap3A_194], %swap3A_197 {strides = array<i32>} : memref<128x80xi32, #tpu.memory_space<vmem>>, vector<1x16xi32>,
    %add3A_198 = arith.constant 176 : i32
    %add3A_199 = vector.broadcast %add3A_198 : i32 to vector<16xi32>
    %add3A_200 = arith.addi %add3A_199, %iota3A : vector<16xi32>
    %swap3A_201 = arith.constant 127 : i32
    %swap3A_202 = arith.index_cast %swap3A_201 : i32 to index
    %swap3A_203 = arith.constant 16 : index
    %swap3A_204 = tpu.vector_load %arg6[%swap3A_202, %swap3A_203] {strides = array<i32>} : memref<128x80xi32, #tpu.memory_space<vmem>>, vector<1x16xi32>,
    %swap3A_205 = vector.shape_cast %swap3A_204 : vector<1x16xi32> to vector<16xi32>
    %swap3A_206 = vector.shape_cast %add3A_200 : vector<16xi32> to vector<1x16xi32>
    tpu.vector_store %arg6[%swap3A_202, %swap3A_203], %swap3A_206 {strides = array<i32>} : memref<128x80xi32, #tpu.memory_space<vmem>>, vector<1x16xi32>,
    %add3A_207 = arith.constant 10176 : i32
    %add3A_208 = vector.broadcast %add3A_207 : i32 to vector<16xi32>
    %add3A_209 = arith.addi %add3A_208, %iota3A : vector<16xi32>
    %swap3A_210 = arith.constant 127 : i32
    %swap3A_211 = arith.index_cast %swap3A_210 : i32 to index
    %swap3A_212 = arith.constant 16 : index
    %swap3A_213 = tpu.vector_load %arg7[%swap3A_211, %swap3A_212] {strides = array<i32>} : memref<128x80xi32, #tpu.memory_space<vmem>>, vector<1x16xi32>,
    %swap3A_214 = vector.shape_cast %swap3A_213 : vector<1x16xi32> to vector<16xi32>
    %swap3A_215 = vector.shape_cast %add3A_209 : vector<16xi32> to vector<1x16xi32>
    tpu.vector_store %arg7[%swap3A_211, %swap3A_212], %swap3A_215 {strides = array<i32>} : memref<128x80xi32, #tpu.memory_space<vmem>>, vector<1x16xi32>,
    %add3A_216 = arith.constant 192 : i32
    %add3A_217 = vector.broadcast %add3A_216 : i32 to vector<16xi32>
    %add3A_218 = arith.addi %add3A_217, %iota3A : vector<16xi32>
    %swap3A_219 = arith.constant 127 : i32
    %swap3A_220 = arith.index_cast %swap3A_219 : i32 to index
    %swap3A_221 = arith.constant 32 : index
    %swap3A_222 = tpu.vector_load %arg6[%swap3A_220, %swap3A_221] {strides = array<i32>} : memref<128x80xi32, #tpu.memory_space<vmem>>, vector<1x16xi32>,
    %swap3A_223 = vector.shape_cast %swap3A_222 : vector<1x16xi32> to vector<16xi32>
    %swap3A_224 = vector.shape_cast %add3A_218 : vector<16xi32> to vector<1x16xi32>
    tpu.vector_store %arg6[%swap3A_220, %swap3A_221], %swap3A_224 {strides = array<i32>} : memref<128x80xi32, #tpu.memory_space<vmem>>, vector<1x16xi32>,
    %add3A_225 = arith.constant 10192 : i32
    %add3A_226 = vector.broadcast %add3A_225 : i32 to vector<16xi32>
    %add3A_227 = arith.addi %add3A_226, %iota3A : vector<16xi32>
    %swap3A_228 = arith.constant 127 : i32
    %swap3A_229 = arith.index_cast %swap3A_228 : i32 to index
    %swap3A_230 = arith.constant 32 : index
    %swap3A_231 = tpu.vector_load %arg7[%swap3A_229, %swap3A_230] {strides = array<i32>} : memref<128x80xi32, #tpu.memory_space<vmem>>, vector<1x16xi32>,
    %swap3A_232 = vector.shape_cast %swap3A_231 : vector<1x16xi32> to vector<16xi32>
    %swap3A_233 = vector.shape_cast %add3A_227 : vector<16xi32> to vector<1x16xi32>
    tpu.vector_store %arg7[%swap3A_229, %swap3A_230], %swap3A_233 {strides = array<i32>} : memref<128x80xi32, #tpu.memory_space<vmem>>, vector<1x16xi32>,
    %add3A_234 = arith.constant 208 : i32
    %add3A_235 = vector.broadcast %add3A_234 : i32 to vector<16xi32>
    %add3A_236 = arith.addi %add3A_235, %iota3A : vector<16xi32>
    %swap3A_237 = arith.constant 127 : i32
    %swap3A_238 = arith.index_cast %swap3A_237 : i32 to index
    %swap3A_239 = arith.constant 48 : index
    %swap3A_240 = tpu.vector_load %arg6[%swap3A_238, %swap3A_239] {strides = array<i32>} : memref<128x80xi32, #tpu.memory_space<vmem>>, vector<1x16xi32>,
    %swap3A_241 = vector.shape_cast %swap3A_240 : vector<1x16xi32> to vector<16xi32>
    %swap3A_242 = vector.shape_cast %add3A_236 : vector<16xi32> to vector<1x16xi32>
    tpu.vector_store %arg6[%swap3A_238, %swap3A_239], %swap3A_242 {strides = array<i32>} : memref<128x80xi32, #tpu.memory_space<vmem>>, vector<1x16xi32>,
    %add3A_243 = arith.constant 10208 : i32
    %add3A_244 = vector.broadcast %add3A_243 : i32 to vector<16xi32>
    %add3A_245 = arith.addi %add3A_244, %iota3A : vector<16xi32>
    %swap3A_246 = arith.constant 127 : i32
    %swap3A_247 = arith.index_cast %swap3A_246 : i32 to index
    %swap3A_248 = arith.constant 48 : index
    %swap3A_249 = tpu.vector_load %arg7[%swap3A_247, %swap3A_248] {strides = array<i32>} : memref<128x80xi32, #tpu.memory_space<vmem>>, vector<1x16xi32>,
    %swap3A_250 = vector.shape_cast %swap3A_249 : vector<1x16xi32> to vector<16xi32>
    %swap3A_251 = vector.shape_cast %add3A_245 : vector<16xi32> to vector<1x16xi32>
    tpu.vector_store %arg7[%swap3A_247, %swap3A_248], %swap3A_251 {strides = array<i32>} : memref<128x80xi32, #tpu.memory_space<vmem>>, vector<1x16xi32>,
    %add3A_252 = arith.constant 224 : i32
    %add3A_253 = vector.broadcast %add3A_252 : i32 to vector<16xi32>
    %add3A_254 = arith.addi %add3A_253, %iota3A : vector<16xi32>
    %swap3A_255 = arith.constant 127 : i32
    %swap3A_256 = arith.index_cast %swap3A_255 : i32 to index
    %swap3A_257 = arith.constant 64 : index
    %swap3A_258 = tpu.vector_load %arg6[%swap3A_256, %swap3A_257] {strides = array<i32>} : memref<128x80xi32, #tpu.memory_space<vmem>>, vector<1x16xi32>,
    %swap3A_259 = vector.shape_cast %swap3A_258 : vector<1x16xi32> to vector<16xi32>
    %swap3A_260 = vector.shape_cast %add3A_254 : vector<16xi32> to vector<1x16xi32>
    tpu.vector_store %arg6[%swap3A_256, %swap3A_257], %swap3A_260 {strides = array<i32>} : memref<128x80xi32, #tpu.memory_space<vmem>>, vector<1x16xi32>,
    %add3A_261 = arith.constant 10224 : i32
    %add3A_262 = vector.broadcast %add3A_261 : i32 to vector<16xi32>
    %add3A_263 = arith.addi %add3A_262, %iota3A : vector<16xi32>
    %swap3A_264 = arith.constant 127 : i32
    %swap3A_265 = arith.index_cast %swap3A_264 : i32 to index
    %swap3A_266 = arith.constant 64 : index
    %swap3A_267 = tpu.vector_load %arg7[%swap3A_265, %swap3A_266] {strides = array<i32>} : memref<128x80xi32, #tpu.memory_space<vmem>>, vector<1x16xi32>,
    %swap3A_268 = vector.shape_cast %swap3A_267 : vector<1x16xi32> to vector<16xi32>
    %swap3A_269 = vector.shape_cast %add3A_263 : vector<16xi32> to vector<1x16xi32>
    tpu.vector_store %arg7[%swap3A_265, %swap3A_266], %swap3A_269 {strides = array<i32>} : memref<128x80xi32, #tpu.memory_space<vmem>>, vector<1x16xi32>,
    %broadcast_in_dim3A = arith.constant 0.000000e+00 : f32
    %broadcast_in_dim3A_270 = vector.broadcast %broadcast_in_dim3A : f32 to vector<16xf32>
    %scan3A = arith.constant 0 : i32
    %scan3A_271 = arith.constant 0 : i32
    %scan3A_272 = arith.constant 80 : i32
    %scan3A_273 = arith.addi %scan3A_271, %scan3A_272 : i32
    %scan3A_274 = arith.constant 1 : i32
    scf.for %scan3A_317 = %scan3A_271 to %scan3A_273 step %scan3A_274  : i32 {
      %swap3A_318 = arith.index_cast %scan3A_317 : i32 to index
      %swap3A_319 = arith.constant 0 : index
      %swap3A_320 = tpu.vector_load %arg8[%swap3A_318, %swap3A_319] {strides = array<i32>} : memref<80x48xf32, #tpu.memory_space<vmem>>, vector<1x16xf32>,
      %swap3A_321 = vector.shape_cast %swap3A_320 : vector<1x16xf32> to vector<16xf32>
      %swap3A_322 = vector.shape_cast %broadcast_in_dim3A_270 : vector<16xf32> to vector<1x16xf32>
      tpu.vector_store %arg8[%swap3A_318, %swap3A_319], %swap3A_322 {strides = array<i32>} : memref<80x48xf32, #tpu.memory_space<vmem>>, vector<1x16xf32>,
      %swap3A_323 = arith.index_cast %scan3A_317 : i32 to index
      %swap3A_324 = arith.constant 16 : index
      %swap3A_325 = tpu.vector_load %arg8[%swap3A_323, %swap3A_324] {strides = array<i32>} : memref<80x48xf32, #tpu.memory_space<vmem>>, vector<1x16xf32>,
      %swap3A_326 = vector.shape_cast %swap3A_325 : vector<1x16xf32> to vector<16xf32>
      %swap3A_327 = vector.shape_cast %broadcast_in_dim3A_270 : vector<16xf32> to vector<1x16xf32>
      tpu.vector_store %arg8[%swap3A_323, %swap3A_324], %swap3A_327 {strides = array<i32>} : memref<80x48xf32, #tpu.memory_space<vmem>>, vector<1x16xf32>,
      %swap3A_328 = arith.index_cast %scan3A_317 : i32 to index
      %swap3A_329 = arith.constant 32 : index
      %swap3A_330 = tpu.vector_load %arg8[%swap3A_328, %swap3A_329] {strides = array<i32>} : memref<80x48xf32, #tpu.memory_space<vmem>>, vector<1x16xf32>,
      %swap3A_331 = vector.shape_cast %swap3A_330 : vector<1x16xf32> to vector<16xf32>
      %swap3A_332 = vector.shape_cast %broadcast_in_dim3A_270 : vector<16xf32> to vector<1x16xf32>
      tpu.vector_store %arg8[%swap3A_328, %swap3A_329], %swap3A_332 {strides = array<i32>} : memref<80x48xf32, #tpu.memory_space<vmem>>, vector<1x16xf32>,
    }
    %scan3A_275 = arith.constant 80 : i32
    %scan3A_276 = arith.constant 0 : i32
    %scan3A_277 = arith.constant 0 : i32
    %scan3A_278 = arith.constant 8 : i32
    %scan3A_279 = arith.addi %scan3A_277, %scan3A_278 : i32
    %scan3A_280 = arith.constant 1 : i32
    scf.for %scan3A_317 = %scan3A_277 to %scan3A_279 step %scan3A_280  : i32 {
      %mul3A_318 = arith.constant 8 : i32
      %mul3A_319 = arith.muli %arg1, %mul3A_318 : i32
      %add3A_320 = arith.addi %mul3A_319, %scan3A_317 : i32
      %mul3A_321 = arith.constant 80 : i32
      %mul3A_322 = arith.muli %add3A_320, %mul3A_321 : i32
      %multiple_of3A_323 = tpu.assume_multiple %mul3A_322, 8 : i32
      "tpu.region"() ({
        %run_scoped3A = tpu.sem_alloc : memref<!tpu.dma_semaphore, #tpu.memory_space<semaphore_mem>>
        %dma_start3A_324 = arith.constant 0 : i32
        %dma_start3A_325 = tpu.memref_slice %arg12[%multiple_of3A_323, %dma_start3A_324] : memref<10240x48xf32, #tpu.memory_space<vmem_shared>> -> memref<80x48xf32, #tpu.memory_space<vmem_shared>>
        %dma_start3A_326 = arith.constant 0 : i32
        %dma_start3A_327 = tpu.memref_slice %arg12[%multiple_of3A_323, %dma_start3A_326] : memref<10240x48xf32, #tpu.memory_space<vmem_shared>> -> memref<80x48xf32, #tpu.memory_space<vmem_shared>>
        tpu.enqueue_dma source(%arg8 : memref<80x48xf32, #tpu.memory_space<vmem>>) target(%dma_start3A_327 : memref<80x48xf32, #tpu.memory_space<vmem_shared>>) target_semaphore(%run_scoped3A : memref<!tpu.dma_semaphore, #tpu.memory_space<semaphore_mem>>)
        %dma_wait3A = arith.constant 0 : i32
        %dma_wait3A_328 = tpu.memref_slice %arg12[%multiple_of3A_323, %dma_wait3A] : memref<10240x48xf32, #tpu.memory_space<vmem_shared>> -> memref<80x48xf32, #tpu.memory_space<vmem_shared>>
        %dma_wait3A_329 = arith.constant 0 : i32
        %dma_wait3A_330 = tpu.memref_slice %arg12[%multiple_of3A_323, %dma_wait3A_329] : memref<10240x48xf32, #tpu.memory_space<vmem_shared>> -> memref<80x48xf32, #tpu.memory_space<vmem_shared>>
        tpu.wait_dma2 semaphore(%run_scoped3A : memref<!tpu.dma_semaphore, #tpu.memory_space<semaphore_mem>>) src(%arg8 : memref<80x48xf32, #tpu.memory_space<vmem>>) dst(%dma_wait3A_330 : memref<80x48xf32, #tpu.memory_space<vmem_shared>>)
        tpu.yield
      }) : () -> ()
    }
    %scan3A_281 = arith.constant 8 : i32
    %barrier3A = arith.constant 0 : index
    tpu.barrier barrier_id(%barrier3A)
    %dma_start3A = arith.constant 0 : i32
    %dma_start3A_282 = arith.constant 0 : i32
    %dma_start3A_283 = tpu.memref_slice %arg6[%dma_start3A, %dma_start3A_282] : memref<128x80xi32, #tpu.memory_space<vmem>> -> memref<1x80xi32, #tpu.memory_space<vmem>>
    %dma_start3A_284 = tpu.memref_squeeze %dma_start3A_283 : memref<1x80xi32, #tpu.memory_space<vmem>> -> memref<80xi32, #tpu.memory_space<vmem>>
    %dma_start3A_285 = arith.constant 0 : i32
    %dma_start3A_286 = arith.constant 0 : i32
    %dma_start3A_287 = tpu.memref_slice %arg2[%dma_start3A_285, %dma_start3A_286] : memref<80000x48xf32, #tpu.memory_space<hbm>> -> memref<80000x48xf32, #tpu.memory_space<hbm>>
    tpu.enqueue_indirect_dma source(%dma_start3A_287 : memref<80000x48xf32, #tpu.memory_space<hbm>>) target(%arg8 : memref<80x48xf32, #tpu.memory_space<vmem>>) offsets(%dma_start3A_284 : memref<80xi32, #tpu.memory_space<vmem>>) semaphore(%arg13 : memref<!tpu.dma_semaphore, #tpu.memory_space<semaphore_mem>>)
    %dma_start3A_288 = arith.constant 1 : i32
    %dma_start3A_289 = arith.constant 0 : i32
    %dma_start3A_290 = tpu.memref_slice %arg6[%dma_start3A_288, %dma_start3A_289] : memref<128x80xi32, #tpu.memory_space<vmem>> -> memref<1x80xi32, #tpu.memory_space<vmem>>
    %dma_start3A_291 = tpu.memref_squeeze %dma_start3A_290 : memref<1x80xi32, #tpu.memory_space<vmem>> -> memref<80xi32, #tpu.memory_space<vmem>>
    %dma_start3A_292 = arith.constant 0 : i32
    %dma_start3A_293 = arith.constant 0 : i32
    %dma_start3A_294 = tpu.memref_slice %arg2[%dma_start3A_292, %dma_start3A_293] : memref<80000x48xf32, #tpu.memory_space<hbm>> -> memref<80000x48xf32, #tpu.memory_space<hbm>>
    tpu.enqueue_indirect_dma source(%dma_start3A_294 : memref<80000x48xf32, #tpu.memory_space<hbm>>) target(%arg9 : memref<80x48xf32, #tpu.memory_space<vmem>>) offsets(%dma_start3A_291 : memref<80xi32, #tpu.memory_space<vmem>>) semaphore(%arg14 : memref<!tpu.dma_semaphore, #tpu.memory_space<semaphore_mem>>)
    %dma_start3A_295 = arith.constant 2 : i32
    %dma_start3A_296 = arith.constant 0 : i32
    %dma_start3A_297 = tpu.memref_slice %arg6[%dma_start3A_295, %dma_start3A_296] : memref<128x80xi32, #tpu.memory_space<vmem>> -> memref<1x80xi32, #tpu.memory_space<vmem>>
    %dma_start3A_298 = tpu.memref_squeeze %dma_start3A_297 : memref<1x80xi32, #tpu.memory_space<vmem>> -> memref<80xi32, #tpu.memory_space<vmem>>
    %dma_start3A_299 = arith.constant 0 : i32
    %dma_start3A_300 = arith.constant 0 : i32
    %dma_start3A_301 = tpu.memref_slice %arg2[%dma_start3A_299, %dma_start3A_300] : memref<80000x48xf32, #tpu.memory_space<hbm>> -> memref<80000x48xf32, #tpu.memory_space<hbm>>
    tpu.enqueue_indirect_dma source(%dma_start3A_301 : memref<80000x48xf32, #tpu.memory_space<hbm>>) target(%arg10 : memref<80x48xf32, #tpu.memory_space<vmem>>) offsets(%dma_start3A_298 : memref<80xi32, #tpu.memory_space<vmem>>) semaphore(%arg15 : memref<!tpu.dma_semaphore, #tpu.memory_space<semaphore_mem>>)
    %scan3A_302 = arith.constant 0 : i32
    %scan3A_303 = arith.constant 0 : i32
    %scan3A_304 = arith.constant 32 : i32
    %scan3A_305 = arith.addi %scan3A_303, %scan3A_304 : i32
    %scan3A_306 = arith.constant 1 : i32
    scf.for %scan3A_317 = %scan3A_303 to %scan3A_305 step %scan3A_306  : i32 {
      %mul3A_318 = arith.constant 4 : i32
      %mul3A_319 = arith.muli %scan3A_317, %mul3A_318 : i32
      %add3A_320 = arith.constant 0 : i32
      %add3A_321 = arith.addi %mul3A_319, %add3A_320 : i32
      %add3A_322 = arith.constant 3 : i32
      %add3A_323 = arith.addi %add3A_321, %add3A_322 : i32
      %lt3A_324 = arith.constant 128 : i32
      %lt3A_325 = arith.cmpi slt, %add3A_323, %lt3A_324 : i32
      %convert_element_type3A_326 = arith.extui %lt3A_325 : i1 to i32
      %cond3A_327 = arith.constant 0 : i32
      %cond3A_328 = arith.cmpi ne, %convert_element_type3A_326, %cond3A_327 : i32
      scf.if %cond3A_328 {
        %add3A_379 = arith.constant 3 : i32
        %add3A_380 = arith.addi %add3A_321, %add3A_379 : i32
        %dma_start3A_381 = arith.constant 0 : i32
        %dma_start3A_382 = tpu.memref_slice %arg6[%add3A_380, %dma_start3A_381] : memref<128x80xi32, #tpu.memory_space<vmem>> -> memref<1x80xi32, #tpu.memory_space<vmem>>
        %dma_start3A_383 = tpu.memref_squeeze %dma_start3A_382 : memref<1x80xi32, #tpu.memory_space<vmem>> -> memref<80xi32, #tpu.memory_space<vmem>>
        %dma_start3A_384 = arith.constant 0 : i32
        %dma_start3A_385 = arith.constant 0 : i32
        %dma_start3A_386 = tpu.memref_slice %arg2[%dma_start3A_384, %dma_start3A_385] : memref<80000x48xf32, #tpu.memory_space<hbm>> -> memref<80000x48xf32, #tpu.memory_space<hbm>>
        tpu.enqueue_indirect_dma source(%dma_start3A_386 : memref<80000x48xf32, #tpu.memory_space<hbm>>) target(%arg11 : memref<80x48xf32, #tpu.memory_space<vmem>>) offsets(%dma_start3A_383 : memref<80xi32, #tpu.memory_space<vmem>>) semaphore(%arg16 : memref<!tpu.dma_semaphore, #tpu.memory_space<semaphore_mem>>)
      } else {
      }
      %dma_wait3A = arith.constant 0 : i32
      %dma_wait3A_329 = tpu.memref_slice %arg6[%add3A_321, %dma_wait3A] : memref<128x80xi32, #tpu.memory_space<vmem>> -> memref<1x80xi32, #tpu.memory_space<vmem>>
      %dma_wait3A_330 = tpu.memref_squeeze %dma_wait3A_329 : memref<1x80xi32, #tpu.memory_space<vmem>> -> memref<80xi32, #tpu.memory_space<vmem>>
      %dma_wait3A_331 = arith.constant 0 : i32
      %dma_wait3A_332 = arith.constant 0 : i32
      %dma_wait3A_333 = tpu.memref_slice %arg2[%dma_wait3A_331, %dma_wait3A_332] : memref<80000x48xf32, #tpu.memory_space<hbm>> -> memref<80000x48xf32, #tpu.memory_space<hbm>>
      tpu.wait_indirect_dma semaphore(%arg13 : memref<!tpu.dma_semaphore, #tpu.memory_space<semaphore_mem>>) src(%dma_wait3A_333 : memref<80000x48xf32, #tpu.memory_space<hbm>>) dst(%arg8 : memref<80x48xf32, #tpu.memory_space<vmem>>)
      "tpu.region"() ({
        %run_scoped3A = tpu.sem_alloc : memref<!tpu.dma_semaphore, #tpu.memory_space<semaphore_mem>>
        %dma_start3A_379 = arith.constant 0 : i32
        %dma_start3A_380 = tpu.memref_slice %arg7[%add3A_321, %dma_start3A_379] : memref<128x80xi32, #tpu.memory_space<vmem>> -> memref<1x80xi32, #tpu.memory_space<vmem>>
        %dma_start3A_381 = tpu.memref_squeeze %dma_start3A_380 : memref<1x80xi32, #tpu.memory_space<vmem>> -> memref<80xi32, #tpu.memory_space<vmem>>
        %dma_start3A_382 = arith.constant 0 : i32
        %dma_start3A_383 = arith.constant 0 : i32
        %dma_start3A_384 = tpu.memref_slice %arg12[%dma_start3A_382, %dma_start3A_383] : memref<10240x48xf32, #tpu.memory_space<vmem_shared>> -> memref<10240x48xf32, #tpu.memory_space<vmem_shared>>
        tpu.enqueue_indirect_dma source(%arg8 : memref<80x48xf32, #tpu.memory_space<vmem>>) target(%dma_start3A_384 : memref<10240x48xf32, #tpu.memory_space<vmem_shared>>) offsets(%dma_start3A_381 : memref<80xi32, #tpu.memory_space<vmem>>) semaphore(%run_scoped3A : memref<!tpu.dma_semaphore, #tpu.memory_space<semaphore_mem>>) {add = true}
        %dma_wait3A_385 = arith.constant 0 : i32
        %dma_wait3A_386 = tpu.memref_slice %arg7[%add3A_321, %dma_wait3A_385] : memref<128x80xi32, #tpu.memory_space<vmem>> -> memref<1x80xi32, #tpu.memory_space<vmem>>
        %dma_wait3A_387 = tpu.memref_squeeze %dma_wait3A_386 : memref<1x80xi32, #tpu.memory_space<vmem>> -> memref<80xi32, #tpu.memory_space<vmem>>
        %dma_wait3A_388 = arith.constant 0 : i32
        %dma_wait3A_389 = arith.constant 0 : i32
        %dma_wait3A_390 = tpu.memref_slice %arg12[%dma_wait3A_388, %dma_wait3A_389] : memref<10240x48xf32, #tpu.memory_space<vmem_shared>> -> memref<10240x48xf32, #tpu.memory_space<vmem_shared>>
        tpu.wait_indirect_dma semaphore(%run_scoped3A : memref<!tpu.dma_semaphore, #tpu.memory_space<semaphore_mem>>) src(%arg8 : memref<80x48xf32, #tpu.memory_space<vmem>>) dst(%dma_wait3A_390 : memref<10240x48xf32, #tpu.memory_space<vmem_shared>>)
        tpu.yield
      }) : () -> ()
      %add3A_334 = arith.constant 1 : i32
      %add3A_335 = arith.addi %mul3A_319, %add3A_334 : i32
      %add3A_336 = arith.constant 3 : i32
      %add3A_337 = arith.addi %add3A_335, %add3A_336 : i32
      %lt3A_338 = arith.constant 128 : i32
      %lt3A_339 = arith.cmpi slt, %add3A_337, %lt3A_338 : i32
      %convert_element_type3A_340 = arith.extui %lt3A_339 : i1 to i32
      %cond3A_341 = arith.constant 0 : i32
      %cond3A_342 = arith.cmpi ne, %convert_element_type3A_340, %cond3A_341 : i32
      scf.if %cond3A_342 {
        %add3A_379 = arith.constant 3 : i32
        %add3A_380 = arith.addi %add3A_335, %add3A_379 : i32
        %dma_start3A_381 = arith.constant 0 : i32
        %dma_start3A_382 = tpu.memref_slice %arg6[%add3A_380, %dma_start3A_381] : memref<128x80xi32, #tpu.memory_space<vmem>> -> memref<1x80xi32, #tpu.memory_space<vmem>>
        %dma_start3A_383 = tpu.memref_squeeze %dma_start3A_382 : memref<1x80xi32, #tpu.memory_space<vmem>> -> memref<80xi32, #tpu.memory_space<vmem>>
        %dma_start3A_384 = arith.constant 0 : i32
        %dma_start3A_385 = arith.constant 0 : i32
        %dma_start3A_386 = tpu.memref_slice %arg2[%dma_start3A_384, %dma_start3A_385] : memref<80000x48xf32, #tpu.memory_space<hbm>> -> memref<80000x48xf32, #tpu.memory_space<hbm>>
        tpu.enqueue_indirect_dma source(%dma_start3A_386 : memref<80000x48xf32, #tpu.memory_space<hbm>>) target(%arg8 : memref<80x48xf32, #tpu.memory_space<vmem>>) offsets(%dma_start3A_383 : memref<80xi32, #tpu.memory_space<vmem>>) semaphore(%arg13 : memref<!tpu.dma_semaphore, #tpu.memory_space<semaphore_mem>>)
      } else {
      }
      %dma_wait3A_343 = arith.constant 0 : i32
      %dma_wait3A_344 = tpu.memref_slice %arg6[%add3A_335, %dma_wait3A_343] : memref<128x80xi32, #tpu.memory_space<vmem>> -> memref<1x80xi32, #tpu.memory_space<vmem>>
      %dma_wait3A_345 = tpu.memref_squeeze %dma_wait3A_344 : memref<1x80xi32, #tpu.memory_space<vmem>> -> memref<80xi32, #tpu.memory_space<vmem>>
      %dma_wait3A_346 = arith.constant 0 : i32
      %dma_wait3A_347 = arith.constant 0 : i32
      %dma_wait3A_348 = tpu.memref_slice %arg2[%dma_wait3A_346, %dma_wait3A_347] : memref<80000x48xf32, #tpu.memory_space<hbm>> -> memref<80000x48xf32, #tpu.memory_space<hbm>>
      tpu.wait_indirect_dma semaphore(%arg14 : memref<!tpu.dma_semaphore, #tpu.memory_space<semaphore_mem>>) src(%dma_wait3A_348 : memref<80000x48xf32, #tpu.memory_space<hbm>>) dst(%arg9 : memref<80x48xf32, #tpu.memory_space<vmem>>)
      "tpu.region"() ({
        %run_scoped3A = tpu.sem_alloc : memref<!tpu.dma_semaphore, #tpu.memory_space<semaphore_mem>>
        %dma_start3A_379 = arith.constant 0 : i32
        %dma_start3A_380 = tpu.memref_slice %arg7[%add3A_335, %dma_start3A_379] : memref<128x80xi32, #tpu.memory_space<vmem>> -> memref<1x80xi32, #tpu.memory_space<vmem>>
        %dma_start3A_381 = tpu.memref_squeeze %dma_start3A_380 : memref<1x80xi32, #tpu.memory_space<vmem>> -> memref<80xi32, #tpu.memory_space<vmem>>
        %dma_start3A_382 = arith.constant 0 : i32
        %dma_start3A_383 = arith.constant 0 : i32
        %dma_start3A_384 = tpu.memref_slice %arg12[%dma_start3A_382, %dma_start3A_383] : memref<10240x48xf32, #tpu.memory_space<vmem_shared>> -> memref<10240x48xf32, #tpu.memory_space<vmem_shared>>
        tpu.enqueue_indirect_dma source(%arg9 : memref<80x48xf32, #tpu.memory_space<vmem>>) target(%dma_start3A_384 : memref<10240x48xf32, #tpu.memory_space<vmem_shared>>) offsets(%dma_start3A_381 : memref<80xi32, #tpu.memory_space<vmem>>) semaphore(%run_scoped3A : memref<!tpu.dma_semaphore, #tpu.memory_space<semaphore_mem>>) {add = true}
        %dma_wait3A_385 = arith.constant 0 : i32
        %dma_wait3A_386 = tpu.memref_slice %arg7[%add3A_335, %dma_wait3A_385] : memref<128x80xi32, #tpu.memory_space<vmem>> -> memref<1x80xi32, #tpu.memory_space<vmem>>
        %dma_wait3A_387 = tpu.memref_squeeze %dma_wait3A_386 : memref<1x80xi32, #tpu.memory_space<vmem>> -> memref<80xi32, #tpu.memory_space<vmem>>
        %dma_wait3A_388 = arith.constant 0 : i32
        %dma_wait3A_389 = arith.constant 0 : i32
        %dma_wait3A_390 = tpu.memref_slice %arg12[%dma_wait3A_388, %dma_wait3A_389] : memref<10240x48xf32, #tpu.memory_space<vmem_shared>> -> memref<10240x48xf32, #tpu.memory_space<vmem_shared>>
        tpu.wait_indirect_dma semaphore(%run_scoped3A : memref<!tpu.dma_semaphore, #tpu.memory_space<semaphore_mem>>) src(%arg9 : memref<80x48xf32, #tpu.memory_space<vmem>>) dst(%dma_wait3A_390 : memref<10240x48xf32, #tpu.memory_space<vmem_shared>>)
        tpu.yield
      }) : () -> ()
      %add3A_349 = arith.constant 2 : i32
      %add3A_350 = arith.addi %mul3A_319, %add3A_349 : i32
      %add3A_351 = arith.constant 3 : i32
      %add3A_352 = arith.addi %add3A_350, %add3A_351 : i32
      %lt3A_353 = arith.constant 128 : i32
      %lt3A_354 = arith.cmpi slt, %add3A_352, %lt3A_353 : i32
      %convert_element_type3A_355 = arith.extui %lt3A_354 : i1 to i32
      %cond3A_356 = arith.constant 0 : i32
      %cond3A_357 = arith.cmpi ne, %convert_element_type3A_355, %cond3A_356 : i32
      scf.if %cond3A_357 {
        %add3A_379 = arith.constant 3 : i32
        %add3A_380 = arith.addi %add3A_350, %add3A_379 : i32
        %dma_start3A_381 = arith.constant 0 : i32
        %dma_start3A_382 = tpu.memref_slice %arg6[%add3A_380, %dma_start3A_381] : memref<128x80xi32, #tpu.memory_space<vmem>> -> memref<1x80xi32, #tpu.memory_space<vmem>>
        %dma_start3A_383 = tpu.memref_squeeze %dma_start3A_382 : memref<1x80xi32, #tpu.memory_space<vmem>> -> memref<80xi32, #tpu.memory_space<vmem>>
        %dma_start3A_384 = arith.constant 0 : i32
        %dma_start3A_385 = arith.constant 0 : i32
        %dma_start3A_386 = tpu.memref_slice %arg2[%dma_start3A_384, %dma_start3A_385] : memref<80000x48xf32, #tpu.memory_space<hbm>> -> memref<80000x48xf32, #tpu.memory_space<hbm>>
        tpu.enqueue_indirect_dma source(%dma_start3A_386 : memref<80000x48xf32, #tpu.memory_space<hbm>>) target(%arg9 : memref<80x48xf32, #tpu.memory_space<vmem>>) offsets(%dma_start3A_383 : memref<80xi32, #tpu.memory_space<vmem>>) semaphore(%arg14 : memref<!tpu.dma_semaphore, #tpu.memory_space<semaphore_mem>>)
      } else {
      }
      %dma_wait3A_358 = arith.constant 0 : i32
      %dma_wait3A_359 = tpu.memref_slice %arg6[%add3A_350, %dma_wait3A_358] : memref<128x80xi32, #tpu.memory_space<vmem>> -> memref<1x80xi32, #tpu.memory_space<vmem>>
      %dma_wait3A_360 = tpu.memref_squeeze %dma_wait3A_359 : memref<1x80xi32, #tpu.memory_space<vmem>> -> memref<80xi32, #tpu.memory_space<vmem>>
      %dma_wait3A_361 = arith.constant 0 : i32
      %dma_wait3A_362 = arith.constant 0 : i32
      %dma_wait3A_363 = tpu.memref_slice %arg2[%dma_wait3A_361, %dma_wait3A_362] : memref<80000x48xf32, #tpu.memory_space<hbm>> -> memref<80000x48xf32, #tpu.memory_space<hbm>>
      tpu.wait_indirect_dma semaphore(%arg15 : memref<!tpu.dma_semaphore, #tpu.memory_space<semaphore_mem>>) src(%dma_wait3A_363 : memref<80000x48xf32, #tpu.memory_space<hbm>>) dst(%arg10 : memref<80x48xf32, #tpu.memory_space<vmem>>)
      "tpu.region"() ({
        %run_scoped3A = tpu.sem_alloc : memref<!tpu.dma_semaphore, #tpu.memory_space<semaphore_mem>>
        %dma_start3A_379 = arith.constant 0 : i32
        %dma_start3A_380 = tpu.memref_slice %arg7[%add3A_350, %dma_start3A_379] : memref<128x80xi32, #tpu.memory_space<vmem>> -> memref<1x80xi32, #tpu.memory_space<vmem>>
        %dma_start3A_381 = tpu.memref_squeeze %dma_start3A_380 : memref<1x80xi32, #tpu.memory_space<vmem>> -> memref<80xi32, #tpu.memory_space<vmem>>
        %dma_start3A_382 = arith.constant 0 : i32
        %dma_start3A_383 = arith.constant 0 : i32
        %dma_start3A_384 = tpu.memref_slice %arg12[%dma_start3A_382, %dma_start3A_383] : memref<10240x48xf32, #tpu.memory_space<vmem_shared>> -> memref<10240x48xf32, #tpu.memory_space<vmem_shared>>
        tpu.enqueue_indirect_dma source(%arg10 : memref<80x48xf32, #tpu.memory_space<vmem>>) target(%dma_start3A_384 : memref<10240x48xf32, #tpu.memory_space<vmem_shared>>) offsets(%dma_start3A_381 : memref<80xi32, #tpu.memory_space<vmem>>) semaphore(%run_scoped3A : memref<!tpu.dma_semaphore, #tpu.memory_space<semaphore_mem>>) {add = true}
        %dma_wait3A_385 = arith.constant 0 : i32
        %dma_wait3A_386 = tpu.memref_slice %arg7[%add3A_350, %dma_wait3A_385] : memref<128x80xi32, #tpu.memory_space<vmem>> -> memref<1x80xi32, #tpu.memory_space<vmem>>
        %dma_wait3A_387 = tpu.memref_squeeze %dma_wait3A_386 : memref<1x80xi32, #tpu.memory_space<vmem>> -> memref<80xi32, #tpu.memory_space<vmem>>
        %dma_wait3A_388 = arith.constant 0 : i32
        %dma_wait3A_389 = arith.constant 0 : i32
        %dma_wait3A_390 = tpu.memref_slice %arg12[%dma_wait3A_388, %dma_wait3A_389] : memref<10240x48xf32, #tpu.memory_space<vmem_shared>> -> memref<10240x48xf32, #tpu.memory_space<vmem_shared>>
        tpu.wait_indirect_dma semaphore(%run_scoped3A : memref<!tpu.dma_semaphore, #tpu.memory_space<semaphore_mem>>) src(%arg10 : memref<80x48xf32, #tpu.memory_space<vmem>>) dst(%dma_wait3A_390 : memref<10240x48xf32, #tpu.memory_space<vmem_shared>>)
        tpu.yield
      }) : () -> ()
      %add3A_364 = arith.constant 3 : i32
      %add3A_365 = arith.addi %mul3A_319, %add3A_364 : i32
      %add3A_366 = arith.constant 3 : i32
      %add3A_367 = arith.addi %add3A_365, %add3A_366 : i32
      %lt3A_368 = arith.constant 128 : i32
      %lt3A_369 = arith.cmpi slt, %add3A_367, %lt3A_368 : i32
      %convert_element_type3A_370 = arith.extui %lt3A_369 : i1 to i32
      %cond3A_371 = arith.constant 0 : i32
      %cond3A_372 = arith.cmpi ne, %convert_element_type3A_370, %cond3A_371 : i32
      scf.if %cond3A_372 {
        %add3A_379 = arith.constant 3 : i32
        %add3A_380 = arith.addi %add3A_365, %add3A_379 : i32
        %dma_start3A_381 = arith.constant 0 : i32
        %dma_start3A_382 = tpu.memref_slice %arg6[%add3A_380, %dma_start3A_381] : memref<128x80xi32, #tpu.memory_space<vmem>> -> memref<1x80xi32, #tpu.memory_space<vmem>>
        %dma_start3A_383 = tpu.memref_squeeze %dma_start3A_382 : memref<1x80xi32, #tpu.memory_space<vmem>> -> memref<80xi32, #tpu.memory_space<vmem>>
        %dma_start3A_384 = arith.constant 0 : i32
        %dma_start3A_385 = arith.constant 0 : i32
        %dma_start3A_386 = tpu.memref_slice %arg2[%dma_start3A_384, %dma_start3A_385] : memref<80000x48xf32, #tpu.memory_space<hbm>> -> memref<80000x48xf32, #tpu.memory_space<hbm>>
        tpu.enqueue_indirect_dma source(%dma_start3A_386 : memref<80000x48xf32, #tpu.memory_space<hbm>>) target(%arg10 : memref<80x48xf32, #tpu.memory_space<vmem>>) offsets(%dma_start3A_383 : memref<80xi32, #tpu.memory_space<vmem>>) semaphore(%arg15 : memref<!tpu.dma_semaphore, #tpu.memory_space<semaphore_mem>>)
      } else {
      }
      %dma_wait3A_373 = arith.constant 0 : i32
      %dma_wait3A_374 = tpu.memref_slice %arg6[%add3A_365, %dma_wait3A_373] : memref<128x80xi32, #tpu.memory_space<vmem>> -> memref<1x80xi32, #tpu.memory_space<vmem>>
      %dma_wait3A_375 = tpu.memref_squeeze %dma_wait3A_374 : memref<1x80xi32, #tpu.memory_space<vmem>> -> memref<80xi32, #tpu.memory_space<vmem>>
      %dma_wait3A_376 = arith.constant 0 : i32
      %dma_wait3A_377 = arith.constant 0 : i32
      %dma_wait3A_378 = tpu.memref_slice %arg2[%dma_wait3A_376, %dma_wait3A_377] : memref<80000x48xf32, #tpu.memory_space<hbm>> -> memref<80000x48xf32, #tpu.memory_space<hbm>>
      tpu.wait_indirect_dma semaphore(%arg16 : memref<!tpu.dma_semaphore, #tpu.memory_space<semaphore_mem>>) src(%dma_wait3A_378 : memref<80000x48xf32, #tpu.memory_space<hbm>>) dst(%arg11 : memref<80x48xf32, #tpu.memory_space<vmem>>)
      "tpu.region"() ({
        %run_scoped3A = tpu.sem_alloc : memref<!tpu.dma_semaphore, #tpu.memory_space<semaphore_mem>>
        %dma_start3A_379 = arith.constant 0 : i32
        %dma_start3A_380 = tpu.memref_slice %arg7[%add3A_365, %dma_start3A_379] : memref<128x80xi32, #tpu.memory_space<vmem>> -> memref<1x80xi32, #tpu.memory_space<vmem>>
        %dma_start3A_381 = tpu.memref_squeeze %dma_start3A_380 : memref<1x80xi32, #tpu.memory_space<vmem>> -> memref<80xi32, #tpu.memory_space<vmem>>
        %dma_start3A_382 = arith.constant 0 : i32
        %dma_start3A_383 = arith.constant 0 : i32
        %dma_start3A_384 = tpu.memref_slice %arg12[%dma_start3A_382, %dma_start3A_383] : memref<10240x48xf32, #tpu.memory_space<vmem_shared>> -> memref<10240x48xf32, #tpu.memory_space<vmem_shared>>
        tpu.enqueue_indirect_dma source(%arg11 : memref<80x48xf32, #tpu.memory_space<vmem>>) target(%dma_start3A_384 : memref<10240x48xf32, #tpu.memory_space<vmem_shared>>) offsets(%dma_start3A_381 : memref<80xi32, #tpu.memory_space<vmem>>) semaphore(%run_scoped3A : memref<!tpu.dma_semaphore, #tpu.memory_space<semaphore_mem>>) {add = true}
        %dma_wait3A_385 = arith.constant 0 : i32
        %dma_wait3A_386 = tpu.memref_slice %arg7[%add3A_365, %dma_wait3A_385] : memref<128x80xi32, #tpu.memory_space<vmem>> -> memref<1x80xi32, #tpu.memory_space<vmem>>
        %dma_wait3A_387 = tpu.memref_squeeze %dma_wait3A_386 : memref<1x80xi32, #tpu.memory_space<vmem>> -> memref<80xi32, #tpu.memory_space<vmem>>
        %dma_wait3A_388 = arith.constant 0 : i32
        %dma_wait3A_389 = arith.constant 0 : i32
        %dma_wait3A_390 = tpu.memref_slice %arg12[%dma_wait3A_388, %dma_wait3A_389] : memref<10240x48xf32, #tpu.memory_space<vmem_shared>> -> memref<10240x48xf32, #tpu.memory_space<vmem_shared>>
        tpu.wait_indirect_dma semaphore(%run_scoped3A : memref<!tpu.dma_semaphore, #tpu.memory_space<semaphore_mem>>) src(%arg11 : memref<80x48xf32, #tpu.memory_space<vmem>>) dst(%dma_wait3A_390 : memref<10240x48xf32, #tpu.memory_space<vmem_shared>>)
        tpu.yield
      }) : () -> ()
    }
    %scan3A_307 = arith.constant 32 : i32
    %barrier3A_308 = arith.constant 0 : index
    tpu.barrier barrier_id(%barrier3A_308)
    %mul3A_309 = arith.constant 632 : i32
    %mul3A_310 = arith.muli %arg1, %mul3A_309 : i32
    %multiple_of3A = tpu.assume_multiple %mul3A_310, 8 : i32
    %lt3A = arith.constant 15 : i32
    %lt3A_311 = arith.cmpi slt, %arg1, %lt3A : i32
    %convert_element_type3A = arith.extui %lt3A_311 : i1 to i32
    %cond3A = arith.constant 0 : i32
    %cond3A_312 = arith.cmpi ne, %convert_element_type3A, %cond3A : i32
    scf.if %cond3A_312 {
      "tpu.region"() ({
        %run_scoped3A = tpu.sem_alloc : memref<!tpu.dma_semaphore, #tpu.memory_space<semaphore_mem>>
        %dma_start3A_317 = arith.constant 0 : i32
        %dma_start3A_318 = arith.constant 0 : i32
        %dma_start3A_319 = tpu.memref_slice %arg5[%arg0, %dma_start3A_317, %dma_start3A_318] : memref<2x10000x48xf32, #tpu.memory_space<hbm>> -> memref<1x10000x48xf32, #tpu.memory_space<hbm>>
        %dma_start3A_320 = tpu.memref_squeeze %dma_start3A_319 : memref<1x10000x48xf32, #tpu.memory_space<hbm>> -> memref<10000x48xf32, #tpu.memory_space<hbm>>
        %dma_start3A_321 = arith.constant 0 : i32
        %dma_start3A_322 = tpu.memref_slice %dma_start3A_320[%multiple_of3A, %dma_start3A_321] : memref<10000x48xf32, #tpu.memory_space<hbm>> -> memref<632x48xf32, #tpu.memory_space<hbm>>
        %dma_start3A_323 = arith.constant 0 : i32
        %dma_start3A_324 = tpu.memref_slice %arg12[%multiple_of3A, %dma_start3A_323] : memref<10240x48xf32, #tpu.memory_space<vmem_shared>> -> memref<632x48xf32, #tpu.memory_space<vmem_shared>>
        tpu.enqueue_dma source(%dma_start3A_324 : memref<632x48xf32, #tpu.memory_space<vmem_shared>>) target(%dma_start3A_322 : memref<632x48xf32, #tpu.memory_space<hbm>>) target_semaphore(%run_scoped3A : memref<!tpu.dma_semaphore, #tpu.memory_space<semaphore_mem>>)
        %dma_wait3A = arith.constant 0 : i32
        %dma_wait3A_325 = arith.constant 0 : i32
        %dma_wait3A_326 = tpu.memref_slice %arg5[%arg0, %dma_wait3A, %dma_wait3A_325] : memref<2x10000x48xf32, #tpu.memory_space<hbm>> -> memref<1x10000x48xf32, #tpu.memory_space<hbm>>
        %dma_wait3A_327 = tpu.memref_squeeze %dma_wait3A_326 : memref<1x10000x48xf32, #tpu.memory_space<hbm>> -> memref<10000x48xf32, #tpu.memory_space<hbm>>
        %dma_wait3A_328 = arith.constant 0 : i32
        %dma_wait3A_329 = tpu.memref_slice %dma_wait3A_327[%multiple_of3A, %dma_wait3A_328] : memref<10000x48xf32, #tpu.memory_space<hbm>> -> memref<632x48xf32, #tpu.memory_space<hbm>>
        %dma_wait3A_330 = arith.constant 0 : i32
        %dma_wait3A_331 = tpu.memref_slice %arg12[%multiple_of3A, %dma_wait3A_330] : memref<10240x48xf32, #tpu.memory_space<vmem_shared>> -> memref<632x48xf32, #tpu.memory_space<vmem_shared>>
        tpu.wait_dma2 semaphore(%run_scoped3A : memref<!tpu.dma_semaphore, #tpu.memory_space<semaphore_mem>>) src(%dma_wait3A_331 : memref<632x48xf32, #tpu.memory_space<vmem_shared>>) dst(%dma_wait3A_329 : memref<632x48xf32, #tpu.memory_space<hbm>>)
        tpu.yield
      }) : () -> ()
    } else {
    }
    %eq3A = arith.constant 15 : i32
    %eq3A_313 = arith.cmpi eq, %arg1, %eq3A : i32
    %convert_element_type3A_314 = arith.extui %eq3A_313 : i1 to i32
    %cond3A_315 = arith.constant 0 : i32
    %cond3A_316 = arith.cmpi ne, %convert_element_type3A_314, %cond3A_315 : i32
    scf.if %cond3A_316 {
      "tpu.region"() ({
        %run_scoped3A = tpu.sem_alloc : memref<!tpu.dma_semaphore, #tpu.memory_space<semaphore_mem>>
        %dma_start3A_317 = arith.constant 0 : i32
        %dma_start3A_318 = arith.constant 0 : i32
        %dma_start3A_319 = tpu.memref_slice %arg5[%arg0, %dma_start3A_317, %dma_start3A_318] : memref<2x10000x48xf32, #tpu.memory_space<hbm>> -> memref<1x10000x48xf32, #tpu.memory_space<hbm>>
        %dma_start3A_320 = tpu.memref_squeeze %dma_start3A_319 : memref<1x10000x48xf32, #tpu.memory_space<hbm>> -> memref<10000x48xf32, #tpu.memory_space<hbm>>
        %dma_start3A_321 = arith.constant 9480 : i32
        %dma_start3A_322 = arith.constant 0 : i32
        %dma_start3A_323 = tpu.memref_slice %dma_start3A_320[%dma_start3A_321, %dma_start3A_322] : memref<10000x48xf32, #tpu.memory_space<hbm>> -> memref<520x48xf32, #tpu.memory_space<hbm>>
        %dma_start3A_324 = arith.constant 9480 : i32
        %dma_start3A_325 = arith.constant 0 : i32
        %dma_start3A_326 = tpu.memref_slice %arg12[%dma_start3A_324, %dma_start3A_325] : memref<10240x48xf32, #tpu.memory_space<vmem_shared>> -> memref<520x48xf32, #tpu.memory_space<vmem_shared>>
        tpu.enqueue_dma source(%dma_start3A_326 : memref<520x48xf32, #tpu.memory_space<vmem_shared>>) target(%dma_start3A_323 : memref<520x48xf32, #tpu.memory_space<hbm>>) target_semaphore(%run_scoped3A : memref<!tpu.dma_semaphore, #tpu.memory_space<semaphore_mem>>)
        %dma_wait3A = arith.constant 0 : i32
        %dma_wait3A_327 = arith.constant 0 : i32
        %dma_wait3A_328 = tpu.memref_slice %arg5[%arg0, %dma_wait3A, %dma_wait3A_327] : memref<2x10000x48xf32, #tpu.memory_space<hbm>> -> memref<1x10000x48xf32, #tpu.memory_space<hbm>>
        %dma_wait3A_329 = tpu.memref_squeeze %dma_wait3A_328 : memref<1x10000x48xf32, #tpu.memory_space<hbm>> -> memref<10000x48xf32, #tpu.memory_space<hbm>>
        %dma_wait3A_330 = arith.constant 9480 : i32
        %dma_wait3A_331 = arith.constant 0 : i32
        %dma_wait3A_332 = tpu.memref_slice %dma_wait3A_329[%dma_wait3A_330, %dma_wait3A_331] : memref<10000x48xf32, #tpu.memory_space<hbm>> -> memref<520x48xf32, #tpu.memory_space<hbm>>
        %dma_wait3A_333 = arith.constant 9480 : i32
        %dma_wait3A_334 = arith.constant 0 : i32
        %dma_wait3A_335 = tpu.memref_slice %arg12[%dma_wait3A_333, %dma_wait3A_334] : memref<10240x48xf32, #tpu.memory_space<vmem_shared>> -> memref<520x48xf32, #tpu.memory_space<vmem_shared>>
        tpu.wait_dma2 semaphore(%run_scoped3A : memref<!tpu.dma_semaphore, #tpu.memory_space<semaphore_mem>>) src(%dma_wait3A_335 : memref<520x48xf32, #tpu.memory_space<vmem_shared>>) dst(%dma_wait3A_332 : memref<520x48xf32, #tpu.memory_space<hbm>>)
        tpu.yield
      }) : () -> ()
    } else {
    }
    return
  }
}

module attributes {stable_mosaic.version = 14 : i64} {
  func.func @_mm_plain_body(%arg0: i32, %arg1: i32, %arg2: memref<10000x128xf32, #tpu.memory_space<vmem>>, %arg3: memref<1x128x64xf32, #tpu.memory_space<vmem>>, %arg4: memref<10000x64xf32, #tpu.memory_space<vmem>>) attributes {dimension_semantics = [#tpu.dimension_semantics<arbitrary>, #tpu.dimension_semantics<arbitrary>], iteration_bounds = array<i64: 1, 8>, scalar_prefetch = 0 : i64, scratch_operands = 0 : i64, tpu.core_type = #tpu.core_type<tc>, window_params = [{transform_indices = @transform_0, window_bounds = array<i64: 10000, 128>}, {transform_indices = @transform_1, window_bounds = array<i64: 1, 128, 64>}, {transform_indices = @transform_2, window_bounds = array<i64: 10000, 64>}]} {
    %get3A = arith.constant 0 : index
    %get3A_0 = arith.constant 0 : index
    %get3A_1 = vector.load %arg2[%get3A, %get3A_0] : memref<10000x128xf32, #tpu.memory_space<vmem>>, vector<10000x128xf32>
    %get3A_2 = arith.constant 0 : index
    %get3A_3 = arith.constant 0 : index
    %get3A_4 = arith.constant 0 : index
    %get3A_5 = vector.load %arg3[%get3A_2, %get3A_3, %get3A_4] : memref<1x128x64xf32, #tpu.memory_space<vmem>>, vector<1x128x64xf32>
    %get3A_6 = vector.shape_cast %get3A_5 : vector<1x128x64xf32> to vector<128x64xf32>
    %dot_general3A = arith.constant dense<0.000000e+00> : vector<10000x64xf32>
    %dot_general3A_7 = tpu.matmul %get3A_1, %get3A_6, %dot_general3A {dimension_numbers = #tpu.dot_dimension_numbers<[1], [0], [0], [1], [0, 0, 1, 1], [], []>, transpose_lhs_hint = false} : vector<10000x128xf32>, vector<128x64xf32>, vector<10000x64xf32> -> vector<10000x64xf32>
    %swap3A = arith.constant 0 : index
    %swap3A_8 = arith.constant 0 : index
    %swap3A_9 = vector.load %arg4[%swap3A, %swap3A_8] : memref<10000x64xf32, #tpu.memory_space<vmem>>, vector<10000x64xf32>
    tpu.vector_store %arg4[%swap3A, %swap3A_8], %dot_general3A_7 {strides = array<i32>} : memref<10000x64xf32, #tpu.memory_space<vmem>>, vector<10000x64xf32>,
    return
  }
  func.func @transform_0(%arg0: i32, %arg1: i32) -> (i32, i32) {
    %c0_i32 = arith.constant 0 : i32
    %c0_i32_0 = arith.constant 0 : i32
    return %arg0, %c0_i32 : i32, i32
  }
  func.func @transform_1(%arg0: i32, %arg1: i32) -> (i32, i32, i32) {
    %c0_i32 = arith.constant 0 : i32
    %c0_i32_0 = arith.constant 0 : i32
    %c0_i32_1 = arith.constant 0 : i32
    return %arg1, %c0_i32, %c0_i32_0 : i32, i32, i32
  }
  func.func @transform_2(%arg0: i32, %arg1: i32) -> (i32, i32) {
    %mul3A = arith.constant 1 : i32
    %mul3A_0 = arith.muli %arg1, %mul3A : i32
    %add3A = arith.addi %mul3A_0, %arg0 : i32
    %c0_i32 = arith.constant 0 : i32
    %c0_i32_1 = arith.constant 0 : i32
    return %add3A, %c0_i32 : i32, i32
  }
}

module attributes {stable_mosaic.version = 14 : i64} {
  func.func @_idx_body(%arg0: memref<2x320000xi32, #tpu.memory_space<vmem>>, %arg1: memref<320000xi32, #tpu.memory_space<vmem>>, %arg2: memref<320000xi32, #tpu.memory_space<vmem>>) attributes {dimension_semantics = [], scalar_prefetch = 0 : i64, scratch_operands = 0 : i64, tpu.core_type = #tpu.core_type<tc>} {
    %get3A = arith.constant 0 : index
    %get3A_0 = vector.load %arg1[%get3A] : memref<320000xi32, #tpu.memory_space<vmem>>, vector<320000xi32>
    %mul3A = arith.constant 10000 : i32
    %mul3A_1 = vector.broadcast %mul3A : i32 to vector<320000xi32>
    %mul3A_2 = arith.muli %get3A_0, %mul3A_1 : vector<320000xi32>
    %get3A_3 = arith.constant 0 : index
    %get3A_4 = arith.constant 0 : index
    %get3A_5 = vector.load %arg0[%get3A_3, %get3A_4] : memref<2x320000xi32, #tpu.memory_space<vmem>>, vector<1x320000xi32>
    %get3A_6 = vector.shape_cast %get3A_5 : vector<1x320000xi32> to vector<320000xi32>
    %add3A = arith.addi %mul3A_2, %get3A_6 : vector<320000xi32>
    %swap3A = arith.constant 0 : index
    %swap3A_7 = vector.load %arg2[%swap3A] : memref<320000xi32, #tpu.memory_space<vmem>>, vector<320000xi32>
    tpu.vector_store %arg2[%swap3A], %add3A {strides = array<i32>} : memref<320000xi32, #tpu.memory_space<vmem>>, vector<320000xi32>,
    return
  }
}

module attributes {stable_mosaic.version = 14 : i64} {
  func.func @_mm_fused_body(%arg0: i32, %arg1: i32, %arg2: memref<2x10000x64xf32, #tpu.memory_space<vmem>>, %arg3: memref<1x64x48xf32, #tpu.memory_space<vmem>>, %arg4: memref<10000x48xf32, #tpu.memory_space<vmem>>) attributes {dimension_semantics = [#tpu.dimension_semantics<arbitrary>, #tpu.dimension_semantics<arbitrary>], iteration_bounds = array<i64: 1, 8>, scalar_prefetch = 0 : i64, scratch_operands = 0 : i64, tpu.core_type = #tpu.core_type<tc>, window_params = [{transform_indices = @transform_0, window_bounds = array<i64: 2, 10000, 64>}, {transform_indices = @transform_1, window_bounds = array<i64: 1, 64, 48>}, {transform_indices = @transform_2, window_bounds = array<i64: 10000, 48>}]} {
    %get3A = arith.constant 0 : index
    %get3A_0 = arith.constant 0 : index
    %get3A_1 = arith.constant 0 : index
    %get3A_2 = vector.load %arg2[%get3A, %get3A_0, %get3A_1] : memref<2x10000x64xf32, #tpu.memory_space<vmem>>, vector<1x10000x64xf32>
    %get3A_3 = vector.shape_cast %get3A_2 : vector<1x10000x64xf32> to vector<10000x64xf32>
    %get3A_4 = arith.constant 1 : index
    %get3A_5 = arith.constant 0 : index
    %get3A_6 = arith.constant 0 : index
    %get3A_7 = vector.load %arg2[%get3A_4, %get3A_5, %get3A_6] : memref<2x10000x64xf32, #tpu.memory_space<vmem>>, vector<1x10000x64xf32>
    %get3A_8 = vector.shape_cast %get3A_7 : vector<1x10000x64xf32> to vector<10000x64xf32>
    %add3A = arith.addf %get3A_3, %get3A_8 : vector<10000x64xf32>
    %max3A = arith.constant 0.000000e+00 : f32
    %max3A_9 = vector.broadcast %max3A : f32 to vector<10000x64xf32>
    %max3A_10 = arith.maximumf %add3A, %max3A_9 : vector<10000x64xf32>
    %get3A_11 = arith.constant 0 : index
    %get3A_12 = arith.constant 0 : index
    %get3A_13 = arith.constant 0 : index
    %get3A_14 = vector.load %arg3[%get3A_11, %get3A_12, %get3A_13] : memref<1x64x48xf32, #tpu.memory_space<vmem>>, vector<1x64x48xf32>
    %get3A_15 = vector.shape_cast %get3A_14 : vector<1x64x48xf32> to vector<64x48xf32>
    %dot_general3A = arith.constant dense<0.000000e+00> : vector<10000x48xf32>
    %dot_general3A_16 = tpu.matmul %max3A_10, %get3A_15, %dot_general3A {dimension_numbers = #tpu.dot_dimension_numbers<[1], [0], [0], [1], [0, 0, 1, 1], [], []>, transpose_lhs_hint = false} : vector<10000x64xf32>, vector<64x48xf32>, vector<10000x48xf32> -> vector<10000x48xf32>
    %swap3A = arith.constant 0 : index
    %swap3A_17 = arith.constant 0 : index
    %swap3A_18 = vector.load %arg4[%swap3A, %swap3A_17] : memref<10000x48xf32, #tpu.memory_space<vmem>>, vector<10000x48xf32>
    tpu.vector_store %arg4[%swap3A, %swap3A_17], %dot_general3A_16 {strides = array<i32>} : memref<10000x48xf32, #tpu.memory_space<vmem>>, vector<10000x48xf32>,
    return
  }
  func.func @transform_0(%arg0: i32, %arg1: i32) -> (i32, i32, i32) {
    %c0_i32 = arith.constant 0 : i32
    %c0_i32_0 = arith.constant 0 : i32
    %c0_i32_1 = arith.constant 0 : i32
    return %c0_i32, %arg0, %c0_i32_0 : i32, i32, i32
  }
  func.func @transform_1(%arg0: i32, %arg1: i32) -> (i32, i32, i32) {
    %c0_i32 = arith.constant 0 : i32
    %c0_i32_0 = arith.constant 0 : i32
    %c0_i32_1 = arith.constant 0 : i32
    return %arg1, %c0_i32, %c0_i32_0 : i32, i32, i32
  }
  func.func @transform_2(%arg0: i32, %arg1: i32) -> (i32, i32) {
    %mul3A = arith.constant 1 : i32
    %mul3A_0 = arith.muli %arg1, %mul3A : i32
    %add3A = arith.addi %mul3A_0, %arg0 : i32
    %c0_i32 = arith.constant 0 : i32
    %c0_i32_1 = arith.constant 0 : i32
    return %add3A, %c0_i32 : i32, i32
  }
}

module attributes {stable_mosaic.version = 14 : i64} {
  func.func @_add_body(%arg0: i32, %arg1: memref<2x10000x48xf32, #tpu.memory_space<vmem>>, %arg2: memref<10000x40xf32, #tpu.memory_space<vmem>>) attributes {dimension_semantics = [#tpu.dimension_semantics<arbitrary>], iteration_bounds = array<i64: 1>, scalar_prefetch = 0 : i64, scratch_operands = 0 : i64, tpu.core_type = #tpu.core_type<tc>, window_params = [{transform_indices = @transform_0, window_bounds = array<i64: 2, 10000, 48>}, {transform_indices = @transform_1, window_bounds = array<i64: 10000, 40>}]} {
    %get3A = arith.constant 0 : index
    %get3A_0 = arith.constant 0 : index
    %get3A_1 = arith.constant 0 : index
    %get3A_2 = vector.load %arg1[%get3A, %get3A_0, %get3A_1] : memref<2x10000x48xf32, #tpu.memory_space<vmem>>, vector<1x10000x48xf32>
    %get3A_3 = vector.shape_cast %get3A_2 : vector<1x10000x48xf32> to vector<10000x48xf32>
    %get3A_4 = arith.constant 1 : index
    %get3A_5 = arith.constant 0 : index
    %get3A_6 = arith.constant 0 : index
    %get3A_7 = vector.load %arg1[%get3A_4, %get3A_5, %get3A_6] : memref<2x10000x48xf32, #tpu.memory_space<vmem>>, vector<1x10000x48xf32>
    %get3A_8 = vector.shape_cast %get3A_7 : vector<1x10000x48xf32> to vector<10000x48xf32>
    %add3A = arith.addf %get3A_3, %get3A_8 : vector<10000x48xf32>
    %slice3A = vector.extract_strided_slice %add3A {offsets = [0, 0], sizes = [10000, 40], strides = [1, 1]} : vector<10000x48xf32> to vector<10000x40xf32>
    %swap3A = arith.constant 0 : index
    %swap3A_9 = arith.constant 0 : index
    %swap3A_10 = vector.load %arg2[%swap3A, %swap3A_9] : memref<10000x40xf32, #tpu.memory_space<vmem>>, vector<10000x40xf32>
    tpu.vector_store %arg2[%swap3A, %swap3A_9], %slice3A {strides = array<i32>} : memref<10000x40xf32, #tpu.memory_space<vmem>>, vector<10000x40xf32>,
    return
  }
  func.func @transform_0(%arg0: i32) -> (i32, i32, i32) {
    %c0_i32 = arith.constant 0 : i32
    %c0_i32_0 = arith.constant 0 : i32
    %c0_i32_1 = arith.constant 0 : i32
    return %c0_i32, %arg0, %c0_i32_0 : i32, i32, i32
  }
  func.func @transform_1(%arg0: i32) -> (i32, i32) {
    %c0_i32 = arith.constant 0 : i32
    %c0_i32_0 = arith.constant 0 : i32
    return %arg0, %c0_i32 : i32, i32
  }
}

</mosaic_0001>

<sc_bundles>
// kernel: kernel.11.cloned.1.call-start
scs
__scs_entry_jumppad:
0x0: {  	(pc) =	sbr.rel $0x88, $3  }
0x1: {  	(tag) =	ssettag $0x0;
	lr =	simm.s32 $0x1  }
0x2: {  	[smem:$0x3F9C] =	sst lr;
	_ =	strace $0xD0000000  }
0x3: {  	_ = 	snop  }
0x4: {  	_ = 	snop  }
0x5: {  	_ = 	snop  }
0x6: {  	_ = 	snop  }
0x7: {  	_ = 	snop  }
__scs_overlays_trampoline_lowered:
0x8: {  	[smem:$0x3FAB] =	sst s0  }
0x9: {  	[smem:$0x3FAC] =	sst s1  }
0xa: {  	[smem:$0x3FAD] =	sst s2  }
0xb: {  	[smem:$0x3FAE] =	sst s3  }
0xc: {  	[smem:$0x3FAF] =	sst s4  }
0xd: {  	[smem:$0x3FB0] =	sst s5  }
0xe: {  	[smem:$0x3FB1] =	sst s6  }
0xf: {  	[smem:$0x3FB2] =	sst s7  }
0x10: {  	[smem:$0x3FB3] =	sst s8  }
0x11: {  	[smem:$0x3FB4] =	sst s9;
	s0 =	simm.s32 @!p0 $0x0  }
0x12: {  	s1 =	sld [smem:$0x3F9A];
	s0 =	simm.s32 @p0 $0x1  }
0x13: {  	[smem:$0x3FB5] =	sst s0;
	s0 =	simm.s32 @!p1 $0x0  }
0x14: {  	s2 =	sld [smem:$0x3F99];
	s0 =	simm.s32 @p1 $0x1  }
0x15: {  	[smem:$0x3FB6] =	sst s0;
	s0 =	simm.s32 @!p2 $0x0  }
0x16: {  	s3 =	sld [smem:$0x3FDB];
	s0 =	simm.s32 @p2 $0x1  }
0x17: {  	s4 =	simm.s32 $0x1BF5;
	[smem:$0x3FB8] =	sst s0  }
0x18: {  	s0 =	sld [smem:$0x3F9B];
	_ =	swait.ge [sflag:s4], $0x0  }
0x19: {  	s7 =	sld [smem:$0x3F9C]  }
0x1a: {  	s8 =	sadd.s32 $0xFFFFE003, lr  }
0x1b: {  	s9 =	sadd.s32 $0xFFFFFEF7, lr;
	s5 =	simm.s32 $0xFFFFFFFF;
	p2 =	slt.u32 s8, $0xFFFFF086  }
0x1c: {  	p1 =	slt.u32 s9, $0xF7A;
	s5 =	simm.s32 @!p2 $0x0  }
0x1d: {  	s5 =	simm.s32 @p1 $0x1;
	p0 =	seq.s32 s7, s2  }
0x1e: {  	s7 =	smul.u32 @!p0 $0xF7A, s2;
	p2 =	seq.s32 @!p0 s5, $0x0  }
0x1f: {  	s9 =	smul.u32 $0xF7A, s1;
	s8 =	simm.s32 @!p0 $0x1BF5;
	p2 =	por !p2, p0  }
0x20: {  	[sflag:s8] =	ssyncset.s32 @!p0 $0xFFFFF086;
	s6 =	sadd.s32 @!p0 s3, s7;
	s7 =	simm.s32 @!p0 $0x108  }
0x21: {  	s3 =	sadd.s32 s3, s9;
	s6 =	sadd.s32 @!p0 $0x88, s6;
	s7 =	simm.s32 @p2 $0x1082  }
0x22: {  	[simem:s7], [sflag:s8] =	dma.local @!p0 [hbm:s6], $0xF7A  }
0x23: {  	s9 =	sor.u32 $0xD0000000, s2;
	s6 =	simm.s32 $0x108;
	_ =	swait.ge @!p0 [sflag:s8], $0x0  }
0x24: {  	s3 =	sadd.s32 $0x88, s3;
	s6 =	simm.s32 @!p1 $0x1082;
	[sflag:s4] =	ssyncset.s32 $0xFFFFF086  }
0x25: {  	[simem:s6], [sflag:s4] =	dma.local [hbm:s3], $0xF7A  }
0x26: {  	[smem:$0x3F9C] =	sst s1;
	(tag) =	ssettag s2;
	_ =	strace s9  }
0x27: {  	s1 =	sld [smem:$0x3FAC]  }
0x28: {  	s2 =	sld [smem:$0x3FAD]  }
0x29: {  	s4 =	sld [smem:$0x3FAF]  }
0x2a: {  	p0 =	seq.s32 s5, $0x0;
	s5 =	sld [smem:$0x3FB0]  }
0x2b: {  	s6 =	sld [smem:$0x3FB1]  }
0x2c: {  	s7 =	sld [smem:$0x3FB2]  }
0x2d: {  	s3 =	simm.s32 $0x108;
	s8 =	sld [smem:$0x3FB3]  }
0x2e: {  	s3 =	simm.s32 @!p0 $0x1082;
	s9 =	sld [smem:$0x3FB4]  }
0x2f: {  	lr =	sadd.s32 s0, s3;
	s0 =	sld [smem:$0x3FAB]  }
0x30: {  	s3 =	sld [smem:$0x3FAE]  }
0x31: {  	[smem:$0x3FB7] =	sst s10  }
0x32: {  	s10 =	sld [smem:$0x3FB5];
	_ =	sdelay $0x3  }
0x33: {  	p0 =	seq.s32 s10, $0x1;
	s10 =	sld [smem:$0x3FB7];
	_ =	sdelay $0x3  }
0x34: {  	[smem:$0x3FB7] =	sst s10  }
0x35: {  	s10 =	sld [smem:$0x3FB6];
	_ =	sdelay $0x3  }
0x36: {  	p1 =	seq.s32 s10, $0x1;
	s10 =	sld [smem:$0x3FB7];
	_ =	sdelay $0x3  }
0x37: {  	[smem:$0x3FB7] =	sst s10  }
0x38: {  	s10 =	sld [smem:$0x3FB8]  }
0x39: {  	_ = 	snop;
	(pc) =	sbr.ind lr, $3  }
0x3a: {  	_ = 	snop  }
0x3b: {  	_ = 	snop  }
0x3c: {  	p2 =	seq.s32 s10, $0x1;
	s10 =	sld [smem:$0x3FB7]  }
0x3d: {  	_ =	shalt  }
0x3e: {  	_ =	shalt  }
0x3f: {  	_ =	shalt  }
0x40: {  	_ =	shalt  }
0x41: {  	_ =	shalt  }
0x42: {  	_ =	shalt  }
0x43: {  	_ =	shalt  }
0x44: {  	_ =	shalt  }
0x45: {  	_ =	shalt  }
0x46: {  	_ =	shalt  }
0x47: {  	_ =	shalt  }
0x48: {  	_ =	shalt  }
0x49: {  	_ =	shalt  }
0x4a: {  	_ =	shalt  }
0x4b: {  	_ =	shalt  }
0x4c: {  	_ =	shalt  }
0x4d: {  	_ =	shalt  }
0x4e: {  	_ =	shalt  }
0x4f: {  	_ =	shalt  }
0x50: {  	_ =	shalt  }
0x51: {  	_ =	shalt  }
0x52: {  	_ =	shalt  }
0x53: {  	_ =	shalt  }
0x54: {  	_ =	shalt  }
0x55: {  	_ =	shalt  }
0x56: {  	_ =	shalt  }
0x57: {  	_ =	shalt  }
0x58: {  	_ =	shalt  }
0x59: {  	_ =	shalt  }
0x5a: {  	_ =	shalt  }
0x5b: {  	_ =	shalt  }
0x5c: {  	_ =	shalt  }
0x5d: {  	_ =	shalt  }
0x5e: {  	_ =	shalt  }
0x5f: {  	_ =	shalt  }
0x60: {  	_ =	shalt  }
0x61: {  	_ =	shalt  }
0x62: {  	_ =	shalt  }
0x63: {  	_ =	shalt  }
0x64: {  	_ =	shalt  }
0x65: {  	_ =	shalt  }
0x66: {  	_ =	shalt  }
0x67: {  	_ =	shalt  }
0x68: {  	_ =	shalt  }
0x69: {  	_ =	shalt  }
0x6a: {  	_ =	shalt  }
0x6b: {  	_ =	shalt  }
0x6c: {  	_ =	shalt  }
0x6d: {  	_ =	shalt  }
0x6e: {  	_ =	shalt  }
0x6f: {  	_ =	shalt  }
0x70: {  	_ =	shalt  }
0x71: {  	_ =	shalt  }
0x72: {  	_ =	shalt  }
0x73: {  	_ =	shalt  }
0x74: {  	_ =	shalt  }
0x75: {  	_ =	shalt  }
0x76: {  	_ =	shalt  }
0x77: {  	_ =	shalt  }
0x78: {  	_ =	shalt  }
0x79: {  	_ =	shalt  }
0x7a: {  	_ =	shalt  }
0x7b: {  	_ =	shalt  }
0x7c: {  	_ =	shalt  }
0x7d: {  	_ =	shalt  }
0x7e: {  	_ =	shalt  }
0x7f: {  	_ =	shalt  }
0x80: {  	_ =	shalt  }
0x81: {  	_ =	shalt  }
0x82: {  	_ =	shalt  }
0x83: {  	_ =	shalt  }
0x84: {  	_ =	shalt  }
0x85: {  	_ =	shalt  }
0x86: {  	_ =	shalt  }
0x87: {  	_ =	shalt  }
.Lfunc_end0:
.L_simem_size_0:
called_computation.1_lowered:
.L_overlay_start_0:
0x88: {  	s2 =	sld [smem:$0x3FD9]  }
0x89: {  	s3 =	sld [smem:$0x3FFE];
	_ =	sdelay $0x1  }
0x8a: {  	s1 =	srdreg.scid  }
0x8b: {  	s0 =	sand.u32 $0x1, s1  }
0x8c: {  	s17 =	sshll.u32 s0, $0xA;
	s2 =	sadd.s32 s3, s2  }
0x8d: {  	s2 =	sadd.s32 s2, s17  }
0x8e: {  	[smem:$0x3FC3] =	sst s2  }
0x8f: {  	_ = 	snop  }
0x90: {  	s2 =	sld [smem:$0x3FD0];
	(tm) =	ssettm $0x1  }
0x91: {  	s18 =	sld [smem:$0x3FFB];
	_ =	sdelay $0x3  }
0x92: {  	_ =	strace s18  }
0x93: {  	s3 =	sld [smem:$0x3FFC];
	_ =	sdelay $0x3  }
0x94: {  	_ =	strace s3  }
0x95: {  	s3 =	sld [smem:$0x3FFD];
	_ =	sdelay $0x3  }
0x96: {  	_ =	strace s3  }
0x97: {  	_ =	strace $0x8FFFFFFF  }
0x98: {  	s19 =	sld [smem:$0x3FDB];
	_ =	sdelay $0x1  }
0x99: {  	s4 =	simm.s32 $_scs_section_size  }
0x9a: {  	s5 =	simm.s32 $_size__tile_overlayer_lowered;
	s6 =	simm.s32 $_tile_overlayer_lowered  }
0x9b: {  	s22 =	simm.s32 $0x1BFF;
	s21 =	sshll.u32 s6, $0x1;
	s3 =	sadd.s32 s4, s19  }
0x9c: {  	s7 =	simm.s32 $0x0;
	s20 =	sshll.u32 s5, $0x1;
	s5 =	sadd.s32 s21, s3  }
0x9d: {  	[timem:s7], [sflag:s22] =	dma.local [hbm:s5], s20  }
0x9e: {  	_ =	swait.ge [sflag:s22], s20  }
0x9f: {  	s4 =	ssub.s32 $0x0, s20;
	[sflag:s22] =	ssyncset.done $0x0  }
0xa0: {  	[sflag:s22] =	ssyncadd.s32 s4;
	_ =	sdelay $0x1  }
0xa1: {  	s23 =	simm.s32 $0x1B8B  }
0xa2: {  	_ =	swait.ge [sflag:s23], $0x1  }
0xa3: {  	[sflag:s23] =	ssyncset.done $0x0  }
0xa4: {  	s25 =	simm.s32 $0x1B8E;
	s24 =	sld [smem:$0x3FFE];
	[sflag:s23] =	ssyncadd.s32 $0xFFFFFFFF  }
0xa5: {  	s26 =	simm.s32 $execute0_lowered;
	[smem:$0x3FD2] =	sst s25  }
0xa6: {  	s5 =	sshll.u32 s26, $0x1;
	_ =	strace $0x80000049;
	[dreg:$0x1] =	wrdreg $0xFFFFFFFF  }
0xa7: {  	s28 =	simm.s32 $_size_execute0_lowered;
	s3 =	sadd.s32 s3, s5;
	[dreg:$0x0] =	wrdreg $0x0  }
0xa8: {  	s5 =	sshll.u32 s28, $0x1;
	[dreg:$0x2] =	wrdreg s3  }
0xa9: {  	[dreg:$0x3] =	wrdreg s5  }
0xaa: {  	[dreg:$0x4] =	wrdreg $0xC0  }
0xab: {  	_ =	task [dreg:s7], $0x5FFFF  }
0xac: {  	[dreg:$0x1] =	wrdreg $0xFFFFFFFF  }
0xad: {  	[dreg:$0x0] =	wrdreg $0x60  }
0xae: {  	[dreg:$0x2] =	wrdreg s24  }
0xaf: {  	[dreg:$0x3] =	wrdreg s2  }
0xb0: {  	[dreg:$0x4] =	wrdreg $0x8C000  }
0xb1: {  	[dreg:$0x5] =	wrdreg $0x9  }
0xb2: {  	_ =	task.clear_ibuf [dreg:s7], $0x6FFFF;
	_ =	strace $0x90000049  }
0xb3: {  	s29 =	simm.s32 $0x9;
	_ =	strace $0x8000004B  }
0xb4: {  	_ =	swait.ge [sflag:s29], $0x1  }
0xb5: {  	[sflag:s29] =	ssyncadd.s32 $0xFFFFFFFF  }
0xb6: {  	_ =	strace $0x9000004B  }
0xb7: {  	_ =	sfence  }
0xb8: {  	s30 =	sld [smem:$0x0];
	_ =	sdelay $0x2  }
0xb9: {  	s31 =	sshll.u32 s1, $0xD;
	s1 =	sshrl.u32 s1, $0x2  }
0xba: {  	s3 =	sand.u32 $0x4000, s31;
	s1 =	sadd.s32 s1, s30  }
0xbb: {  	s0 =	sor.u32 s3, s0;
	s1 =	sshll.u32 s1, $0x11  }
0xbc: {  	s0 =	sor.u32 s1, s0  }
0xbd: {  	s0 =	sadd.s32 $0x8F2B, s0  }
0xbe: {  	[sflag:s0] =	ssyncadd.remote.s32 $0x1  }
0xbf: {  	_ =	sfence.sel $0xFFFF  }
0xc0: {  	[dreg:$0x0] =	wrdreg $0xFFFFFFFF;
	(pc) =	sbr.abs _section_cstart, $3  }
0xc1: {  	[dreg:$0x1] =	wrdreg $0xFFFFFFFF  }
0xc2: {  	_ =	task.clear_ibuf [dreg:s7], $0x2FFFF;
	_ =	strace $0x9FFFFFFF  }
0xc3: {  	(tm) =	ssettm $0x7FFFFFFF  }
tec
execute0_lowered:
.L_overlay_start_1:
0x0: {  	(tag) =	ssettag $0x1  }
0x1: {  	s0 =	rddreg [dreg:$0x0]  }
0x2: {  	s2 =	rddreg [dreg:$0x1]  }
0x3: {  	s1 =	rddreg [dreg:$0x2]  }
0x4: {  	s3 =	srdreg.scid;
	s5 =	simm.s32 $0x0;
	s22 =	stileid.u32  }
0x5: {  	s17 =	simm.s32 $0x5;
	s19 =	simm.s32 $0x5000;
	s20 =	simm.s32 $0x50  }
0x6: {  	s21 =	simm.s32 $0x5F00;
	s28 =	simm.s32 $0x7D00;
	s29 =	simm.s32 $0x1  }
0x7: {  	s30 =	simm.s32 $0x2;
	s31 =	simm.s32 $0x3;
	s8 =	smul.u32 $0x7680, s22  }
0x8: {  	s3 =	sand.u32 $0x1, s3;
	[smem:$0x7FF] =	sst s5;
	s9 =	smul.u32 $0x1E000, s22  }
0x9: {  	s18 =	sadd.s32 $0x6F180, s1;
	p0 =	seq.s32 s22, $0xF;
	s4 =	sshll.u32 s3, $0x4  }
0xa: {  	v0 =	vlaneseq.u32;
	_ =	strace $0x8000004A;
	s6 =	smul.u32 $0xEA60, s3;
	s3 =	ssub.s32 $0x2, s3  }
0xb: {  	v30 =	vimm.f32 $0.0e+00;
	v1 =	vor.u32 $0x2710, v0;
	v2 =	vor.u32 $0x10, v0;
	s4 =	sor.u32 s22, s4;
	s24 =	sshrl.u32 s3, $0x1;
	s26 =	sshrl.u32 s9, $0x2  }
0xc: {  	v3 =	vor.u32 $0x2720, v0;
	v4 =	vor.u32 $0x20, v0;
	v5 =	vor.u32 $0x2730, v0;
	s5 =	sadd.s32 s8, s1;
	s23 =	smul.u32 $0x4E2, s4;
	s3 =	ssub.s32 s3, s24  }
0xd: {  	v6 =	vor.u32 $0x30, v0;
	v7 =	vor.u32 $0x2740, v0;
	v8 =	vor.u32 $0x40, v0;
	s22 =	simm.s32 $0x0;
	s4 =	sadd.s32 $0x143400, s0;
	s9 =	smax.u32 s3, $0x1  }
0xe: {  	v9 =	vor.u32 $0x2750, v0;
	v10 =	vor.u32 $0x50, v0;
	v11 =	vor.u32 $0x2760, v0;
	s7 =	sadd.s32 s23, s0;
	s0 =	sadd.s32 s6, s0;
	s2 =	sadd.s32 s2, s23  }
0xf: {  	v12 =	vor.u32 $0x60, v0;
	v13 =	vor.u32 $0x2770, v0;
	v14 =	vor.u32 $0x70, v0;
	s23 =	sshrl.u32 @p0 s18, $0x3;
	[dreg:$0x4] =	wrdreg s2;
	s25 =	sadd.s32 $0xE00, s7  }
0x10: {  	v15 =	vor.u32 $0x2780, v0;
	v16 =	vor.u32 $0x80, v0;
	v17 =	vor.u32 $0x2790, v0;
	s7 =	sadd.s32 $0xAC00, s0;
	s0 =	sshrl.u32 s8, $0x3;
	s8 =	sadd.s32 s26, s1  }
0x11: {  	v18 =	vor.u32 $0x90, v0;
	v19 =	vor.u32 $0x27A0, v0;
	v20 =	vor.u32 $0xA0, v0;
	s26 =	simm.s32 $0x6E00;
	[dreg:$0x5] =	wrdreg s25;
	s10 =	sadd.s32 $0xF00, s8  }
0x12: {  	v21 =	vor.u32 $0x27B0, v0;
	v22 =	vor.u32 $0xB0, v0;
	v23 =	vor.u32 $0x27C0, v0;
	s11 =	sadd.s32 $0x1E00, s8;
	s12 =	sadd.s32 $0x2D00, s8;
	s13 =	sadd.s32 $0x3C00, s8  }
0x13: {  	v24 =	vor.u32 $0xC0, v0;
	v25 =	vor.u32 $0x27D0, v0;
	v26 =	vor.u32 $0xD0, v0;
	s14 =	sadd.s32 $0x4B00, s8;
	s15 =	sadd.s32 $0x5A00, s8;
	s16 =	sadd.s32 $0x6900, s8  }
0x14: {  	v27 =	vor.u32 $0x27E0, v0;
	v28 =	vor.u32 $0xE0, v0;
	v29 =	vor.u32 $0x27F0, v0;
	s24 =	sadd.s32 @!p0 s0, s7;
	s25 =	sshrl.u32 @!p0 s5, $0x3;
	s0 =	simm.s32 $0x4  }
.LBB2_1:
0x15: {  	s2 =	simm.s32 $0x0;
	s3 =	rddreg [dreg:$0x4]  }
0x16: {  	[tilespmem:s2], [sflag:$0x5] =	stream.linear.gather [hbm4b:s3+s2], $0x2710, $0x38;
	[tilespmem:$0x10400] =	vst v63  }
0x17: {  	_ =	swait.ge [sflag:s17], $0x2710  }
0x18: {  	[sflag:s17] =	ssyncset.done $0x0  }
0x19: {  	s5 =	simm.s32 $0x2800;
	s18 =	rddreg [dreg:$0x5];
	[sflag:s17] =	ssyncadd.s32 $0xFFFFD8F0  }
0x1a: {  	[tilespmem:s5], [sflag:$0x5] =	stream.linear.gather [hbm4b:s18+s2], $0x2710, $0x38;
	[tilespmem:$0x10400] =	vst v63  }
0x1b: {  	_ =	swait.ge [sflag:s17], $0x2710  }
0x1c: {  	[sflag:s17] =	ssyncset.done $0x0  }
0x1d: {  	[sflag:s17] =	ssyncadd.s32 $0xFFFFD8F0  }
0x1e: {  	[tilespmem:$0x2710] =	vst v0  }
0x1f: {  	[tilespmem:$0x4F10] =	vst v1  }
0x20: {  	[tilespmem:$0x2720] =	vst v2  }
0x21: {  	[tilespmem:$0x4F20] =	vst v3  }
0x22: {  	[tilespmem:$0x2730] =	vst v4  }
0x23: {  	[tilespmem:$0x4F30] =	vst v5  }
0x24: {  	[tilespmem:$0x2740] =	vst v6  }
0x25: {  	[tilespmem:$0x4F40] =	vst v7  }
0x26: {  	[tilespmem:$0x2750] =	vst v8  }
0x27: {  	[tilespmem:$0x4F50] =	vst v9  }
0x28: {  	[tilespmem:$0x2760] =	vst v10  }
0x29: {  	[tilespmem:$0x4F60] =	vst v11  }
0x2a: {  	[tilespmem:$0x2770] =	vst v12  }
0x2b: {  	[tilespmem:$0x4F70] =	vst v13  }
0x2c: {  	[tilespmem:$0x2780] =	vst v14  }
0x2d: {  	[tilespmem:$0x4F80] =	vst v15  }
0x2e: {  	[tilespmem:$0x2790] =	vst v16  }
0x2f: {  	[tilespmem:$0x4F90] =	vst v17  }
0x30: {  	[tilespmem:$0x27A0] =	vst v18  }
0x31: {  	[tilespmem:$0x4FA0] =	vst v19  }
0x32: {  	[tilespmem:$0x27B0] =	vst v20  }
0x33: {  	[tilespmem:$0x4FB0] =	vst v21  }
0x34: {  	[tilespmem:$0x27C0] =	vst v22  }
0x35: {  	[tilespmem:$0x4FC0] =	vst v23  }
0x36: {  	[tilespmem:$0x27D0] =	vst v24  }
0x37: {  	[tilespmem:$0x4FD0] =	vst v25  }
0x38: {  	[tilespmem:$0x27E0] =	vst v26  }
0x39: {  	[tilespmem:$0x4FE0] =	vst v27  }
0x3a: {  	[tilespmem:$0x27F0] =	vst v28  }
0x3b: {  	s3 =	simm.s32 $0x0;
	s2 =	simm.s32 $0xC0;
	[tilespmem:$0x4FF0] =	vst v29  }
.LBB2_2:
0x3c: {  	p1 =	sne.s32 s2, $0x3B40;
	[tilespmem:s3+$0x5020] =	vst v30;
	s5 =	smov.u32 s2;
	s2 =	sadd.s32 $0xC0, s2  }
.Ltmp0:
0x3d: {  	[tilespmem:s3+$0x5000] =	vst v30;
	(pc) =	sbr.rel @p1 .LBB2_2-.Ltmp0, $2  }
0x3e: {  	[tilespmem:s3+$0x5010] =	vst v30;
	_ =	sdelay $0x2  }
0x3f: {  	s3 =	sshra.s32 s5, $0x2  }
0x40: {  	[tilespmem:s3+$0x5020] =	vst v30  }
0x41: {  	[tilespmem:s3+$0x5000] =	vst v30  }
0x42: {  	[tilespmem:s3+$0x5010] =	vst v30  }
0x43: {  	[spmem:s8] =	stream.linear.scatter [tilespmem:s19], [sflag:$0x5], $0xF00, $0x38;
	[tilespmem:$0x10400] =	vst v63  }
0x44: {  	_ =	swait.ge [sflag:s17], $0xF00  }
0x45: {  	[sflag:s17] =	ssyncset.done $0x0  }
0x46: {  	[sflag:s17] =	ssyncadd.s32 $0xFFFFF100  }
0x47: {  	[spmem:s10] =	stream.linear.scatter [tilespmem:s19], [sflag:$0x5], $0xF00, $0x38;
	[tilespmem:$0x10400] =	vst v63  }
0x48: {  	_ =	swait.ge [sflag:s17], $0xF00  }
0x49: {  	[sflag:s17] =	ssyncset.done $0x0  }
0x4a: {  	[sflag:s17] =	ssyncadd.s32 $0xFFFFF100  }
0x4b: {  	[spmem:s11] =	stream.linear.scatter [tilespmem:s19], [sflag:$0x5], $0xF00, $0x38;
	[tilespmem:$0x10400] =	vst v63  }
0x4c: {  	_ =	swait.ge [sflag:s17], $0xF00  }
0x4d: {  	[sflag:s17] =	ssyncset.done $0x0  }
0x4e: {  	[sflag:s17] =	ssyncadd.s32 $0xFFFFF100  }
0x4f: {  	[spmem:s12] =	stream.linear.scatter [tilespmem:s19], [sflag:$0x5], $0xF00, $0x38;
	[tilespmem:$0x10400] =	vst v63  }
0x50: {  	_ =	swait.ge [sflag:s17], $0xF00  }
0x51: {  	[sflag:s17] =	ssyncset.done $0x0  }
0x52: {  	[sflag:s17] =	ssyncadd.s32 $0xFFFFF100  }
0x53: {  	[spmem:s13] =	stream.linear.scatter [tilespmem:s19], [sflag:$0x5], $0xF00, $0x38;
	[tilespmem:$0x10400] =	vst v63  }
0x54: {  	_ =	swait.ge [sflag:s17], $0xF00  }
0x55: {  	[sflag:s17] =	ssyncset.done $0x0  }
0x56: {  	[sflag:s17] =	ssyncadd.s32 $0xFFFFF100  }
0x57: {  	[spmem:s14] =	stream.linear.scatter [tilespmem:s19], [sflag:$0x5], $0xF00, $0x38;
	[tilespmem:$0x10400] =	vst v63  }
0x58: {  	_ =	swait.ge [sflag:s17], $0xF00  }
0x59: {  	[sflag:s17] =	ssyncset.done $0x0  }
0x5a: {  	[sflag:s17] =	ssyncadd.s32 $0xFFFFF100  }
0x5b: {  	[spmem:s15] =	stream.linear.scatter [tilespmem:s19], [sflag:$0x5], $0xF00, $0x38;
	[tilespmem:$0x10400] =	vst v63  }
0x5c: {  	_ =	swait.ge [sflag:s17], $0xF00  }
0x5d: {  	[sflag:s17] =	ssyncset.done $0x0  }
0x5e: {  	[sflag:s17] =	ssyncadd.s32 $0xFFFFF100  }
0x5f: {  	[spmem:s16] =	stream.linear.scatter [tilespmem:s19], [sflag:$0x5], $0xF00, $0x38;
	[tilespmem:$0x10400] =	vst v63  }
0x60: {  	_ =	swait.ge [sflag:s17], $0xF00  }
0x61: {  	[sflag:s17] =	ssyncset.done $0x0  }
0x62: {  	[sflag:s17] =	ssyncadd.s32 $0xFFFFF100  }
0x63: {  	s2 =	simm.s32 $0x0;
	[bflag:$0x0] =	sbarrier.arrive $0xFFFF  }
0x64: {  	[tilespmem:s19], [sflag:$0x1] =	stream.indirect.gather [hbm4b:s4+s20], $0x30, s2, s20, $0xb8;
	[tilespmem:$0x10400] =	vst v63  }
0x65: {  	_ = 	snop  }
0x66: {  	[tilespmem:s21], [sflag:$0x2] =	stream.indirect.gather [hbm4b:s4+s20], $0x30, s20, s20, $0xb8;
	[tilespmem:$0x10400] =	vst v63  }
0x67: {  	s18 =	simm.s32 $0xA0  }
0x68: {  	[tilespmem:s26], [sflag:$0x3] =	stream.indirect.gather [hbm4b:s4+s20], $0x30, s18, s20, $0xb8;
	[tilespmem:$0x10400] =	vst v63  }
0x69: {  	s3 =	simm.s32 $0xF0  }
0x6a: {  	[tilespmem:s28], [sflag:$0x4] =	stream.indirect.gather [hbm4b:s4+s20], $0x30, s3, s20, $0xb8;
	[tilespmem:$0x10400] =	vst v63  }
0x6b: {  	_ =	swait.ge [sflag:s29], $0xF00  }
0x6c: {  	[sflag:s29] =	ssyncset.done $0x0  }
0x6d: {  	s5 =	simm.s32 $0x2800;
	[sflag:s29] =	ssyncadd.s32 $0xFFFFF100  }
0x6e: {  	[spmem:s1] =	stream.indirect.scatter.add.f32 [tilespmem:s19], [sflag:$0x5], $0x30, s5, s20, $0xb8;
	[tilespmem:$0x10400] =	vst v63  }
0x6f: {  	_ =	swait.ge [sflag:s17], $0xF00  }
0x70: {  	[sflag:s17] =	ssyncset.done $0x0  }
0x71: {  	s6 =	simm.s32 $0x140;
	[sflag:s17] =	ssyncadd.s32 $0xFFFFF100  }
0x72: {  	[tilespmem:s19], [sflag:$0x1] =	stream.indirect.gather [hbm4b:s4+s20], $0x30, s6, s20, $0xb8;
	[tilespmem:$0x10400] =	vst v63  }
0x73: {  	_ =	swait.ge [sflag:s30], $0xF00  }
0x74: {  	[sflag:s30] =	ssyncset.done $0x0  }
0x75: {  	s18 =	simm.s32 $0x2850;
	[sflag:s30] =	ssyncadd.s32 $0xFFFFF100  }
0x76: {  	[spmem:s1] =	stream.indirect.scatter.add.f32 [tilespmem:s21], [sflag:$0x5], $0x30, s18, s20, $0xb8;
	[tilespmem:$0x10400] =	vst v63  }
0x77: {  	_ =	swait.ge [sflag:s17], $0xF00  }
0x78: {  	[sflag:s17] =	ssyncset.done $0x0  }
0x79: {  	s3 =	simm.s32 $0x190;
	[sflag:s17] =	ssyncadd.s32 $0xFFFFF100  }
0x7a: {  	[tilespmem:s21], [sflag:$0x2] =	stream.indirect.gather [hbm4b:s4+s20], $0x30, s3, s20, $0xb8;
	[tilespmem:$0x10400] =	vst v63  }
0x7b: {  	_ =	swait.ge [sflag:s31], $0xF00  }
0x7c: {  	[sflag:s31] =	ssyncset.done $0x0  }
0x7d: {  	s5 =	simm.s32 $0x28A0;
	[sflag:s31] =	ssyncadd.s32 $0xFFFFF100  }
0x7e: {  	[spmem:s1] =	stream.indirect.scatter.add.f32 [tilespmem:s26], [sflag:$0x5], $0x30, s5, s20, $0xb8;
	[tilespmem:$0x10400] =	vst v63  }
0x7f: {  	_ =	swait.ge [sflag:s17], $0xF00  }
0x80: {  	[sflag:s17] =	ssyncset.done $0x0  }
0x81: {  	s6 =	simm.s32 $0x1E0;
	[sflag:s17] =	ssyncadd.s32 $0xFFFFF100  }
0x82: {  	[tilespmem:s26], [sflag:$0x3] =	stream.indirect.gather [hbm4b:s4+s20], $0x30, s6, s20, $0xb8;
	[tilespmem:$0x10400] =	vst v63  }
0x83: {  	_ =	swait.ge [sflag:s0], $0xF00  }
0x84: {  	[sflag:s0] =	ssyncset.done $0x0  }
0x85: {  	s18 =	simm.s32 $0x28F0;
	[sflag:s0] =	ssyncadd.s32 $0xFFFFF100  }
0x86: {  	[spmem:s1] =	stream.indirect.scatter.add.f32 [tilespmem:s28], [sflag:$0x5], $0x30, s18, s20, $0xb8;
	[tilespmem:$0x10400] =	vst v63  }
0x87: {  	_ =	swait.ge [sflag:s17], $0xF00  }
0x88: {  	s2 =	simm.s32 $0xA00;
	s18 =	simm.s32 $0x140;
	[sflag:s17] =	ssyncset.done $0x0  }
.LBB2_4:
0x89: {  	s6 =	sadd.s32 $0xF0, s18  }
0x8a: {  	[sflag:s17] =	ssyncadd.s32 $0xFFFFF100;
	s3 =	smov.u32 s2;
	s5 =	sadd.s32 $0x500, s2  }
0x8b: {  	[tilespmem:s28], [sflag:$0x4] =	stream.indirect.gather [hbm4b:s4+s20], $0x30, s6, s20, $0xb8;
	[tilespmem:$0x10400] =	vst v63  }
0x8c: {  	p1 =	sne.s32 s2, $0x9600;
	_ =	swait.ge [sflag:s29], $0xF00  }
0x8d: {  	[sflag:s29] =	ssyncset.done $0x0  }
0x8e: {  	s2 =	sadd.s32 $0x2800, s18;
	[sflag:s29] =	ssyncadd.s32 $0xFFFFF100  }
0x8f: {  	[spmem:s1] =	stream.indirect.scatter.add.f32 [tilespmem:s19], [sflag:$0x5], $0x30, s2, s20, $0xb8;
	[tilespmem:$0x10400] =	vst v63  }
0x90: {  	_ =	swait.ge [sflag:s17], $0xF00  }
0x91: {  	[sflag:s17] =	ssyncset.done $0x0  }
0x92: {  	s2 =	sadd.s32 $0x140, s18;
	[sflag:s17] =	ssyncadd.s32 $0xFFFFF100  }
0x93: {  	[tilespmem:s19], [sflag:$0x1] =	stream.indirect.gather [hbm4b:s4+s20], $0x30, s2, s20, $0xb8;
	[tilespmem:$0x10400] =	vst v63  }
0x94: {  	_ =	swait.ge [sflag:s30], $0xF00  }
0x95: {  	[sflag:s30] =	ssyncset.done $0x0  }
0x96: {  	s2 =	sadd.s32 $0x2850, s18;
	[sflag:s30] =	ssyncadd.s32 $0xFFFFF100  }
0x97: {  	[spmem:s1] =	stream.indirect.scatter.add.f32 [tilespmem:s21], [sflag:$0x5], $0x30, s2, s20, $0xb8;
	[tilespmem:$0x10400] =	vst v63  }
0x98: {  	_ =	swait.ge [sflag:s17], $0xF00  }
0x99: {  	[sflag:s17] =	ssyncset.done $0x0  }
0x9a: {  	s2 =	sadd.s32 $0x190, s18;
	[sflag:s17] =	ssyncadd.s32 $0xFFFFF100  }
0x9b: {  	[tilespmem:s21], [sflag:$0x2] =	stream.indirect.gather [hbm4b:s4+s20], $0x30, s2, s20, $0xb8;
	[tilespmem:$0x10400] =	vst v63  }
0x9c: {  	_ =	swait.ge [sflag:s31], $0xF00  }
0x9d: {  	[sflag:s31] =	ssyncset.done $0x0  }
0x9e: {  	s2 =	sadd.s32 $0x28A0, s18;
	[sflag:s31] =	ssyncadd.s32 $0xFFFFF100  }
0x9f: {  	[spmem:s1] =	stream.indirect.scatter.add.f32 [tilespmem:s26], [sflag:$0x5], $0x30, s2, s20, $0xb8;
	[tilespmem:$0x10400] =	vst v63  }
0xa0: {  	_ =	swait.ge [sflag:s17], $0xF00  }
0xa1: {  	[sflag:s17] =	ssyncset.done $0x0  }
0xa2: {  	s2 =	sadd.s32 $0x1E0, s18;
	[sflag:s17] =	ssyncadd.s32 $0xFFFFF100  }
0xa3: {  	[tilespmem:s26], [sflag:$0x3] =	stream.indirect.gather [hbm4b:s4+s20], $0x30, s2, s20, $0xb8;
	[tilespmem:$0x10400] =	vst v63  }
0xa4: {  	_ =	swait.ge [sflag:s0], $0xF00  }
.Ltmp1:
0xa5: {  	[sflag:s0] =	ssyncset.done $0x0;
	(pc) =	sbr.rel @p1 .LBB2_4-.Ltmp1, $4  }
0xa6: {  	s2 =	sadd.s32 $0x28F0, s18;
	[sflag:s0] =	ssyncadd.s32 $0xFFFFF100  }
0xa7: {  	[spmem:s1] =	stream.indirect.scatter.add.f32 [tilespmem:s28], [sflag:$0x5], $0x30, s2, s20, $0xb8;
	[tilespmem:$0x10400] =	vst v63  }
0xa8: {  	_ =	swait.ge [sflag:s17], $0xF00  }
0xa9: {  	s18 =	sshra.s32 s3, $0x2;
	s2 =	smov.u32 s5;
	[sflag:s17] =	ssyncset.done $0x0  }
0xaa: {  	s2 =	sadd.s32 $0xF0, s18;
	[sflag:s17] =	ssyncadd.s32 $0xFFFFF100  }
0xab: {  	[tilespmem:s28], [sflag:$0x4] =	stream.indirect.gather [hbm4b:s4+s20], $0x30, s2, s20, $0xb8;
	[tilespmem:$0x10400] =	vst v63  }
0xac: {  	_ =	swait.ge [sflag:s29], $0xF00  }
0xad: {  	[sflag:s29] =	ssyncset.done $0x0  }
0xae: {  	s6 =	sadd.s32 $0x2800, s18;
	[sflag:s29] =	ssyncadd.s32 $0xFFFFF100  }
0xaf: {  	[spmem:s1] =	stream.indirect.scatter.add.f32 [tilespmem:s19], [sflag:$0x5], $0x30, s6, s20, $0xb8;
	[tilespmem:$0x10400] =	vst v63  }
0xb0: {  	_ =	swait.ge [sflag:s17], $0xF00  }
0xb1: {  	[sflag:s17] =	ssyncset.done $0x0  }
0xb2: {  	s3 =	sadd.s32 $0x140, s18;
	[sflag:s17] =	ssyncadd.s32 $0xFFFFF100  }
0xb3: {  	[tilespmem:s19], [sflag:$0x1] =	stream.indirect.gather [hbm4b:s4+s20], $0x30, s3, s20, $0xb8;
	[tilespmem:$0x10400] =	vst v63  }
0xb4: {  	_ =	swait.ge [sflag:s30], $0xF00  }
0xb5: {  	[sflag:s30] =	ssyncset.done $0x0  }
0xb6: {  	s5 =	sadd.s32 $0x2850, s18;
	[sflag:s30] =	ssyncadd.s32 $0xFFFFF100  }
0xb7: {  	[spmem:s1] =	stream.indirect.scatter.add.f32 [tilespmem:s21], [sflag:$0x5], $0x30, s5, s20, $0xb8;
	[tilespmem:$0x10400] =	vst v63  }
0xb8: {  	_ =	swait.ge [sflag:s17], $0xF00  }
0xb9: {  	[sflag:s17] =	ssyncset.done $0x0  }
0xba: {  	s6 =	sadd.s32 $0x190, s18;
	[sflag:s17] =	ssyncadd.s32 $0xFFFFF100  }
0xbb: {  	[tilespmem:s21], [sflag:$0x2] =	stream.indirect.gather [hbm4b:s4+s20], $0x30, s6, s20, $0xb8;
	[tilespmem:$0x10400] =	vst v63  }
0xbc: {  	_ =	swait.ge [sflag:s31], $0xF00  }
0xbd: {  	[sflag:s31] =	ssyncset.done $0x0  }
0xbe: {  	s3 =	sadd.s32 $0x28A0, s18;
	[sflag:s31] =	ssyncadd.s32 $0xFFFFF100  }
0xbf: {  	[spmem:s1] =	stream.indirect.scatter.add.f32 [tilespmem:s26], [sflag:$0x5], $0x30, s3, s20, $0xb8;
	[tilespmem:$0x10400] =	vst v63  }
0xc0: {  	_ =	swait.ge [sflag:s17], $0xF00  }
0xc1: {  	[sflag:s17] =	ssyncset.done $0x0  }
0xc2: {  	s5 =	sadd.s32 $0x1E0, s18;
	[sflag:s17] =	ssyncadd.s32 $0xFFFFF100  }
0xc3: {  	[tilespmem:s26], [sflag:$0x3] =	stream.indirect.gather [hbm4b:s4+s20], $0x30, s5, s20, $0xb8;
	[tilespmem:$0x10400] =	vst v63  }
0xc4: {  	_ =	swait.ge [sflag:s0], $0xF00  }
0xc5: {  	[sflag:s0] =	ssyncset.done $0x0  }
0xc6: {  	s6 =	sadd.s32 $0x28F0, s18;
	[sflag:s0] =	ssyncadd.s32 $0xFFFFF100  }
0xc7: {  	[spmem:s1] =	stream.indirect.scatter.add.f32 [tilespmem:s28], [sflag:$0x5], $0x30, s6, s20, $0xb8;
	[tilespmem:$0x10400] =	vst v63  }
0xc8: {  	_ =	swait.ge [sflag:s17], $0xF00  }
0xc9: {  	[sflag:s17] =	ssyncset.done $0x0  }
0xca: {  	s18 =	simm.s32 $0x27B0;
	[sflag:s17] =	ssyncadd.s32 $0xFFFFF100  }
0xcb: {  	[tilespmem:s28], [sflag:$0x4] =	stream.indirect.gather [hbm4b:s4+s20], $0x30, s18, s20, $0xb8;
	[tilespmem:$0x10400] =	vst v63  }
0xcc: {  	_ =	swait.ge [sflag:s29], $0xF00  }
0xcd: {  	[sflag:s29] =	ssyncset.done $0x0  }
0xce: {  	s3 =	simm.s32 $0x4EC0;
	[sflag:s29] =	ssyncadd.s32 $0xFFFFF100  }
0xcf: {  	[spmem:s1] =	stream.indirect.scatter.add.f32 [tilespmem:s19], [sflag:$0x5], $0x30, s3, s20, $0xb8;
	[tilespmem:$0x10400] =	vst v63  }
0xd0: {  	_ =	swait.ge [sflag:s17], $0xF00  }
0xd1: {  	[sflag:s17] =	ssyncset.done $0x0  }
0xd2: {  	[sflag:s17] =	ssyncadd.s32 $0xFFFFF100  }
0xd3: {  	_ =	swait.ge [sflag:s30], $0xF00  }
0xd4: {  	[sflag:s30] =	ssyncset.done $0x0  }
0xd5: {  	s5 =	simm.s32 $0x4F10;
	[sflag:s30] =	ssyncadd.s32 $0xFFFFF100  }
0xd6: {  	[spmem:s1] =	stream.indirect.scatter.add.f32 [tilespmem:s21], [sflag:$0x5], $0x30, s5, s20, $0xb8;
	[tilespmem:$0x10400] =	vst v63  }
0xd7: {  	_ =	swait.ge [sflag:s17], $0xF00  }
0xd8: {  	[sflag:s17] =	ssyncset.done $0x0  }
0xd9: {  	[sflag:s17] =	ssyncadd.s32 $0xFFFFF100  }
0xda: {  	_ =	swait.ge [sflag:s31], $0xF00  }
0xdb: {  	[sflag:s31] =	ssyncset.done $0x0  }
0xdc: {  	s6 =	simm.s32 $0x4F60;
	[sflag:s31] =	ssyncadd.s32 $0xFFFFF100  }
0xdd: {  	[spmem:s1] =	stream.indirect.scatter.add.f32 [tilespmem:s26], [sflag:$0x5], $0x30, s6, s20, $0xb8;
	[tilespmem:$0x10400] =	vst v63  }
0xde: {  	_ =	swait.ge [sflag:s17], $0xF00  }
0xdf: {  	[sflag:s17] =	ssyncset.done $0x0  }
0xe0: {  	[sflag:s17] =	ssyncadd.s32 $0xFFFFF100  }
0xe1: {  	_ =	swait.ge [sflag:s0], $0xF00  }
0xe2: {  	[sflag:s0] =	ssyncset.done $0x0  }
0xe3: {  	s18 =	simm.s32 $0x4FB0;
	[sflag:s0] =	ssyncadd.s32 $0xFFFFF100  }
0xe4: {  	[spmem:s1] =	stream.indirect.scatter.add.f32 [tilespmem:s28], [sflag:$0x5], $0x30, s18, s20, $0xb8;
	[tilespmem:$0x10400] =	vst v63  }
0xe5: {  	_ =	swait.ge [sflag:s17], $0xF00  }
0xe6: {  	[sflag:s17] =	ssyncset.done $0x0  }
0xe7: {  	[sflag:s17] =	ssyncadd.s32 $0xFFFFF100  }
0xe8: {  	s2 =	sadd.s32 @p0 $0xDE30, s7;
	s3 =	simm.s32 @p0 $0x1FC5;
	[bflag:$0x0] =	sbarrier.arrive $0xFFFF  }
0xe9: {  	[hbm:s2], [sflag:s3] =	dma.local @p0 [spmem:s23], $0xC30  }
0xea: {  	s2 =	simm.s32 @p0 $0x5  }
0xeb: {  	s3 =	stileid.u32;
	_ =	swait.ge @p0 [sflag:s2], $0xC30  }
0xec: {  	s22 =	sadd.s32 $0x1, s22;
	s3 =	sshll.u32 @!p0 s3, $0x6;
	[sflag:s2] =	ssyncset.done @p0 $0x0  }
0xed: {  	p1 =	sne.s32 s22, s9;
	[sflag:s2] =	ssyncadd.s32 @p0 $0xFFFFF3D0;
	s2 =	sor.u32 @!p0 $0x1C05, s3  }
0xee: {  	[hbm:s24], [sflag:s2] =	dma.local @!p0 [spmem:s25], $0xED0  }
.Ltmp2:
0xef: {  	_ = 	snop;
	(pc) =	sbr.rel @p1 .LBB2_1-.Ltmp2, $4  }
0xf0: {  	s2 =	simm.s32 @!p0 $0x5  }
0xf1: {  	_ =	swait.ge @!p0 [sflag:s2], $0xED0  }
0xf2: {  	[sflag:s2] =	ssyncset.done @!p0 $0x0  }
0xf3: {  	[sflag:s2] =	ssyncadd.s32 @!p0 $0xFFFFF130  }
0xf4: {  	_ =	sfence.sel $0x180000  }
0xf5: {  	[bflag:$0x0] =	sbarrier.arrive $0xFFFF  }
0xf6: {  	_ =	strace $0x9000004A  }
0xf7: {  	s0 =	stileid.u32;
	[bflag:$0x2] =	sbarrier.arrive $0xFFFF  }
0xf8: {  	p0 =	sne.s32 s0, $0x0;
	s0 =	rddreg [dreg:$0x3]  }
0xf9: {  	s0 =	sadd.s32 @!p0 $0x100000, s0  }
0xfa: {  	[sflag:s0] =	ssyncadd.tile.s32 @!p0 $0x1;
	_ =	shalt  }
.Lfunc_end2:
_tile_overlayer_lowered:
.L_overlay_start_2:
0xfb: {  	(tag) =	ssettag $0x2  }
0xfc: {  	s0 =	rddreg [dreg:$0x0];
	s2 =	stileid.u32  }
0xfd: {  	s1 =	rddreg [dreg:$0x1];
	p0 =	sne.s32 s2, $0x0  }
0xfe: {  	s3 =	rddreg [dreg:$0x2];
	[bflag:$0x3] =	sbarrier.arrive $0xFFFF;
	s2 =	simm.s32 @!p0 $0x1C05  }
0xff: {  	[timem:s3], [sflag:s2] =	dma.local @!p0 [hbm:s0], s1  }
0x100: {  	s0 =	simm.s32 @!p0 $0x5  }
0x101: {  	_ =	swait.ge @!p0 [sflag:s0], s1  }
0x102: {  	s1 =	ssub.s32 @!p0 $0x0, s1;
	[sflag:s0] =	ssyncset.done @!p0 $0x0  }
0x103: {  	[sflag:s0] =	ssyncadd.s32 @!p0 s1  }
0x104: {  	[bflag:$0x3] =	sbarrier.arrive $0xFFFF  }
0x105: {  	_ =	shalt  }

// kernel: kernel.8.cloned.1.call-start
scs
__scs_entry_jumppad:
0x0: {  	(pc) =	sbr.rel $0x88, $3  }
0x1: {  	(tag) =	ssettag $0x0;
	lr =	simm.s32 $0x1  }
0x2: {  	[smem:$0x3F9C] =	sst lr;
	_ =	strace $0xD0000000  }
0x3: {  	_ = 	snop  }
0x4: {  	_ = 	snop  }
0x5: {  	_ = 	snop  }
0x6: {  	_ = 	snop  }
0x7: {  	_ = 	snop  }
__scs_overlays_trampoline_lowered:
0x8: {  	[smem:$0x3FAB] =	sst s0  }
0x9: {  	[smem:$0x3FAC] =	sst s1  }
0xa: {  	[smem:$0x3FAD] =	sst s2  }
0xb: {  	[smem:$0x3FAE] =	sst s3  }
0xc: {  	[smem:$0x3FAF] =	sst s4  }
0xd: {  	[smem:$0x3FB0] =	sst s5  }
0xe: {  	[smem:$0x3FB1] =	sst s6  }
0xf: {  	[smem:$0x3FB2] =	sst s7  }
0x10: {  	[smem:$0x3FB3] =	sst s8  }
0x11: {  	[smem:$0x3FB4] =	sst s9;
	s0 =	simm.s32 @!p0 $0x0  }
0x12: {  	s1 =	sld [smem:$0x3F9A];
	s0 =	simm.s32 @p0 $0x1  }
0x13: {  	[smem:$0x3FB5] =	sst s0;
	s0 =	simm.s32 @!p1 $0x0  }
0x14: {  	s2 =	sld [smem:$0x3F99];
	s0 =	simm.s32 @p1 $0x1  }
0x15: {  	[smem:$0x3FB6] =	sst s0;
	s0 =	simm.s32 @!p2 $0x0  }
0x16: {  	s3 =	sld [smem:$0x3FDB];
	s0 =	simm.s32 @p2 $0x1  }
0x17: {  	s4 =	simm.s32 $0x1BF5;
	[smem:$0x3FB8] =	sst s0  }
0x18: {  	s0 =	sld [smem:$0x3F9B];
	_ =	swait.ge [sflag:s4], $0x0  }
0x19: {  	s7 =	sld [smem:$0x3F9C]  }
0x1a: {  	s8 =	sadd.s32 $0xFFFFE003, lr  }
0x1b: {  	s9 =	sadd.s32 $0xFFFFFEF7, lr;
	s5 =	simm.s32 $0xFFFFFFFF;
	p2 =	slt.u32 s8, $0xFFFFF086  }
0x1c: {  	p1 =	slt.u32 s9, $0xF7A;
	s5 =	simm.s32 @!p2 $0x0  }
0x1d: {  	s5 =	simm.s32 @p1 $0x1;
	p0 =	seq.s32 s7, s2  }
0x1e: {  	s7 =	smul.u32 @!p0 $0xF7A, s2;
	p2 =	seq.s32 @!p0 s5, $0x0  }
0x1f: {  	s9 =	smul.u32 $0xF7A, s1;
	s8 =	simm.s32 @!p0 $0x1BF5;
	p2 =	por !p2, p0  }
0x20: {  	[sflag:s8] =	ssyncset.s32 @!p0 $0xFFFFF086;
	s6 =	sadd.s32 @!p0 s3, s7;
	s7 =	simm.s32 @!p0 $0x108  }
0x21: {  	s3 =	sadd.s32 s3, s9;
	s6 =	sadd.s32 @!p0 $0x88, s6;
	s7 =	simm.s32 @p2 $0x1082  }
0x22: {  	[simem:s7], [sflag:s8] =	dma.local @!p0 [hbm:s6], $0xF7A  }
0x23: {  	s9 =	sor.u32 $0xD0000000, s2;
	s6 =	simm.s32 $0x108;
	_ =	swait.ge @!p0 [sflag:s8], $0x0  }
0x24: {  	s3 =	sadd.s32 $0x88, s3;
	s6 =	simm.s32 @!p1 $0x1082;
	[sflag:s4] =	ssyncset.s32 $0xFFFFF086  }
0x25: {  	[simem:s6], [sflag:s4] =	dma.local [hbm:s3], $0xF7A  }
0x26: {  	[smem:$0x3F9C] =	sst s1;
	(tag) =	ssettag s2;
	_ =	strace s9  }
0x27: {  	s1 =	sld [smem:$0x3FAC]  }
0x28: {  	s2 =	sld [smem:$0x3FAD]  }
0x29: {  	s4 =	sld [smem:$0x3FAF]  }
0x2a: {  	p0 =	seq.s32 s5, $0x0;
	s5 =	sld [smem:$0x3FB0]  }
0x2b: {  	s6 =	sld [smem:$0x3FB1]  }
0x2c: {  	s7 =	sld [smem:$0x3FB2]  }
0x2d: {  	s3 =	simm.s32 $0x108;
	s8 =	sld [smem:$0x3FB3]  }
0x2e: {  	s3 =	simm.s32 @!p0 $0x1082;
	s9 =	sld [smem:$0x3FB4]  }
0x2f: {  	lr =	sadd.s32 s0, s3;
	s0 =	sld [smem:$0x3FAB]  }
0x30: {  	s3 =	sld [smem:$0x3FAE]  }
0x31: {  	[smem:$0x3FB7] =	sst s10  }
0x32: {  	s10 =	sld [smem:$0x3FB5];
	_ =	sdelay $0x3  }
0x33: {  	p0 =	seq.s32 s10, $0x1;
	s10 =	sld [smem:$0x3FB7];
	_ =	sdelay $0x3  }
0x34: {  	[smem:$0x3FB7] =	sst s10  }
0x35: {  	s10 =	sld [smem:$0x3FB6];
	_ =	sdelay $0x3  }
0x36: {  	p1 =	seq.s32 s10, $0x1;
	s10 =	sld [smem:$0x3FB7];
	_ =	sdelay $0x3  }
0x37: {  	[smem:$0x3FB7] =	sst s10  }
0x38: {  	s10 =	sld [smem:$0x3FB8]  }
0x39: {  	_ = 	snop;
	(pc) =	sbr.ind lr, $3  }
0x3a: {  	_ = 	snop  }
0x3b: {  	_ = 	snop  }
0x3c: {  	p2 =	seq.s32 s10, $0x1;
	s10 =	sld [smem:$0x3FB7]  }
0x3d: {  	_ =	shalt  }
0x3e: {  	_ =	shalt  }
0x3f: {  	_ =	shalt  }
0x40: {  	_ =	shalt  }
0x41: {  	_ =	shalt  }
0x42: {  	_ =	shalt  }
0x43: {  	_ =	shalt  }
0x44: {  	_ =	shalt  }
0x45: {  	_ =	shalt  }
0x46: {  	_ =	shalt  }
0x47: {  	_ =	shalt  }
0x48: {  	_ =	shalt  }
0x49: {  	_ =	shalt  }
0x4a: {  	_ =	shalt  }
0x4b: {  	_ =	shalt  }
0x4c: {  	_ =	shalt  }
0x4d: {  	_ =	shalt  }
0x4e: {  	_ =	shalt  }
0x4f: {  	_ =	shalt  }
0x50: {  	_ =	shalt  }
0x51: {  	_ =	shalt  }
0x52: {  	_ =	shalt  }
0x53: {  	_ =	shalt  }
0x54: {  	_ =	shalt  }
0x55: {  	_ =	shalt  }
0x56: {  	_ =	shalt  }
0x57: {  	_ =	shalt  }
0x58: {  	_ =	shalt  }
0x59: {  	_ =	shalt  }
0x5a: {  	_ =	shalt  }
0x5b: {  	_ =	shalt  }
0x5c: {  	_ =	shalt  }
0x5d: {  	_ =	shalt  }
0x5e: {  	_ =	shalt  }
0x5f: {  	_ =	shalt  }
0x60: {  	_ =	shalt  }
0x61: {  	_ =	shalt  }
0x62: {  	_ =	shalt  }
0x63: {  	_ =	shalt  }
0x64: {  	_ =	shalt  }
0x65: {  	_ =	shalt  }
0x66: {  	_ =	shalt  }
0x67: {  	_ =	shalt  }
0x68: {  	_ =	shalt  }
0x69: {  	_ =	shalt  }
0x6a: {  	_ =	shalt  }
0x6b: {  	_ =	shalt  }
0x6c: {  	_ =	shalt  }
0x6d: {  	_ =	shalt  }
0x6e: {  	_ =	shalt  }
0x6f: {  	_ =	shalt  }
0x70: {  	_ =	shalt  }
0x71: {  	_ =	shalt  }
0x72: {  	_ =	shalt  }
0x73: {  	_ =	shalt  }
0x74: {  	_ =	shalt  }
0x75: {  	_ =	shalt  }
0x76: {  	_ =	shalt  }
0x77: {  	_ =	shalt  }
0x78: {  	_ =	shalt  }
0x79: {  	_ =	shalt  }
0x7a: {  	_ =	shalt  }
0x7b: {  	_ =	shalt  }
0x7c: {  	_ =	shalt  }
0x7d: {  	_ =	shalt  }
0x7e: {  	_ =	shalt  }
0x7f: {  	_ =	shalt  }
0x80: {  	_ =	shalt  }
0x81: {  	_ =	shalt  }
0x82: {  	_ =	shalt  }
0x83: {  	_ =	shalt  }
0x84: {  	_ =	shalt  }
0x85: {  	_ =	shalt  }
0x86: {  	_ =	shalt  }
0x87: {  	_ =	shalt  }
.Lfunc_end0:
.L_simem_size_0:
called_computation_lowered:
.L_overlay_start_0:
0x88: {  	s2 =	sld [smem:$0x3FD9]  }
0x89: {  	s3 =	sld [smem:$0x3FFE];
	_ =	sdelay $0x1  }
0x8a: {  	s1 =	srdreg.scid  }
0x8b: {  	s0 =	sand.u32 $0x1, s1  }
0x8c: {  	s17 =	sshll.u32 s0, $0xA;
	s2 =	sadd.s32 s3, s2  }
0x8d: {  	s2 =	sadd.s32 s2, s17  }
0x8e: {  	[smem:$0x3FC3] =	sst s2  }
0x8f: {  	_ = 	snop  }
0x90: {  	s2 =	sld [smem:$0x3FD0];
	(tm) =	ssettm $0x1  }
0x91: {  	s18 =	sld [smem:$0x3FFB];
	_ =	sdelay $0x3  }
0x92: {  	_ =	strace s18  }
0x93: {  	s3 =	sld [smem:$0x3FFC];
	_ =	sdelay $0x3  }
0x94: {  	_ =	strace s3  }
0x95: {  	s3 =	sld [smem:$0x3FFD];
	_ =	sdelay $0x3  }
0x96: {  	_ =	strace s3  }
0x97: {  	_ =	strace $0x8FFFFFFF  }
0x98: {  	s19 =	sld [smem:$0x3FDB];
	_ =	sdelay $0x1  }
0x99: {  	s4 =	simm.s32 $_scs_section_size  }
0x9a: {  	s5 =	simm.s32 $_size__tile_overlayer_lowered;
	s6 =	simm.s32 $_tile_overlayer_lowered  }
0x9b: {  	s22 =	simm.s32 $0x1BFF;
	s21 =	sshll.u32 s6, $0x1;
	s3 =	sadd.s32 s4, s19  }
0x9c: {  	s7 =	simm.s32 $0x0;
	s20 =	sshll.u32 s5, $0x1;
	s5 =	sadd.s32 s21, s3  }
0x9d: {  	[timem:s7], [sflag:s22] =	dma.local [hbm:s5], s20  }
0x9e: {  	_ =	swait.ge [sflag:s22], s20  }
0x9f: {  	s4 =	ssub.s32 $0x0, s20;
	[sflag:s22] =	ssyncset.done $0x0  }
0xa0: {  	[sflag:s22] =	ssyncadd.s32 s4;
	_ =	sdelay $0x1  }
0xa1: {  	s23 =	simm.s32 $0x1B8B  }
0xa2: {  	_ =	swait.ge [sflag:s23], $0x1  }
0xa3: {  	[sflag:s23] =	ssyncset.done $0x0  }
0xa4: {  	s25 =	simm.s32 $0x1B8E;
	s24 =	sld [smem:$0x3FFE];
	[sflag:s23] =	ssyncadd.s32 $0xFFFFFFFF  }
0xa5: {  	s26 =	simm.s32 $execute0_lowered;
	[smem:$0x3FD2] =	sst s25  }
0xa6: {  	s5 =	sshll.u32 s26, $0x1;
	_ =	strace $0x80000046;
	[dreg:$0x1] =	wrdreg $0xFFFFFFFF  }
0xa7: {  	s28 =	simm.s32 $_size_execute0_lowered;
	s3 =	sadd.s32 s3, s5;
	[dreg:$0x0] =	wrdreg $0x0  }
0xa8: {  	s5 =	sshll.u32 s28, $0x1;
	[dreg:$0x2] =	wrdreg s3  }
0xa9: {  	[dreg:$0x3] =	wrdreg s5  }
0xaa: {  	[dreg:$0x4] =	wrdreg $0xC0  }
0xab: {  	_ =	task [dreg:s7], $0x5FFFF  }
0xac: {  	[dreg:$0x1] =	wrdreg $0xFFFFFFFF  }
0xad: {  	[dreg:$0x0] =	wrdreg $0x60  }
0xae: {  	[dreg:$0x2] =	wrdreg s24  }
0xaf: {  	[dreg:$0x3] =	wrdreg s2  }
0xb0: {  	[dreg:$0x4] =	wrdreg $0xA0000  }
0xb1: {  	[dreg:$0x5] =	wrdreg $0x9  }
0xb2: {  	_ =	task.clear_ibuf [dreg:s7], $0x6FFFF;
	_ =	strace $0x90000046  }
0xb3: {  	s29 =	simm.s32 $0x9;
	_ =	strace $0x80000048  }
0xb4: {  	_ =	swait.ge [sflag:s29], $0x1  }
0xb5: {  	[sflag:s29] =	ssyncadd.s32 $0xFFFFFFFF  }
0xb6: {  	_ =	strace $0x90000048  }
0xb7: {  	_ =	sfence  }
0xb8: {  	s30 =	sld [smem:$0x0];
	_ =	sdelay $0x2  }
0xb9: {  	s31 =	sshll.u32 s1, $0xD;
	s1 =	sshrl.u32 s1, $0x2  }
0xba: {  	s3 =	sand.u32 $0x4000, s31;
	s1 =	sadd.s32 s1, s30  }
0xbb: {  	s0 =	sor.u32 s3, s0;
	s1 =	sshll.u32 s1, $0x11  }
0xbc: {  	s0 =	sor.u32 s1, s0  }
0xbd: {  	s0 =	sadd.s32 $0x8F2B, s0  }
0xbe: {  	[sflag:s0] =	ssyncadd.remote.s32 $0x1  }
0xbf: {  	_ =	sfence.sel $0xFFFF  }
0xc0: {  	[dreg:$0x0] =	wrdreg $0xFFFFFFFF;
	(pc) =	sbr.abs _section_cstart, $3  }
0xc1: {  	[dreg:$0x1] =	wrdreg $0xFFFFFFFF  }
0xc2: {  	_ =	task.clear_ibuf [dreg:s7], $0x2FFFF;
	_ =	strace $0x9FFFFFFF  }
0xc3: {  	(tm) =	ssettm $0x7FFFFFFF  }
tec
execute0_lowered:
.L_overlay_start_1:
0x0: {  	(tag) =	ssettag $0x1  }
0x1: {  	s0 =	rddreg [dreg:$0x0]  }
0x2: {  	s2 =	rddreg [dreg:$0x1]  }
0x3: {  	s1 =	rddreg [dreg:$0x2]  }
0x4: {  	s3 =	srdreg.scid;
	s5 =	simm.s32 $0x0;
	s22 =	stileid.u32  }
0x5: {  	s17 =	simm.s32 $0x5;
	s19 =	simm.s32 $0x5000;
	s20 =	simm.s32 $0x50  }
0x6: {  	s21 =	simm.s32 $0x6400;
	s28 =	simm.s32 $0x8C00;
	s29 =	simm.s32 $0x1  }
0x7: {  	s30 =	simm.s32 $0x2;
	s31 =	simm.s32 $0x3;
	s8 =	smul.u32 $0x9E00, s22  }
0x8: {  	s3 =	sand.u32 $0x1, s3;
	[smem:$0x7FF] =	sst s5;
	s9 =	smul.u32 $0x28000, s22  }
0x9: {  	s18 =	sadd.s32 $0x94200, s1;
	p0 =	seq.s32 s22, $0xF;
	s4 =	sshll.u32 s3, $0x4  }
0xa: {  	v0 =	vlaneseq.u32;
	_ =	strace $0x80000047;
	s6 =	smul.u32 $0x13880, s3;
	s3 =	ssub.s32 $0x2, s3  }
0xb: {  	v30 =	vimm.f32 $0.0e+00;
	v1 =	vor.u32 $0x2710, v0;
	v2 =	vor.u32 $0x10, v0;
	s4 =	sor.u32 s22, s4;
	s24 =	sshrl.u32 s3, $0x1;
	s26 =	sshrl.u32 s9, $0x2  }
0xc: {  	v3 =	vor.u32 $0x2720, v0;
	v4 =	vor.u32 $0x20, v0;
	v5 =	vor.u32 $0x2730, v0;
	s5 =	sadd.s32 s8, s1;
	s23 =	smul.u32 $0x4E2, s4;
	s3 =	ssub.s32 s3, s24  }
0xd: {  	v6 =	vor.u32 $0x30, v0;
	v7 =	vor.u32 $0x2740, v0;
	v8 =	vor.u32 $0x40, v0;
	s22 =	simm.s32 $0x0;
	s4 =	sadd.s32 $0x139600, s0;
	s9 =	smax.u32 s3, $0x1  }
0xe: {  	v9 =	vor.u32 $0x2750, v0;
	v10 =	vor.u32 $0x50, v0;
	v11 =	vor.u32 $0x2760, v0;
	s7 =	sadd.s32 s23, s0;
	s0 =	sadd.s32 s6, s0;
	s2 =	sadd.s32 s2, s23  }
0xf: {  	v12 =	vor.u32 $0x60, v0;
	v13 =	vor.u32 $0x2770, v0;
	v14 =	vor.u32 $0x70, v0;
	s23 =	sshrl.u32 @p0 s18, $0x3;
	[dreg:$0x4] =	wrdreg s2;
	s25 =	sadd.s32 $0xE00, s7  }
0x10: {  	v15 =	vor.u32 $0x2780, v0;
	v16 =	vor.u32 $0x80, v0;
	v17 =	vor.u32 $0x2790, v0;
	s7 =	sadd.s32 $0xAC00, s0;
	s0 =	sshrl.u32 s8, $0x3;
	s8 =	sadd.s32 s26, s1  }
0x11: {  	v18 =	vor.u32 $0x90, v0;
	v19 =	vor.u32 $0x27A0, v0;
	v20 =	vor.u32 $0xA0, v0;
	s26 =	simm.s32 $0x7800;
	[dreg:$0x5] =	wrdreg s25;
	s10 =	sadd.s32 $0x1400, s8  }
0x12: {  	v21 =	vor.u32 $0x27B0, v0;
	v22 =	vor.u32 $0xB0, v0;
	v23 =	vor.u32 $0x27C0, v0;
	s11 =	sadd.s32 $0x2800, s8;
	s12 =	sadd.s32 $0x3C00, s8;
	s13 =	sadd.s32 $0x5000, s8  }
0x13: {  	v24 =	vor.u32 $0xC0, v0;
	v25 =	vor.u32 $0x27D0, v0;
	v26 =	vor.u32 $0xD0, v0;
	s14 =	sadd.s32 $0x6400, s8;
	s15 =	sadd.s32 $0x7800, s8;
	s16 =	sadd.s32 $0x8C00, s8  }
0x14: {  	v27 =	vor.u32 $0x27E0, v0;
	v28 =	vor.u32 $0xE0, v0;
	v29 =	vor.u32 $0x27F0, v0;
	s24 =	sadd.s32 @!p0 s0, s7;
	s25 =	sshrl.u32 @!p0 s5, $0x3;
	s0 =	simm.s32 $0x4  }
.LBB2_1:
0x15: {  	s2 =	simm.s32 $0x0;
	s3 =	rddreg [dreg:$0x4]  }
0x16: {  	[tilespmem:s2], [sflag:$0x5] =	stream.linear.gather [hbm4b:s3+s2], $0x2710, $0x38;
	[tilespmem:$0x14000] =	vst v63  }
0x17: {  	_ =	swait.ge [sflag:s17], $0x2710  }
0x18: {  	[sflag:s17] =	ssyncset.done $0x0  }
0x19: {  	s5 =	simm.s32 $0x2800;
	s18 =	rddreg [dreg:$0x5];
	[sflag:s17] =	ssyncadd.s32 $0xFFFFD8F0  }
0x1a: {  	[tilespmem:s5], [sflag:$0x5] =	stream.linear.gather [hbm4b:s18+s2], $0x2710, $0x38;
	[tilespmem:$0x14000] =	vst v63  }
0x1b: {  	_ =	swait.ge [sflag:s17], $0x2710  }
0x1c: {  	[sflag:s17] =	ssyncset.done $0x0  }
0x1d: {  	[sflag:s17] =	ssyncadd.s32 $0xFFFFD8F0  }
0x1e: {  	[tilespmem:$0x2710] =	vst v0  }
0x1f: {  	[tilespmem:$0x4F10] =	vst v1  }
0x20: {  	[tilespmem:$0x2720] =	vst v2  }
0x21: {  	[tilespmem:$0x4F20] =	vst v3  }
0x22: {  	[tilespmem:$0x2730] =	vst v4  }
0x23: {  	[tilespmem:$0x4F30] =	vst v5  }
0x24: {  	[tilespmem:$0x2740] =	vst v6  }
0x25: {  	[tilespmem:$0x4F40] =	vst v7  }
0x26: {  	[tilespmem:$0x2750] =	vst v8  }
0x27: {  	[tilespmem:$0x4F50] =	vst v9  }
0x28: {  	[tilespmem:$0x2760] =	vst v10  }
0x29: {  	[tilespmem:$0x4F60] =	vst v11  }
0x2a: {  	[tilespmem:$0x2770] =	vst v12  }
0x2b: {  	[tilespmem:$0x4F70] =	vst v13  }
0x2c: {  	[tilespmem:$0x2780] =	vst v14  }
0x2d: {  	[tilespmem:$0x4F80] =	vst v15  }
0x2e: {  	[tilespmem:$0x2790] =	vst v16  }
0x2f: {  	[tilespmem:$0x4F90] =	vst v17  }
0x30: {  	[tilespmem:$0x27A0] =	vst v18  }
0x31: {  	[tilespmem:$0x4FA0] =	vst v19  }
0x32: {  	[tilespmem:$0x27B0] =	vst v20  }
0x33: {  	[tilespmem:$0x4FB0] =	vst v21  }
0x34: {  	[tilespmem:$0x27C0] =	vst v22  }
0x35: {  	[tilespmem:$0x4FC0] =	vst v23  }
0x36: {  	[tilespmem:$0x27D0] =	vst v24  }
0x37: {  	[tilespmem:$0x4FD0] =	vst v25  }
0x38: {  	[tilespmem:$0x27E0] =	vst v26  }
0x39: {  	[tilespmem:$0x4FE0] =	vst v27  }
0x3a: {  	[tilespmem:$0x27F0] =	vst v28  }
0x3b: {  	s3 =	simm.s32 $0x100;
	s2 =	simm.s32 $0x0;
	[tilespmem:$0x4FF0] =	vst v29  }
.LBB2_2:
0x3c: {  	p1 =	sne.s32 s3, $0x4F00;
	[tilespmem:s2+$0x5030] =	vst v30;
	s5 =	smov.u32 s3;
	s3 =	sadd.s32 $0x100, s3  }
.Ltmp0:
0x3d: {  	[tilespmem:s2+$0x5020] =	vst v30;
	(pc) =	sbr.rel @p1 .LBB2_2-.Ltmp0, $3  }
0x3e: {  	[tilespmem:s2+$0x5000] =	vst v30  }
0x3f: {  	[tilespmem:s2+$0x5010] =	vst v30;
	_ =	sdelay $0x1  }
0x40: {  	s2 =	sshra.s32 s5, $0x2  }
0x41: {  	[tilespmem:s2+$0x5030] =	vst v30  }
0x42: {  	[tilespmem:s2+$0x5020] =	vst v30  }
0x43: {  	[tilespmem:s2+$0x5000] =	vst v30  }
0x44: {  	[tilespmem:s2+$0x5010] =	vst v30  }
0x45: {  	[spmem:s8] =	stream.linear.scatter [tilespmem:s19], [sflag:$0x5], $0x1400, $0x38;
	[tilespmem:$0x14000] =	vst v63  }
0x46: {  	_ =	swait.ge [sflag:s17], $0x1400  }
0x47: {  	[sflag:s17] =	ssyncset.done $0x0  }
0x48: {  	[sflag:s17] =	ssyncadd.s32 $0xFFFFEC00  }
0x49: {  	[spmem:s10] =	stream.linear.scatter [tilespmem:s19], [sflag:$0x5], $0x1400, $0x38;
	[tilespmem:$0x14000] =	vst v63  }
0x4a: {  	_ =	swait.ge [sflag:s17], $0x1400  }
0x4b: {  	[sflag:s17] =	ssyncset.done $0x0  }
0x4c: {  	[sflag:s17] =	ssyncadd.s32 $0xFFFFEC00  }
0x4d: {  	[spmem:s11] =	stream.linear.scatter [tilespmem:s19], [sflag:$0x5], $0x1400, $0x38;
	[tilespmem:$0x14000] =	vst v63  }
0x4e: {  	_ =	swait.ge [sflag:s17], $0x1400  }
0x4f: {  	[sflag:s17] =	ssyncset.done $0x0  }
0x50: {  	[sflag:s17] =	ssyncadd.s32 $0xFFFFEC00  }
0x51: {  	[spmem:s12] =	stream.linear.scatter [tilespmem:s19], [sflag:$0x5], $0x1400, $0x38;
	[tilespmem:$0x14000] =	vst v63  }
0x52: {  	_ =	swait.ge [sflag:s17], $0x1400  }
0x53: {  	[sflag:s17] =	ssyncset.done $0x0  }
0x54: {  	[sflag:s17] =	ssyncadd.s32 $0xFFFFEC00  }
0x55: {  	[spmem:s13] =	stream.linear.scatter [tilespmem:s19], [sflag:$0x5], $0x1400, $0x38;
	[tilespmem:$0x14000] =	vst v63  }
0x56: {  	_ =	swait.ge [sflag:s17], $0x1400  }
0x57: {  	[sflag:s17] =	ssyncset.done $0x0  }
0x58: {  	[sflag:s17] =	ssyncadd.s32 $0xFFFFEC00  }
0x59: {  	[spmem:s14] =	stream.linear.scatter [tilespmem:s19], [sflag:$0x5], $0x1400, $0x38;
	[tilespmem:$0x14000] =	vst v63  }
0x5a: {  	_ =	swait.ge [sflag:s17], $0x1400  }
0x5b: {  	[sflag:s17] =	ssyncset.done $0x0  }
0x5c: {  	[sflag:s17] =	ssyncadd.s32 $0xFFFFEC00  }
0x5d: {  	[spmem:s15] =	stream.linear.scatter [tilespmem:s19], [sflag:$0x5], $0x1400, $0x38;
	[tilespmem:$0x14000] =	vst v63  }
0x5e: {  	_ =	swait.ge [sflag:s17], $0x1400  }
0x5f: {  	[sflag:s17] =	ssyncset.done $0x0  }
0x60: {  	[sflag:s17] =	ssyncadd.s32 $0xFFFFEC00  }
0x61: {  	[spmem:s16] =	stream.linear.scatter [tilespmem:s19], [sflag:$0x5], $0x1400, $0x38;
	[tilespmem:$0x14000] =	vst v63  }
0x62: {  	_ =	swait.ge [sflag:s17], $0x1400  }
0x63: {  	[sflag:s17] =	ssyncset.done $0x0  }
0x64: {  	[sflag:s17] =	ssyncadd.s32 $0xFFFFEC00  }
0x65: {  	s6 =	simm.s32 $0x0;
	[bflag:$0x0] =	sbarrier.arrive $0xFFFF  }
0x66: {  	[tilespmem:s19], [sflag:$0x1] =	stream.indirect.gather [hbm4b:s4+s20], $0x40, s6, s20, $0xb8;
	[tilespmem:$0x14000] =	vst v63  }
0x67: {  	_ = 	snop  }
0x68: {  	[tilespmem:s21], [sflag:$0x2] =	stream.indirect.gather [hbm4b:s4+s20], $0x40, s20, s20, $0xb8;
	[tilespmem:$0x14000] =	vst v63  }
0x69: {  	s18 =	simm.s32 $0xA0  }
0x6a: {  	[tilespmem:s26], [sflag:$0x3] =	stream.indirect.gather [hbm4b:s4+s20], $0x40, s18, s20, $0xb8;
	[tilespmem:$0x14000] =	vst v63  }
0x6b: {  	s3 =	simm.s32 $0xF0  }
0x6c: {  	[tilespmem:s28], [sflag:$0x4] =	stream.indirect.gather [hbm4b:s4+s20], $0x40, s3, s20, $0xb8;
	[tilespmem:$0x14000] =	vst v63  }
0x6d: {  	_ =	swait.ge [sflag:s29], $0x1400  }
0x6e: {  	[sflag:s29] =	ssyncset.done $0x0  }
0x6f: {  	s5 =	simm.s32 $0x2800;
	[sflag:s29] =	ssyncadd.s32 $0xFFFFEC00  }
0x70: {  	[spmem:s1] =	stream.indirect.scatter.add.f32 [tilespmem:s19], [sflag:$0x5], $0x40, s5, s20, $0xb8;
	[tilespmem:$0x14000] =	vst v63  }
0x71: {  	_ =	swait.ge [sflag:s17], $0x1400  }
0x72: {  	[sflag:s17] =	ssyncset.done $0x0  }
0x73: {  	s6 =	simm.s32 $0x140;
	[sflag:s17] =	ssyncadd.s32 $0xFFFFEC00  }
0x74: {  	[tilespmem:s19], [sflag:$0x1] =	stream.indirect.gather [hbm4b:s4+s20], $0x40, s6, s20, $0xb8;
	[tilespmem:$0x14000] =	vst v63  }
0x75: {  	_ =	swait.ge [sflag:s30], $0x1400  }
0x76: {  	[sflag:s30] =	ssyncset.done $0x0  }
0x77: {  	s18 =	simm.s32 $0x2850;
	[sflag:s30] =	ssyncadd.s32 $0xFFFFEC00  }
0x78: {  	[spmem:s1] =	stream.indirect.scatter.add.f32 [tilespmem:s21], [sflag:$0x5], $0x40, s18, s20, $0xb8;
	[tilespmem:$0x14000] =	vst v63  }
0x79: {  	_ =	swait.ge [sflag:s17], $0x1400  }
0x7a: {  	[sflag:s17] =	ssyncset.done $0x0  }
0x7b: {  	s3 =	simm.s32 $0x190;
	[sflag:s17] =	ssyncadd.s32 $0xFFFFEC00  }
0x7c: {  	[tilespmem:s21], [sflag:$0x2] =	stream.indirect.gather [hbm4b:s4+s20], $0x40, s3, s20, $0xb8;
	[tilespmem:$0x14000] =	vst v63  }
0x7d: {  	_ =	swait.ge [sflag:s31], $0x1400  }
0x7e: {  	[sflag:s31] =	ssyncset.done $0x0  }
0x7f: {  	s5 =	simm.s32 $0x28A0;
	[sflag:s31] =	ssyncadd.s32 $0xFFFFEC00  }
0x80: {  	[spmem:s1] =	stream.indirect.scatter.add.f32 [tilespmem:s26], [sflag:$0x5], $0x40, s5, s20, $0xb8;
	[tilespmem:$0x14000] =	vst v63  }
0x81: {  	_ =	swait.ge [sflag:s17], $0x1400  }
0x82: {  	[sflag:s17] =	ssyncset.done $0x0  }
0x83: {  	s6 =	simm.s32 $0x1E0;
	[sflag:s17] =	ssyncadd.s32 $0xFFFFEC00  }
0x84: {  	[tilespmem:s26], [sflag:$0x3] =	stream.indirect.gather [hbm4b:s4+s20], $0x40, s6, s20, $0xb8;
	[tilespmem:$0x14000] =	vst v63  }
0x85: {  	_ =	swait.ge [sflag:s0], $0x1400  }
0x86: {  	[sflag:s0] =	ssyncset.done $0x0  }
0x87: {  	s18 =	simm.s32 $0x28F0;
	[sflag:s0] =	ssyncadd.s32 $0xFFFFEC00  }
0x88: {  	[spmem:s1] =	stream.indirect.scatter.add.f32 [tilespmem:s28], [sflag:$0x5], $0x40, s18, s20, $0xb8;
	[tilespmem:$0x14000] =	vst v63  }
0x89: {  	_ =	swait.ge [sflag:s17], $0x1400  }
0x8a: {  	s2 =	simm.s32 $0xA00;
	s18 =	simm.s32 $0x140;
	[sflag:s17] =	ssyncset.done $0x0  }
.LBB2_4:
0x8b: {  	s6 =	sadd.s32 $0xF0, s18  }
0x8c: {  	[sflag:s17] =	ssyncadd.s32 $0xFFFFEC00;
	s3 =	smov.u32 s2;
	s5 =	sadd.s32 $0x500, s2  }
0x8d: {  	[tilespmem:s28], [sflag:$0x4] =	stream.indirect.gather [hbm4b:s4+s20], $0x40, s6, s20, $0xb8;
	[tilespmem:$0x14000] =	vst v63  }
0x8e: {  	p1 =	sne.s32 s2, $0x9600;
	_ =	swait.ge [sflag:s29], $0x1400  }
0x8f: {  	[sflag:s29] =	ssyncset.done $0x0  }
0x90: {  	s2 =	sadd.s32 $0x2800, s18;
	[sflag:s29] =	ssyncadd.s32 $0xFFFFEC00  }
0x91: {  	[spmem:s1] =	stream.indirect.scatter.add.f32 [tilespmem:s19], [sflag:$0x5], $0x40, s2, s20, $0xb8;
	[tilespmem:$0x14000] =	vst v63  }
0x92: {  	_ =	swait.ge [sflag:s17], $0x1400  }
0x93: {  	[sflag:s17] =	ssyncset.done $0x0  }
0x94: {  	s2 =	sadd.s32 $0x140, s18;
	[sflag:s17] =	ssyncadd.s32 $0xFFFFEC00  }
0x95: {  	[tilespmem:s19], [sflag:$0x1] =	stream.indirect.gather [hbm4b:s4+s20], $0x40, s2, s20, $0xb8;
	[tilespmem:$0x14000] =	vst v63  }
0x96: {  	_ =	swait.ge [sflag:s30], $0x1400  }
0x97: {  	[sflag:s30] =	ssyncset.done $0x0  }
0x98: {  	s2 =	sadd.s32 $0x2850, s18;
	[sflag:s30] =	ssyncadd.s32 $0xFFFFEC00  }
0x99: {  	[spmem:s1] =	stream.indirect.scatter.add.f32 [tilespmem:s21], [sflag:$0x5], $0x40, s2, s20, $0xb8;
	[tilespmem:$0x14000] =	vst v63  }
0x9a: {  	_ =	swait.ge [sflag:s17], $0x1400  }
0x9b: {  	[sflag:s17] =	ssyncset.done $0x0  }
0x9c: {  	s2 =	sadd.s32 $0x190, s18;
	[sflag:s17] =	ssyncadd.s32 $0xFFFFEC00  }
0x9d: {  	[tilespmem:s21], [sflag:$0x2] =	stream.indirect.gather [hbm4b:s4+s20], $0x40, s2, s20, $0xb8;
	[tilespmem:$0x14000] =	vst v63  }
0x9e: {  	_ =	swait.ge [sflag:s31], $0x1400  }
0x9f: {  	[sflag:s31] =	ssyncset.done $0x0  }
0xa0: {  	s2 =	sadd.s32 $0x28A0, s18;
	[sflag:s31] =	ssyncadd.s32 $0xFFFFEC00  }
0xa1: {  	[spmem:s1] =	stream.indirect.scatter.add.f32 [tilespmem:s26], [sflag:$0x5], $0x40, s2, s20, $0xb8;
	[tilespmem:$0x14000] =	vst v63  }
0xa2: {  	_ =	swait.ge [sflag:s17], $0x1400  }
0xa3: {  	[sflag:s17] =	ssyncset.done $0x0  }
0xa4: {  	s2 =	sadd.s32 $0x1E0, s18;
	[sflag:s17] =	ssyncadd.s32 $0xFFFFEC00  }
0xa5: {  	[tilespmem:s26], [sflag:$0x3] =	stream.indirect.gather [hbm4b:s4+s20], $0x40, s2, s20, $0xb8;
	[tilespmem:$0x14000] =	vst v63  }
0xa6: {  	_ =	swait.ge [sflag:s0], $0x1400  }
.Ltmp1:
0xa7: {  	[sflag:s0] =	ssyncset.done $0x0;
	(pc) =	sbr.rel @p1 .LBB2_4-.Ltmp1, $4  }
0xa8: {  	s2 =	sadd.s32 $0x28F0, s18;
	[sflag:s0] =	ssyncadd.s32 $0xFFFFEC00  }
0xa9: {  	[spmem:s1] =	stream.indirect.scatter.add.f32 [tilespmem:s28], [sflag:$0x5], $0x40, s2, s20, $0xb8;
	[tilespmem:$0x14000] =	vst v63  }
0xaa: {  	_ =	swait.ge [sflag:s17], $0x1400  }
0xab: {  	s18 =	sshra.s32 s3, $0x2;
	s2 =	smov.u32 s5;
	[sflag:s17] =	ssyncset.done $0x0  }
0xac: {  	s2 =	sadd.s32 $0xF0, s18;
	[sflag:s17] =	ssyncadd.s32 $0xFFFFEC00  }
0xad: {  	[tilespmem:s28], [sflag:$0x4] =	stream.indirect.gather [hbm4b:s4+s20], $0x40, s2, s20, $0xb8;
	[tilespmem:$0x14000] =	vst v63  }
0xae: {  	_ =	swait.ge [sflag:s29], $0x1400  }
0xaf: {  	[sflag:s29] =	ssyncset.done $0x0  }
0xb0: {  	s6 =	sadd.s32 $0x2800, s18;
	[sflag:s29] =	ssyncadd.s32 $0xFFFFEC00  }
0xb1: {  	[spmem:s1] =	stream.indirect.scatter.add.f32 [tilespmem:s19], [sflag:$0x5], $0x40, s6, s20, $0xb8;
	[tilespmem:$0x14000] =	vst v63  }
0xb2: {  	_ =	swait.ge [sflag:s17], $0x1400  }
0xb3: {  	[sflag:s17] =	ssyncset.done $0x0  }
0xb4: {  	s3 =	sadd.s32 $0x140, s18;
	[sflag:s17] =	ssyncadd.s32 $0xFFFFEC00  }
0xb5: {  	[tilespmem:s19], [sflag:$0x1] =	stream.indirect.gather [hbm4b:s4+s20], $0x40, s3, s20, $0xb8;
	[tilespmem:$0x14000] =	vst v63  }
0xb6: {  	_ =	swait.ge [sflag:s30], $0x1400  }
0xb7: {  	[sflag:s30] =	ssyncset.done $0x0  }
0xb8: {  	s5 =	sadd.s32 $0x2850, s18;
	[sflag:s30] =	ssyncadd.s32 $0xFFFFEC00  }
0xb9: {  	[spmem:s1] =	stream.indirect.scatter.add.f32 [tilespmem:s21], [sflag:$0x5], $0x40, s5, s20, $0xb8;
	[tilespmem:$0x14000] =	vst v63  }
0xba: {  	_ =	swait.ge [sflag:s17], $0x1400  }
0xbb: {  	[sflag:s17] =	ssyncset.done $0x0  }
0xbc: {  	s6 =	sadd.s32 $0x190, s18;
	[sflag:s17] =	ssyncadd.s32 $0xFFFFEC00  }
0xbd: {  	[tilespmem:s21], [sflag:$0x2] =	stream.indirect.gather [hbm4b:s4+s20], $0x40, s6, s20, $0xb8;
	[tilespmem:$0x14000] =	vst v63  }
0xbe: {  	_ =	swait.ge [sflag:s31], $0x1400  }
0xbf: {  	[sflag:s31] =	ssyncset.done $0x0  }
0xc0: {  	s3 =	sadd.s32 $0x28A0, s18;
	[sflag:s31] =	ssyncadd.s32 $0xFFFFEC00  }
0xc1: {  	[spmem:s1] =	stream.indirect.scatter.add.f32 [tilespmem:s26], [sflag:$0x5], $0x40, s3, s20, $0xb8;
	[tilespmem:$0x14000] =	vst v63  }
0xc2: {  	_ =	swait.ge [sflag:s17], $0x1400  }
0xc3: {  	[sflag:s17] =	ssyncset.done $0x0  }
0xc4: {  	s5 =	sadd.s32 $0x1E0, s18;
	[sflag:s17] =	ssyncadd.s32 $0xFFFFEC00  }
0xc5: {  	[tilespmem:s26], [sflag:$0x3] =	stream.indirect.gather [hbm4b:s4+s20], $0x40, s5, s20, $0xb8;
	[tilespmem:$0x14000] =	vst v63  }
0xc6: {  	_ =	swait.ge [sflag:s0], $0x1400  }
0xc7: {  	[sflag:s0] =	ssyncset.done $0x0  }
0xc8: {  	s6 =	sadd.s32 $0x28F0, s18;
	[sflag:s0] =	ssyncadd.s32 $0xFFFFEC00  }
0xc9: {  	[spmem:s1] =	stream.indirect.scatter.add.f32 [tilespmem:s28], [sflag:$0x5], $0x40, s6, s20, $0xb8;
	[tilespmem:$0x14000] =	vst v63  }
0xca: {  	_ =	swait.ge [sflag:s17], $0x1400  }
0xcb: {  	[sflag:s17] =	ssyncset.done $0x0  }
0xcc: {  	s18 =	simm.s32 $0x27B0;
	[sflag:s17] =	ssyncadd.s32 $0xFFFFEC00  }
0xcd: {  	[tilespmem:s28], [sflag:$0x4] =	stream.indirect.gather [hbm4b:s4+s20], $0x40, s18, s20, $0xb8;
	[tilespmem:$0x14000] =	vst v63  }
0xce: {  	_ =	swait.ge [sflag:s29], $0x1400  }
0xcf: {  	[sflag:s29] =	ssyncset.done $0x0  }
0xd0: {  	s3 =	simm.s32 $0x4EC0;
	[sflag:s29] =	ssyncadd.s32 $0xFFFFEC00  }
0xd1: {  	[spmem:s1] =	stream.indirect.scatter.add.f32 [tilespmem:s19], [sflag:$0x5], $0x40, s3, s20, $0xb8;
	[tilespmem:$0x14000] =	vst v63  }
0xd2: {  	_ =	swait.ge [sflag:s17], $0x1400  }
0xd3: {  	[sflag:s17] =	ssyncset.done $0x0  }
0xd4: {  	[sflag:s17] =	ssyncadd.s32 $0xFFFFEC00  }
0xd5: {  	_ =	swait.ge [sflag:s30], $0x1400  }
0xd6: {  	[sflag:s30] =	ssyncset.done $0x0  }
0xd7: {  	s5 =	simm.s32 $0x4F10;
	[sflag:s30] =	ssyncadd.s32 $0xFFFFEC00  }
0xd8: {  	[spmem:s1] =	stream.indirect.scatter.add.f32 [tilespmem:s21], [sflag:$0x5], $0x40, s5, s20, $0xb8;
	[tilespmem:$0x14000] =	vst v63  }
0xd9: {  	_ =	swait.ge [sflag:s17], $0x1400  }
0xda: {  	[sflag:s17] =	ssyncset.done $0x0  }
0xdb: {  	[sflag:s17] =	ssyncadd.s32 $0xFFFFEC00  }
0xdc: {  	_ =	swait.ge [sflag:s31], $0x1400  }
0xdd: {  	[sflag:s31] =	ssyncset.done $0x0  }
0xde: {  	s6 =	simm.s32 $0x4F60;
	[sflag:s31] =	ssyncadd.s32 $0xFFFFEC00  }
0xdf: {  	[spmem:s1] =	stream.indirect.scatter.add.f32 [tilespmem:s26], [sflag:$0x5], $0x40, s6, s20, $0xb8;
	[tilespmem:$0x14000] =	vst v63  }
0xe0: {  	_ =	swait.ge [sflag:s17], $0x1400  }
0xe1: {  	[sflag:s17] =	ssyncset.done $0x0  }
0xe2: {  	[sflag:s17] =	ssyncadd.s32 $0xFFFFEC00  }
0xe3: {  	_ =	swait.ge [sflag:s0], $0x1400  }
0xe4: {  	[sflag:s0] =	ssyncset.done $0x0  }
0xe5: {  	s18 =	simm.s32 $0x4FB0;
	[sflag:s0] =	ssyncadd.s32 $0xFFFFEC00  }
0xe6: {  	[spmem:s1] =	stream.indirect.scatter.add.f32 [tilespmem:s28], [sflag:$0x5], $0x40, s18, s20, $0xb8;
	[tilespmem:$0x14000] =	vst v63  }
0xe7: {  	_ =	swait.ge [sflag:s17], $0x1400  }
0xe8: {  	[sflag:s17] =	ssyncset.done $0x0  }
0xe9: {  	[sflag:s17] =	ssyncadd.s32 $0xFFFFEC00  }
0xea: {  	s2 =	sadd.s32 @p0 $0x12840, s7;
	s3 =	simm.s32 @p0 $0x1FC5;
	[bflag:$0x0] =	sbarrier.arrive $0xFFFF  }
0xeb: {  	[hbm:s2], [sflag:s3] =	dma.local @p0 [spmem:s23], $0x1040  }
0xec: {  	s2 =	simm.s32 @p0 $0x5  }
0xed: {  	s3 =	stileid.u32;
	_ =	swait.ge @p0 [sflag:s2], $0x1040  }
0xee: {  	s22 =	sadd.s32 $0x1, s22;
	s3 =	sshll.u32 @!p0 s3, $0x6;
	[sflag:s2] =	ssyncset.done @p0 $0x0  }
0xef: {  	p1 =	sne.s32 s22, s9;
	[sflag:s2] =	ssyncadd.s32 @p0 $0xFFFFEFC0;
	s2 =	sor.u32 @!p0 $0x1C05, s3  }
0xf0: {  	[hbm:s24], [sflag:s2] =	dma.local @!p0 [spmem:s25], $0x13C0  }
.Ltmp2:
0xf1: {  	_ = 	snop;
	(pc) =	sbr.rel @p1 .LBB2_1-.Ltmp2, $4  }
0xf2: {  	s2 =	simm.s32 @!p0 $0x5  }
0xf3: {  	_ =	swait.ge @!p0 [sflag:s2], $0x13C0  }
0xf4: {  	[sflag:s2] =	ssyncset.done @!p0 $0x0  }
0xf5: {  	[sflag:s2] =	ssyncadd.s32 @!p0 $0xFFFFEC40  }
0xf6: {  	_ =	sfence.sel $0x180000  }
0xf7: {  	[bflag:$0x0] =	sbarrier.arrive $0xFFFF  }
0xf8: {  	_ =	strace $0x90000047  }
0xf9: {  	s0 =	stileid.u32;
	[bflag:$0x2] =	sbarrier.arrive $0xFFFF  }
0xfa: {  	p0 =	sne.s32 s0, $0x0;
	s0 =	rddreg [dreg:$0x3]  }
0xfb: {  	s0 =	sadd.s32 @!p0 $0x100000, s0  }
0xfc: {  	[sflag:s0] =	ssyncadd.tile.s32 @!p0 $0x1;
	_ =	shalt  }
.Lfunc_end2:
_tile_overlayer_lowered:
.L_overlay_start_2:
0xfd: {  	(tag) =	ssettag $0x2  }
0xfe: {  	s0 =	rddreg [dreg:$0x0];
	s2 =	stileid.u32  }
0xff: {  	s1 =	rddreg [dreg:$0x1];
	p0 =	sne.s32 s2, $0x0  }
0x100: {  	s3 =	rddreg [dreg:$0x2];
	[bflag:$0x3] =	sbarrier.arrive $0xFFFF;
	s2 =	simm.s32 @!p0 $0x1C05  }
0x101: {  	[timem:s3], [sflag:s2] =	dma.local @!p0 [hbm:s0], s1  }
0x102: {  	s0 =	simm.s32 @!p0 $0x5  }
0x103: {  	_ =	swait.ge @!p0 [sflag:s0], s1  }
0x104: {  	s1 =	ssub.s32 @!p0 $0x0, s1;
	[sflag:s0] =	ssyncset.done @!p0 $0x0  }
0x105: {  	[sflag:s0] =	ssyncadd.s32 @!p0 s1  }
0x106: {  	[bflag:$0x3] =	sbarrier.arrive $0xFFFF  }
0x107: {  	_ =	shalt  }

</sc_bundles>
